<compile_context>
chip_gen: v7x
topology: tpu7x:2x2x1
jax: 0.10.2.dev20260603
libtpu: 0.0.44.dev20260713+nightly
codegen_flags: <defaults>
</compile_context>

<pallas_src>
import functools

import jax
import jax.numpy as jnp
from jax import lax
from jax.experimental import pallas as pl
from jax.experimental.pallas import tpu as pltpu
from jax.experimental.pallas import tpu_sc as plsc

B = 16384
D = 32
NC = 2
NS = 16
NW = NC * NS
BPW = B // NW
GROUPS = BPW // 16


def _gmf_body(users_hbm, items_hbm, ut_hbm, it_hbm, w_hbm, b_hbm, out_hbm,
              uidx_v, iidx_v, win_v, uc_v, w_v, b_v, out_v,
              sem_u, sem_i):
    wid = lax.axis_index("s") * NC + lax.axis_index("c")
    base = wid * BPW

    pltpu.sync_copy(users_hbm.at[pl.ds(base, BPW)], uidx_v)
    pltpu.sync_copy(items_hbm.at[pl.ds(base, BPW)], iidx_v)
    pltpu.sync_copy(w_hbm, w_v)
    pltpu.sync_copy(b_hbm, b_v.at[pl.ds(0, 1)])

    wv0 = w_v[0, pl.ds(0, 16)]
    wv1 = w_v[0, pl.ds(16, 16)]
    bias = b_v[pl.ds(0, 16)][0]
    lane16 = lax.iota(jnp.int32, 16)

    def fire(tab_hbm, ivec, sem):
        copies = []
        for j in range(16):
            c = ivec[j]
            c128 = pl.multiple_of((c >> 7) << 7, 128)
            copies.append(pltpu.async_copy(
                tab_hbm.at[:, pl.ds(c128, 128)], win_v.at[j], sem))
        return copies

    def group(g, carry):
        iv_u = uidx_v[pl.ds(g * 16, 16)]
        iv_i = iidx_v[pl.ds(g * 16, 16)]
        lv_u = iv_u & 127
        lv_i = iv_i & 127

        for cp in fire(ut_hbm, iv_u, sem_u):
            cp.wait()
        for d in range(D):
            dsplat = jnp.full((16,), d, jnp.int32)
            uc_v[d] = plsc.load_gather(win_v, [lane16, dsplat, lv_u])

        for cp in fire(it_hbm, iv_i, sem_i):
            cp.wait()
        acc = jnp.full((16,), bias, jnp.float32)
        for d in range(D):
            dsplat = jnp.full((16,), d, jnp.int32)
            i_d = plsc.load_gather(win_v, [lane16, dsplat, lv_i])
            wd = wv0[d] if d < 16 else wv1[d - 16]
            acc = acc + (uc_v[d] * i_d) * wd
        out_v[pl.ds(g * 16, 16)] = acc
        return carry

    lax.fori_loop(0, GROUPS, group, 0)

    pltpu.sync_copy(out_v, out_hbm.at[pl.ds(base, BPW)])


@jax.jit
def _gmf(users, items, user_table, item_table, W, b):
    mesh = plsc.VectorSubcoreMesh(core_axis_name="c", subcore_axis_name="s")
    f = pl.kernel(
        _gmf_body,
        out_type=jax.ShapeDtypeStruct((B,), jnp.float32),
        mesh=mesh,
        scratch_types=[
            pltpu.VMEM((BPW,), jnp.int32),
            pltpu.VMEM((BPW,), jnp.int32),
            pltpu.VMEM((16, D, 128), jnp.float32),
            pltpu.VMEM((D, 16), jnp.float32),
            pltpu.VMEM((1, D), jnp.float32),
            pltpu.VMEM((16,), jnp.float32),
            pltpu.VMEM((BPW,), jnp.float32),
            pltpu.SemaphoreType.DMA,
            pltpu.SemaphoreType.DMA,
        ],
        compiler_params=pltpu.CompilerParams(needs_layout_passes=False),
    )
    return f(users, items, user_table.T, item_table.T, W, b)


def kernel(users, items, user_table, item_table, W, b):
    return _gmf(users, items, user_table, item_table, W, b)

# --- scband reference (transcript-rebuilt; emitter-appended) ---
"""Pipeline reference for scband-gmf-2181843387076 (READ-ONLY COPY).

The authoritative reference and input builder live on the scoring server;
editing this copy changes nothing except your own understanding.
"""

import jax, jax.numpy as jnp
import numpy as np

NUM_USERS = 1000000
NUM_ITEMS = 1000000
LATENT_DIM = 32
BATCH = 16384


def setup_inputs(seed: int = 0) -> dict:
    key = jax.random.key(seed)
    k_u, k_i, k_ue, k_ie, k_w, k_b = jax.random.split(key, 6)
    users = jax.random.randint(k_u, (BATCH,), 0, NUM_USERS, dtype=jnp.int64 if jax.config.jax_enable_x64 else jnp.int32).astype(jnp.int32)
    items = jax.random.randint(k_i, (BATCH,), 0, NUM_ITEMS, dtype=jnp.int32)
    user_table = 0.01 * jax.random.normal(k_ue, (NUM_USERS + 1, LATENT_DIM), dtype=jnp.float32)
    item_table = 0.01 * jax.random.normal(k_ie, (NUM_ITEMS + 1, LATENT_DIM), dtype=jnp.float32)
    # kaiming_uniform with a=1: bound = sqrt(6 / ((1 + a^2) * fan_in)) = sqrt(3 / fan_in)
    bound_w = float(np.sqrt(3.0 / LATENT_DIM))
    W = jax.random.uniform(k_w, (1, LATENT_DIM), dtype=jnp.float32, minval=-bound_w, maxval=bound_w)
    bound_b = float(1.0 / np.sqrt(LATENT_DIM))
    b = jax.random.uniform(k_b, (1,), dtype=jnp.float32, minval=-bound_b, maxval=bound_b)
    return {"users": users, "items": items, "user_table": user_table, "item_table": item_table, "W": W, "b": b}


def reference(users, items, user_table, item_table, W, b):
    u = jnp.take(user_table, users, axis=0)          # [B, D] gather
    i = jnp.take(item_table, items, axis=0)          # [B, D] gather
    vec = u * i                                      # elementwise GMF interaction
    out = vec @ W.T + b                              # [B, 1] linear prediction
    return out.reshape(-1)

if __name__ == "__main__":
    import jax
    _d = setup_inputs()
    print(jax.jit(kernel)(*tuple(_d.values())))

</pallas_src>

<mosaic_0001>
#map = affine_map<(d0, d1) -> (0)>
#map1 = affine_map<(d0, d1) -> (0, 0)>
module attributes {stable_mosaic.version = 14 : i64} {
  func.func @_gmf_body(%arg0: i32, %arg1: i32, %arg2: memref<16384xi32, #tpu.memory_space<hbm>>, %arg3: memref<16384xi32, #tpu.memory_space<hbm>>, %arg4: memref<32x1000001xf32, #tpu.memory_space<hbm>>, %arg5: memref<32x1000001xf32, #tpu.memory_space<hbm>>, %arg6: memref<1x32xf32, #tpu.memory_space<hbm>>, %arg7: memref<1xf32, #tpu.memory_space<hbm>>, %arg8: memref<16384xf32, #tpu.memory_space<hbm>>, %arg9: memref<512xi32, #tpu.memory_space<vmem>>, %arg10: memref<512xi32, #tpu.memory_space<vmem>>, %arg11: memref<16x32x128xf32, #tpu.memory_space<vmem>>, %arg12: memref<32x16xf32, #tpu.memory_space<vmem>>, %arg13: memref<1x32xf32, #tpu.memory_space<vmem>>, %arg14: memref<16xf32, #tpu.memory_space<vmem>>, %arg15: memref<512xf32, #tpu.memory_space<vmem>>, %arg16: memref<!tpu.dma_semaphore, #tpu.memory_space<semaphore_mem>>, %arg17: memref<!tpu.dma_semaphore, #tpu.memory_space<semaphore_mem>>) attributes {dimension_semantics = [#tpu.dimension_semantics<core_parallel>, #tpu.dimension_semantics<subcore_parallel>], iteration_bounds = array<i64: 2, 16>, scalar_prefetch = 0 : i64, scratch_operands = 9 : i64, tpu.core_type = #tpu.core_type<sc_vector_subcore>, window_params = [{transform_indices = #map}, {transform_indices = #map}, {transform_indices = #map1}, {transform_indices = #map1}, {transform_indices = #map1}, {transform_indices = #map}, {transform_indices = #map}]} {
    %mul3A = arith.constant 2 : i32
    %mul3A_0 = arith.muli %arg1, %mul3A : i32
    %add3A = arith.addi %mul3A_0, %arg0 : i32
    %mul3A_1 = arith.constant 512 : i32
    %mul3A_2 = arith.muli %add3A, %mul3A_1 : i32
    "tpu.region"() ({
      %run_scoped3A = tpu.sem_alloc : memref<!tpu.dma_semaphore, #tpu.memory_space<semaphore_mem>>
      %dma_start3A = tpu.memref_slice %arg2[%mul3A_2] : memref<16384xi32, #tpu.memory_space<hbm>> -> memref<512xi32, #tpu.memory_space<hbm>>
      %dma_start3A_17 = tpu.memref_slice %arg2[%mul3A_2] : memref<16384xi32, #tpu.memory_space<hbm>> -> memref<512xi32, #tpu.memory_space<hbm>>
      tpu.enqueue_dma source(%dma_start3A_17 : memref<512xi32, #tpu.memory_space<hbm>>) target(%arg9 : memref<512xi32, #tpu.memory_space<vmem>>) target_semaphore(%run_scoped3A : memref<!tpu.dma_semaphore, #tpu.memory_space<semaphore_mem>>)
      %dma_wait3A = tpu.memref_slice %arg2[%mul3A_2] : memref<16384xi32, #tpu.memory_space<hbm>> -> memref<512xi32, #tpu.memory_space<hbm>>
      %dma_wait3A_18 = tpu.memref_slice %arg2[%mul3A_2] : memref<16384xi32, #tpu.memory_space<hbm>> -> memref<512xi32, #tpu.memory_space<hbm>>
      tpu.wait_dma2 semaphore(%run_scoped3A : memref<!tpu.dma_semaphore, #tpu.memory_space<semaphore_mem>>) src(%dma_wait3A_18 : memref<512xi32, #tpu.memory_space<hbm>>) dst(%arg9 : memref<512xi32, #tpu.memory_space<vmem>>)
      tpu.yield
    }) : () -> ()
    "tpu.region"() ({
      %run_scoped3A = tpu.sem_alloc : memref<!tpu.dma_semaphore, #tpu.memory_space<semaphore_mem>>
      %dma_start3A = tpu.memref_slice %arg3[%mul3A_2] : memref<16384xi32, #tpu.memory_space<hbm>> -> memref<512xi32, #tpu.memory_space<hbm>>
      %dma_start3A_17 = tpu.memref_slice %arg3[%mul3A_2] : memref<16384xi32, #tpu.memory_space<hbm>> -> memref<512xi32, #tpu.memory_space<hbm>>
      tpu.enqueue_dma source(%dma_start3A_17 : memref<512xi32, #tpu.memory_space<hbm>>) target(%arg10 : memref<512xi32, #tpu.memory_space<vmem>>) target_semaphore(%run_scoped3A : memref<!tpu.dma_semaphore, #tpu.memory_space<semaphore_mem>>)
      %dma_wait3A = tpu.memref_slice %arg3[%mul3A_2] : memref<16384xi32, #tpu.memory_space<hbm>> -> memref<512xi32, #tpu.memory_space<hbm>>
      %dma_wait3A_18 = tpu.memref_slice %arg3[%mul3A_2] : memref<16384xi32, #tpu.memory_space<hbm>> -> memref<512xi32, #tpu.memory_space<hbm>>
      tpu.wait_dma2 semaphore(%run_scoped3A : memref<!tpu.dma_semaphore, #tpu.memory_space<semaphore_mem>>) src(%dma_wait3A_18 : memref<512xi32, #tpu.memory_space<hbm>>) dst(%arg10 : memref<512xi32, #tpu.memory_space<vmem>>)
      tpu.yield
    }) : () -> ()
    "tpu.region"() ({
      %run_scoped3A = tpu.sem_alloc : memref<!tpu.dma_semaphore, #tpu.memory_space<semaphore_mem>>
      tpu.enqueue_dma source(%arg6 : memref<1x32xf32, #tpu.memory_space<hbm>>) target(%arg13 : memref<1x32xf32, #tpu.memory_space<vmem>>) target_semaphore(%run_scoped3A : memref<!tpu.dma_semaphore, #tpu.memory_space<semaphore_mem>>)
      tpu.wait_dma2 semaphore(%run_scoped3A : memref<!tpu.dma_semaphore, #tpu.memory_space<semaphore_mem>>) src(%arg6 : memref<1x32xf32, #tpu.memory_space<hbm>>) dst(%arg13 : memref<1x32xf32, #tpu.memory_space<vmem>>)
      tpu.yield
    }) : () -> ()
    "tpu.region"() ({
      %run_scoped3A = tpu.sem_alloc : memref<!tpu.dma_semaphore, #tpu.memory_space<semaphore_mem>>
      %dma_start3A = arith.constant 0 : i32
      %dma_start3A_17 = tpu.memref_slice %arg14[%dma_start3A] : memref<16xf32, #tpu.memory_space<vmem>> -> memref<1xf32, #tpu.memory_space<vmem>>
      %dma_start3A_18 = arith.constant 0 : i32
      %dma_start3A_19 = tpu.memref_slice %arg14[%dma_start3A_18] : memref<16xf32, #tpu.memory_space<vmem>> -> memref<1xf32, #tpu.memory_space<vmem>>
      tpu.enqueue_dma source(%arg7 : memref<1xf32, #tpu.memory_space<hbm>>) target(%dma_start3A_19 : memref<1xf32, #tpu.memory_space<vmem>>) target_semaphore(%run_scoped3A : memref<!tpu.dma_semaphore, #tpu.memory_space<semaphore_mem>>)
      %dma_wait3A = arith.constant 0 : i32
      %dma_wait3A_20 = tpu.memref_slice %arg14[%dma_wait3A] : memref<16xf32, #tpu.memory_space<vmem>> -> memref<1xf32, #tpu.memory_space<vmem>>
      %dma_wait3A_21 = arith.constant 0 : i32
      %dma_wait3A_22 = tpu.memref_slice %arg14[%dma_wait3A_21] : memref<16xf32, #tpu.memory_space<vmem>> -> memref<1xf32, #tpu.memory_space<vmem>>
      tpu.wait_dma2 semaphore(%run_scoped3A : memref<!tpu.dma_semaphore, #tpu.memory_space<semaphore_mem>>) src(%arg7 : memref<1xf32, #tpu.memory_space<hbm>>) dst(%dma_wait3A_22 : memref<1xf32, #tpu.memory_space<vmem>>)
      tpu.yield
    }) : () -> ()
    %get3A = arith.constant 0 : i32
    %get3A_3 = arith.index_cast %get3A : i32 to index
    %get3A_4 = arith.constant 0 : index
    %get3A_5 = tpu.vector_load %arg13[%get3A_3, %get3A_4] {strides = array<i32>} : memref<1x32xf32, #tpu.memory_space<vmem>>, vector<16xf32>,
    %get3A_6 = arith.constant 0 : i32
    %get3A_7 = arith.index_cast %get3A_6 : i32 to index
    %get3A_8 = arith.constant 16 : index
    %get3A_9 = tpu.vector_load %arg13[%get3A_7, %get3A_8] {strides = array<i32>} : memref<1x32xf32, #tpu.memory_space<vmem>>, vector<16xf32>,
    %get3A_10 = arith.constant 0 : index
    %get3A_11 = tpu.vector_load %arg14[%get3A_10] {strides = array<i32>} : memref<16xf32, #tpu.memory_space<vmem>>, vector<16xf32>,
    %slice3A = vector.extract_strided_slice %get3A_11 {offsets = [0], sizes = [1], strides = [1]} : vector<16xf32> to vector<1xf32>
    %squeeze3A = vector.extract %slice3A[0] : f32 from vector<1xf32>
    %iota3A = tpu.iota {dimensions = array<i32: 0>} : vector<16xi32>
    %scan3A = arith.constant 0 : i32
    %scan3A_12 = arith.constant 0 : i32
    %scan3A_13 = arith.constant 32 : i32
    %scan3A_14 = arith.addi %scan3A_12, %scan3A_13 : i32
    %scan3A_15 = arith.constant 1 : i32
    scf.for %scan3A_17 = %scan3A_12 to %scan3A_14 step %scan3A_15  : i32 {
      %mul3A_18 = arith.constant 16 : i32
      %mul3A_19 = arith.muli %scan3A_17, %mul3A_18 : i32
      %get3A_20 = arith.index_cast %mul3A_19 : i32 to index
      %get3A_21 = tpu.vector_load %arg9[%get3A_20] {strides = array<i32>} : memref<512xi32, #tpu.memory_space<vmem>>, vector<16xi32>,
      %mul3A_22 = arith.constant 16 : i32
      %mul3A_23 = arith.muli %scan3A_17, %mul3A_22 : i32
      %get3A_24 = arith.index_cast %mul3A_23 : i32 to index
      %get3A_25 = tpu.vector_load %arg10[%get3A_24] {strides = array<i32>} : memref<512xi32, #tpu.memory_space<vmem>>, vector<16xi32>,
      %and3A = arith.constant 127 : i32
      %and3A_26 = vector.broadcast %and3A : i32 to vector<16xi32>
      %and3A_27 = arith.andi %get3A_21, %and3A_26 : vector<16xi32>
      %and3A_28 = arith.constant 127 : i32
      %and3A_29 = vector.broadcast %and3A_28 : i32 to vector<16xi32>
      %and3A_30 = arith.andi %get3A_25, %and3A_29 : vector<16xi32>
      %slice3A_31 = vector.extract_strided_slice %get3A_21 {offsets = [0], sizes = [1], strides = [1]} : vector<16xi32> to vector<1xi32>
      %squeeze3A_32 = vector.extract %slice3A_31[0] : i32 from vector<1xi32>
      %shift_right_arithmetic3A = arith.constant 7 : i32
      %shift_right_arithmetic3A_33 = arith.shrsi %squeeze3A_32, %shift_right_arithmetic3A : i32
      %shift_left3A = arith.constant 7 : i32
      %shift_left3A_34 = arith.shli %shift_right_arithmetic3A_33, %shift_left3A : i32
      %multiple_of3A = tpu.assume_multiple %shift_left3A_34, 128 : i32
      %dma_start3A = arith.constant 0 : i32
      %dma_start3A_35 = arith.constant 0 : i32
      %dma_start3A_36 = arith.constant 0 : i32
      %dma_start3A_37 = tpu.memref_slice %arg11[%dma_start3A, %dma_start3A_35, %dma_start3A_36] : memref<16x32x128xf32, #tpu.memory_space<vmem>> -> memref<1x32x128xf32, #tpu.memory_space<vmem>>
      %dma_start3A_38 = tpu.memref_squeeze %dma_start3A_37 : memref<1x32x128xf32, #tpu.memory_space<vmem>> -> memref<32x128xf32, #tpu.memory_space<vmem>>
      %dma_start3A_39 = arith.constant 0 : i32
      %dma_start3A_40 = tpu.memref_slice %arg4[%dma_start3A_39, %multiple_of3A] : memref<32x1000001xf32, #tpu.memory_space<hbm>> -> memref<32x128xf32, #tpu.memory_space<hbm>>
      %dma_start3A_41 = arith.constant 0 : i32
      %dma_start3A_42 = arith.constant 0 : i32
      %dma_start3A_43 = tpu.memref_slice %arg11[%dma_start3A, %dma_start3A_41, %dma_start3A_42] : memref<16x32x128xf32, #tpu.memory_space<vmem>> -> memref<1x32x128xf32, #tpu.memory_space<vmem>>
      %dma_start3A_44 = tpu.memref_squeeze %dma_start3A_43 : memref<1x32x128xf32, #tpu.memory_space<vmem>> -> memref<32x128xf32, #tpu.memory_space<vmem>>
      %dma_start3A_45 = arith.constant 0 : i32
      %dma_start3A_46 = tpu.memref_slice %arg4[%dma_start3A_45, %multiple_of3A] : memref<32x1000001xf32, #tpu.memory_space<hbm>> -> memref<32x128xf32, #tpu.memory_space<hbm>>
      tpu.enqueue_dma source(%dma_start3A_46 : memref<32x128xf32, #tpu.memory_space<hbm>>) target(%dma_start3A_44 : memref<32x128xf32, #tpu.memory_space<vmem>>) target_semaphore(%arg16 : memref<!tpu.dma_semaphore, #tpu.memory_space<semaphore_mem>>)
      %slice3A_47 = vector.extract_strided_slice %get3A_21 {offsets = [1], sizes = [1], strides = [1]} : vector<16xi32> to vector<1xi32>
      %squeeze3A_48 = vector.extract %slice3A_47[0] : i32 from vector<1xi32>
      %shift_right_arithmetic3A_49 = arith.constant 7 : i32
      %shift_right_arithmetic3A_50 = arith.shrsi %squeeze3A_48, %shift_right_arithmetic3A_49 : i32
      %shift_left3A_51 = arith.constant 7 : i32
      %shift_left3A_52 = arith.shli %shift_right_arithmetic3A_50, %shift_left3A_51 : i32
      %multiple_of3A_53 = tpu.assume_multiple %shift_left3A_52, 128 : i32
      %dma_start3A_54 = arith.constant 1 : i32
      %dma_start3A_55 = arith.constant 0 : i32
      %dma_start3A_56 = arith.constant 0 : i32
      %dma_start3A_57 = tpu.memref_slice %arg11[%dma_start3A_54, %dma_start3A_55, %dma_start3A_56] : memref<16x32x128xf32, #tpu.memory_space<vmem>> -> memref<1x32x128xf32, #tpu.memory_space<vmem>>
      %dma_start3A_58 = tpu.memref_squeeze %dma_start3A_57 : memref<1x32x128xf32, #tpu.memory_space<vmem>> -> memref<32x128xf32, #tpu.memory_space<vmem>>
      %dma_start3A_59 = arith.constant 0 : i32
      %dma_start3A_60 = tpu.memref_slice %arg4[%dma_start3A_59, %multiple_of3A_53] : memref<32x1000001xf32, #tpu.memory_space<hbm>> -> memref<32x128xf32, #tpu.memory_space<hbm>>
      %dma_start3A_61 = arith.constant 0 : i32
      %dma_start3A_62 = arith.constant 0 : i32
      %dma_start3A_63 = tpu.memref_slice %arg11[%dma_start3A_54, %dma_start3A_61, %dma_start3A_62] : memref<16x32x128xf32, #tpu.memory_space<vmem>> -> memref<1x32x128xf32, #tpu.memory_space<vmem>>
      %dma_start3A_64 = tpu.memref_squeeze %dma_start3A_63 : memref<1x32x128xf32, #tpu.memory_space<vmem>> -> memref<32x128xf32, #tpu.memory_space<vmem>>
      %dma_start3A_65 = arith.constant 0 : i32
      %dma_start3A_66 = tpu.memref_slice %arg4[%dma_start3A_65, %multiple_of3A_53] : memref<32x1000001xf32, #tpu.memory_space<hbm>> -> memref<32x128xf32, #tpu.memory_space<hbm>>
      tpu.enqueue_dma source(%dma_start3A_66 : memref<32x128xf32, #tpu.memory_space<hbm>>) target(%dma_start3A_64 : memref<32x128xf32, #tpu.memory_space<vmem>>) target_semaphore(%arg16 : memref<!tpu.dma_semaphore, #tpu.memory_space<semaphore_mem>>)
      %slice3A_67 = vector.extract_strided_slice %get3A_21 {offsets = [2], sizes = [1], strides = [1]} : vector<16xi32> to vector<1xi32>
      %squeeze3A_68 = vector.extract %slice3A_67[0] : i32 from vector<1xi32>
      %shift_right_arithmetic3A_69 = arith.constant 7 : i32
      %shift_right_arithmetic3A_70 = arith.shrsi %squeeze3A_68, %shift_right_arithmetic3A_69 : i32
      %shift_left3A_71 = arith.constant 7 : i32
      %shift_left3A_72 = arith.shli %shift_right_arithmetic3A_70, %shift_left3A_71 : i32
      %multiple_of3A_73 = tpu.assume_multiple %shift_left3A_72, 128 : i32
      %dma_start3A_74 = arith.constant 2 : i32
      %dma_start3A_75 = arith.constant 0 : i32
      %dma_start3A_76 = arith.constant 0 : i32
      %dma_start3A_77 = tpu.memref_slice %arg11[%dma_start3A_74, %dma_start3A_75, %dma_start3A_76] : memref<16x32x128xf32, #tpu.memory_space<vmem>> -> memref<1x32x128xf32, #tpu.memory_space<vmem>>
      %dma_start3A_78 = tpu.memref_squeeze %dma_start3A_77 : memref<1x32x128xf32, #tpu.memory_space<vmem>> -> memref<32x128xf32, #tpu.memory_space<vmem>>
      %dma_start3A_79 = arith.constant 0 : i32
      %dma_start3A_80 = tpu.memref_slice %arg4[%dma_start3A_79, %multiple_of3A_73] : memref<32x1000001xf32, #tpu.memory_space<hbm>> -> memref<32x128xf32, #tpu.memory_space<hbm>>
      %dma_start3A_81 = arith.constant 0 : i32
      %dma_start3A_82 = arith.constant 0 : i32
      %dma_start3A_83 = tpu.memref_slice %arg11[%dma_start3A_74, %dma_start3A_81, %dma_start3A_82] : memref<16x32x128xf32, #tpu.memory_space<vmem>> -> memref<1x32x128xf32, #tpu.memory_space<vmem>>
      %dma_start3A_84 = tpu.memref_squeeze %dma_start3A_83 : memref<1x32x128xf32, #tpu.memory_space<vmem>> -> memref<32x128xf32, #tpu.memory_space<vmem>>
      %dma_start3A_85 = arith.constant 0 : i32
      %dma_start3A_86 = tpu.memref_slice %arg4[%dma_start3A_85, %multiple_of3A_73] : memref<32x1000001xf32, #tpu.memory_space<hbm>> -> memref<32x128xf32, #tpu.memory_space<hbm>>
      tpu.enqueue_dma source(%dma_start3A_86 : memref<32x128xf32, #tpu.memory_space<hbm>>) target(%dma_start3A_84 : memref<32x128xf32, #tpu.memory_space<vmem>>) target_semaphore(%arg16 : memref<!tpu.dma_semaphore, #tpu.memory_space<semaphore_mem>>)
      %slice3A_87 = vector.extract_strided_slice %get3A_21 {offsets = [3], sizes = [1], strides = [1]} : vector<16xi32> to vector<1xi32>
      %squeeze3A_88 = vector.extract %slice3A_87[0] : i32 from vector<1xi32>
      %shift_right_arithmetic3A_89 = arith.constant 7 : i32
      %shift_right_arithmetic3A_90 = arith.shrsi %squeeze3A_88, %shift_right_arithmetic3A_89 : i32
      %shift_left3A_91 = arith.constant 7 : i32
      %shift_left3A_92 = arith.shli %shift_right_arithmetic3A_90, %shift_left3A_91 : i32
      %multiple_of3A_93 = tpu.assume_multiple %shift_left3A_92, 128 : i32
      %dma_start3A_94 = arith.constant 3 : i32
      %dma_start3A_95 = arith.constant 0 : i32
      %dma_start3A_96 = arith.constant 0 : i32
      %dma_start3A_97 = tpu.memref_slice %arg11[%dma_start3A_94, %dma_start3A_95, %dma_start3A_96] : memref<16x32x128xf32, #tpu.memory_space<vmem>> -> memref<1x32x128xf32, #tpu.memory_space<vmem>>
      %dma_start3A_98 = tpu.memref_squeeze %dma_start3A_97 : memref<1x32x128xf32, #tpu.memory_space<vmem>> -> memref<32x128xf32, #tpu.memory_space<vmem>>
      %dma_start3A_99 = arith.constant 0 : i32
      %dma_start3A_100 = tpu.memref_slice %arg4[%dma_start3A_99, %multiple_of3A_93] : memref<32x1000001xf32, #tpu.memory_space<hbm>> -> memref<32x128xf32, #tpu.memory_space<hbm>>
      %dma_start3A_101 = arith.constant 0 : i32
      %dma_start3A_102 = arith.constant 0 : i32
      %dma_start3A_103 = tpu.memref_slice %arg11[%dma_start3A_94, %dma_start3A_101, %dma_start3A_102] : memref<16x32x128xf32, #tpu.memory_space<vmem>> -> memref<1x32x128xf32, #tpu.memory_space<vmem>>
      %dma_start3A_104 = tpu.memref_squeeze %dma_start3A_103 : memref<1x32x128xf32, #tpu.memory_space<vmem>> -> memref<32x128xf32, #tpu.memory_space<vmem>>
      %dma_start3A_105 = arith.constant 0 : i32
      %dma_start3A_106 = tpu.memref_slice %arg4[%dma_start3A_105, %multiple_of3A_93] : memref<32x1000001xf32, #tpu.memory_space<hbm>> -> memref<32x128xf32, #tpu.memory_space<hbm>>
      tpu.enqueue_dma source(%dma_start3A_106 : memref<32x128xf32, #tpu.memory_space<hbm>>) target(%dma_start3A_104 : memref<32x128xf32, #tpu.memory_space<vmem>>) target_semaphore(%arg16 : memref<!tpu.dma_semaphore, #tpu.memory_space<semaphore_mem>>)
      %slice3A_107 = vector.extract_strided_slice %get3A_21 {offsets = [4], sizes = [1], strides = [1]} : vector<16xi32> to vector<1xi32>
      %squeeze3A_108 = vector.extract %slice3A_107[0] : i32 from vector<1xi32>
      %shift_right_arithmetic3A_109 = arith.constant 7 : i32
      %shift_right_arithmetic3A_110 = arith.shrsi %squeeze3A_108, %shift_right_arithmetic3A_109 : i32
      %shift_left3A_111 = arith.constant 7 : i32
      %shift_left3A_112 = arith.shli %shift_right_arithmetic3A_110, %shift_left3A_111 : i32
      %multiple_of3A_113 = tpu.assume_multiple %shift_left3A_112, 128 : i32
      %dma_start3A_114 = arith.constant 4 : i32
      %dma_start3A_115 = arith.constant 0 : i32
      %dma_start3A_116 = arith.constant 0 : i32
      %dma_start3A_117 = tpu.memref_slice %arg11[%dma_start3A_114, %dma_start3A_115, %dma_start3A_116] : memref<16x32x128xf32, #tpu.memory_space<vmem>> -> memref<1x32x128xf32, #tpu.memory_space<vmem>>
      %dma_start3A_118 = tpu.memref_squeeze %dma_start3A_117 : memref<1x32x128xf32, #tpu.memory_space<vmem>> -> memref<32x128xf32, #tpu.memory_space<vmem>>
      %dma_start3A_119 = arith.constant 0 : i32
      %dma_start3A_120 = tpu.memref_slice %arg4[%dma_start3A_119, %multiple_of3A_113] : memref<32x1000001xf32, #tpu.memory_space<hbm>> -> memref<32x128xf32, #tpu.memory_space<hbm>>
      %dma_start3A_121 = arith.constant 0 : i32
      %dma_start3A_122 = arith.constant 0 : i32
      %dma_start3A_123 = tpu.memref_slice %arg11[%dma_start3A_114, %dma_start3A_121, %dma_start3A_122] : memref<16x32x128xf32, #tpu.memory_space<vmem>> -> memref<1x32x128xf32, #tpu.memory_space<vmem>>
      %dma_start3A_124 = tpu.memref_squeeze %dma_start3A_123 : memref<1x32x128xf32, #tpu.memory_space<vmem>> -> memref<32x128xf32, #tpu.memory_space<vmem>>
      %dma_start3A_125 = arith.constant 0 : i32
      %dma_start3A_126 = tpu.memref_slice %arg4[%dma_start3A_125, %multiple_of3A_113] : memref<32x1000001xf32, #tpu.memory_space<hbm>> -> memref<32x128xf32, #tpu.memory_space<hbm>>
      tpu.enqueue_dma source(%dma_start3A_126 : memref<32x128xf32, #tpu.memory_space<hbm>>) target(%dma_start3A_124 : memref<32x128xf32, #tpu.memory_space<vmem>>) target_semaphore(%arg16 : memref<!tpu.dma_semaphore, #tpu.memory_space<semaphore_mem>>)
      %slice3A_127 = vector.extract_strided_slice %get3A_21 {offsets = [5], sizes = [1], strides = [1]} : vector<16xi32> to vector<1xi32>
      %squeeze3A_128 = vector.extract %slice3A_127[0] : i32 from vector<1xi32>
      %shift_right_arithmetic3A_129 = arith.constant 7 : i32
      %shift_right_arithmetic3A_130 = arith.shrsi %squeeze3A_128, %shift_right_arithmetic3A_129 : i32
      %shift_left3A_131 = arith.constant 7 : i32
      %shift_left3A_132 = arith.shli %shift_right_arithmetic3A_130, %shift_left3A_131 : i32
      %multiple_of3A_133 = tpu.assume_multiple %shift_left3A_132, 128 : i32
      %dma_start3A_134 = arith.constant 5 : i32
      %dma_start3A_135 = arith.constant 0 : i32
      %dma_start3A_136 = arith.constant 0 : i32
      %dma_start3A_137 = tpu.memref_slice %arg11[%dma_start3A_134, %dma_start3A_135, %dma_start3A_136] : memref<16x32x128xf32, #tpu.memory_space<vmem>> -> memref<1x32x128xf32, #tpu.memory_space<vmem>>
      %dma_start3A_138 = tpu.memref_squeeze %dma_start3A_137 : memref<1x32x128xf32, #tpu.memory_space<vmem>> -> memref<32x128xf32, #tpu.memory_space<vmem>>
      %dma_start3A_139 = arith.constant 0 : i32
      %dma_start3A_140 = tpu.memref_slice %arg4[%dma_start3A_139, %multiple_of3A_133] : memref<32x1000001xf32, #tpu.memory_space<hbm>> -> memref<32x128xf32, #tpu.memory_space<hbm>>
      %dma_start3A_141 = arith.constant 0 : i32
      %dma_start3A_142 = arith.constant 0 : i32
      %dma_start3A_143 = tpu.memref_slice %arg11[%dma_start3A_134, %dma_start3A_141, %dma_start3A_142] : memref<16x32x128xf32, #tpu.memory_space<vmem>> -> memref<1x32x128xf32, #tpu.memory_space<vmem>>
      %dma_start3A_144 = tpu.memref_squeeze %dma_start3A_143 : memref<1x32x128xf32, #tpu.memory_space<vmem>> -> memref<32x128xf32, #tpu.memory_space<vmem>>
      %dma_start3A_145 = arith.constant 0 : i32
      %dma_start3A_146 = tpu.memref_slice %arg4[%dma_start3A_145, %multiple_of3A_133] : memref<32x1000001xf32, #tpu.memory_space<hbm>> -> memref<32x128xf32, #tpu.memory_space<hbm>>
      tpu.enqueue_dma source(%dma_start3A_146 : memref<32x128xf32, #tpu.memory_space<hbm>>) target(%dma_start3A_144 : memref<32x128xf32, #tpu.memory_space<vmem>>) target_semaphore(%arg16 : memref<!tpu.dma_semaphore, #tpu.memory_space<semaphore_mem>>)
      %slice3A_147 = vector.extract_strided_slice %get3A_21 {offsets = [6], sizes = [1], strides = [1]} : vector<16xi32> to vector<1xi32>
      %squeeze3A_148 = vector.extract %slice3A_147[0] : i32 from vector<1xi32>
      %shift_right_arithmetic3A_149 = arith.constant 7 : i32
      %shift_right_arithmetic3A_150 = arith.shrsi %squeeze3A_148, %shift_right_arithmetic3A_149 : i32
      %shift_left3A_151 = arith.constant 7 : i32
      %shift_left3A_152 = arith.shli %shift_right_arithmetic3A_150, %shift_left3A_151 : i32
      %multiple_of3A_153 = tpu.assume_multiple %shift_left3A_152, 128 : i32
      %dma_start3A_154 = arith.constant 6 : i32
      %dma_start3A_155 = arith.constant 0 : i32
      %dma_start3A_156 = arith.constant 0 : i32
      %dma_start3A_157 = tpu.memref_slice %arg11[%dma_start3A_154, %dma_start3A_155, %dma_start3A_156] : memref<16x32x128xf32, #tpu.memory_space<vmem>> -> memref<1x32x128xf32, #tpu.memory_space<vmem>>
      %dma_start3A_158 = tpu.memref_squeeze %dma_start3A_157 : memref<1x32x128xf32, #tpu.memory_space<vmem>> -> memref<32x128xf32, #tpu.memory_space<vmem>>
      %dma_start3A_159 = arith.constant 0 : i32
      %dma_start3A_160 = tpu.memref_slice %arg4[%dma_start3A_159, %multiple_of3A_153] : memref<32x1000001xf32, #tpu.memory_space<hbm>> -> memref<32x128xf32, #tpu.memory_space<hbm>>
      %dma_start3A_161 = arith.constant 0 : i32
      %dma_start3A_162 = arith.constant 0 : i32
      %dma_start3A_163 = tpu.memref_slice %arg11[%dma_start3A_154, %dma_start3A_161, %dma_start3A_162] : memref<16x32x128xf32, #tpu.memory_space<vmem>> -> memref<1x32x128xf32, #tpu.memory_space<vmem>>
      %dma_start3A_164 = tpu.memref_squeeze %dma_start3A_163 : memref<1x32x128xf32, #tpu.memory_space<vmem>> -> memref<32x128xf32, #tpu.memory_space<vmem>>
      %dma_start3A_165 = arith.constant 0 : i32
      %dma_start3A_166 = tpu.memref_slice %arg4[%dma_start3A_165, %multiple_of3A_153] : memref<32x1000001xf32, #tpu.memory_space<hbm>> -> memref<32x128xf32, #tpu.memory_space<hbm>>
      tpu.enqueue_dma source(%dma_start3A_166 : memref<32x128xf32, #tpu.memory_space<hbm>>) target(%dma_start3A_164 : memref<32x128xf32, #tpu.memory_space<vmem>>) target_semaphore(%arg16 : memref<!tpu.dma_semaphore, #tpu.memory_space<semaphore_mem>>)
      %slice3A_167 = vector.extract_strided_slice %get3A_21 {offsets = [7], sizes = [1], strides = [1]} : vector<16xi32> to vector<1xi32>
      %squeeze3A_168 = vector.extract %slice3A_167[0] : i32 from vector<1xi32>
      %shift_right_arithmetic3A_169 = arith.constant 7 : i32
      %shift_right_arithmetic3A_170 = arith.shrsi %squeeze3A_168, %shift_right_arithmetic3A_169 : i32
      %shift_left3A_171 = arith.constant 7 : i32
      %shift_left3A_172 = arith.shli %shift_right_arithmetic3A_170, %shift_left3A_171 : i32
      %multiple_of3A_173 = tpu.assume_multiple %shift_left3A_172, 128 : i32
      %dma_start3A_174 = arith.constant 7 : i32
      %dma_start3A_175 = arith.constant 0 : i32
      %dma_start3A_176 = arith.constant 0 : i32
      %dma_start3A_177 = tpu.memref_slice %arg11[%dma_start3A_174, %dma_start3A_175, %dma_start3A_176] : memref<16x32x128xf32, #tpu.memory_space<vmem>> -> memref<1x32x128xf32, #tpu.memory_space<vmem>>
      %dma_start3A_178 = tpu.memref_squeeze %dma_start3A_177 : memref<1x32x128xf32, #tpu.memory_space<vmem>> -> memref<32x128xf32, #tpu.memory_space<vmem>>
      %dma_start3A_179 = arith.constant 0 : i32
      %dma_start3A_180 = tpu.memref_slice %arg4[%dma_start3A_179, %multiple_of3A_173] : memref<32x1000001xf32, #tpu.memory_space<hbm>> -> memref<32x128xf32, #tpu.memory_space<hbm>>
      %dma_start3A_181 = arith.constant 0 : i32
      %dma_start3A_182 = arith.constant 0 : i32
      %dma_start3A_183 = tpu.memref_slice %arg11[%dma_start3A_174, %dma_start3A_181, %dma_start3A_182] : memref<16x32x128xf32, #tpu.memory_space<vmem>> -> memref<1x32x128xf32, #tpu.memory_space<vmem>>
      %dma_start3A_184 = tpu.memref_squeeze %dma_start3A_183 : memref<1x32x128xf32, #tpu.memory_space<vmem>> -> memref<32x128xf32, #tpu.memory_space<vmem>>
      %dma_start3A_185 = arith.constant 0 : i32
      %dma_start3A_186 = tpu.memref_slice %arg4[%dma_start3A_185, %multiple_of3A_173] : memref<32x1000001xf32, #tpu.memory_space<hbm>> -> memref<32x128xf32, #tpu.memory_space<hbm>>
      tpu.enqueue_dma source(%dma_start3A_186 : memref<32x128xf32, #tpu.memory_space<hbm>>) target(%dma_start3A_184 : memref<32x128xf32, #tpu.memory_space<vmem>>) target_semaphore(%arg16 : memref<!tpu.dma_semaphore, #tpu.memory_space<semaphore_mem>>)
      %slice3A_187 = vector.extract_strided_slice %get3A_21 {offsets = [8], sizes = [1], strides = [1]} : vector<16xi32> to vector<1xi32>
      %squeeze3A_188 = vector.extract %slice3A_187[0] : i32 from vector<1xi32>
      %shift_right_arithmetic3A_189 = arith.constant 7 : i32
      %shift_right_arithmetic3A_190 = arith.shrsi %squeeze3A_188, %shift_right_arithmetic3A_189 : i32
      %shift_left3A_191 = arith.constant 7 : i32
      %shift_left3A_192 = arith.shli %shift_right_arithmetic3A_190, %shift_left3A_191 : i32
      %multiple_of3A_193 = tpu.assume_multiple %shift_left3A_192, 128 : i32
      %dma_start3A_194 = arith.constant 8 : i32
      %dma_start3A_195 = arith.constant 0 : i32
      %dma_start3A_196 = arith.constant 0 : i32
      %dma_start3A_197 = tpu.memref_slice %arg11[%dma_start3A_194, %dma_start3A_195, %dma_start3A_196] : memref<16x32x128xf32, #tpu.memory_space<vmem>> -> memref<1x32x128xf32, #tpu.memory_space<vmem>>
      %dma_start3A_198 = tpu.memref_squeeze %dma_start3A_197 : memref<1x32x128xf32, #tpu.memory_space<vmem>> -> memref<32x128xf32, #tpu.memory_space<vmem>>
      %dma_start3A_199 = arith.constant 0 : i32
      %dma_start3A_200 = tpu.memref_slice %arg4[%dma_start3A_199, %multiple_of3A_193] : memref<32x1000001xf32, #tpu.memory_space<hbm>> -> memref<32x128xf32, #tpu.memory_space<hbm>>
      %dma_start3A_201 = arith.constant 0 : i32
      %dma_start3A_202 = arith.constant 0 : i32
      %dma_start3A_203 = tpu.memref_slice %arg11[%dma_start3A_194, %dma_start3A_201, %dma_start3A_202] : memref<16x32x128xf32, #tpu.memory_space<vmem>> -> memref<1x32x128xf32, #tpu.memory_space<vmem>>
      %dma_start3A_204 = tpu.memref_squeeze %dma_start3A_203 : memref<1x32x128xf32, #tpu.memory_space<vmem>> -> memref<32x128xf32, #tpu.memory_space<vmem>>
      %dma_start3A_205 = arith.constant 0 : i32
      %dma_start3A_206 = tpu.memref_slice %arg4[%dma_start3A_205, %multiple_of3A_193] : memref<32x1000001xf32, #tpu.memory_space<hbm>> -> memref<32x128xf32, #tpu.memory_space<hbm>>
      tpu.enqueue_dma source(%dma_start3A_206 : memref<32x128xf32, #tpu.memory_space<hbm>>) target(%dma_start3A_204 : memref<32x128xf32, #tpu.memory_space<vmem>>) target_semaphore(%arg16 : memref<!tpu.dma_semaphore, #tpu.memory_space<semaphore_mem>>)
      %slice3A_207 = vector.extract_strided_slice %get3A_21 {offsets = [9], sizes = [1], strides = [1]} : vector<16xi32> to vector<1xi32>
      %squeeze3A_208 = vector.extract %slice3A_207[0] : i32 from vector<1xi32>
      %shift_right_arithmetic3A_209 = arith.constant 7 : i32
      %shift_right_arithmetic3A_210 = arith.shrsi %squeeze3A_208, %shift_right_arithmetic3A_209 : i32
      %shift_left3A_211 = arith.constant 7 : i32
      %shift_left3A_212 = arith.shli %shift_right_arithmetic3A_210, %shift_left3A_211 : i32
      %multiple_of3A_213 = tpu.assume_multiple %shift_left3A_212, 128 : i32
      %dma_start3A_214 = arith.constant 9 : i32
      %dma_start3A_215 = arith.constant 0 : i32
      %dma_start3A_216 = arith.constant 0 : i32
      %dma_start3A_217 = tpu.memref_slice %arg11[%dma_start3A_214, %dma_start3A_215, %dma_start3A_216] : memref<16x32x128xf32, #tpu.memory_space<vmem>> -> memref<1x32x128xf32, #tpu.memory_space<vmem>>
      %dma_start3A_218 = tpu.memref_squeeze %dma_start3A_217 : memref<1x32x128xf32, #tpu.memory_space<vmem>> -> memref<32x128xf32, #tpu.memory_space<vmem>>
      %dma_start3A_219 = arith.constant 0 : i32
      %dma_start3A_220 = tpu.memref_slice %arg4[%dma_start3A_219, %multiple_of3A_213] : memref<32x1000001xf32, #tpu.memory_space<hbm>> -> memref<32x128xf32, #tpu.memory_space<hbm>>
      %dma_start3A_221 = arith.constant 0 : i32
      %dma_start3A_222 = arith.constant 0 : i32
      %dma_start3A_223 = tpu.memref_slice %arg11[%dma_start3A_214, %dma_start3A_221, %dma_start3A_222] : memref<16x32x128xf32, #tpu.memory_space<vmem>> -> memref<1x32x128xf32, #tpu.memory_space<vmem>>
      %dma_start3A_224 = tpu.memref_squeeze %dma_start3A_223 : memref<1x32x128xf32, #tpu.memory_space<vmem>> -> memref<32x128xf32, #tpu.memory_space<vmem>>
      %dma_start3A_225 = arith.constant 0 : i32
      %dma_start3A_226 = tpu.memref_slice %arg4[%dma_start3A_225, %multiple_of3A_213] : memref<32x1000001xf32, #tpu.memory_space<hbm>> -> memref<32x128xf32, #tpu.memory_space<hbm>>
      tpu.enqueue_dma source(%dma_start3A_226 : memref<32x128xf32, #tpu.memory_space<hbm>>) target(%dma_start3A_224 : memref<32x128xf32, #tpu.memory_space<vmem>>) target_semaphore(%arg16 : memref<!tpu.dma_semaphore, #tpu.memory_space<semaphore_mem>>)
      %slice3A_227 = vector.extract_strided_slice %get3A_21 {offsets = [10], sizes = [1], strides = [1]} : vector<16xi32> to vector<1xi32>
      %squeeze3A_228 = vector.extract %slice3A_227[0] : i32 from vector<1xi32>
      %shift_right_arithmetic3A_229 = arith.constant 7 : i32
      %shift_right_arithmetic3A_230 = arith.shrsi %squeeze3A_228, %shift_right_arithmetic3A_229 : i32
      %shift_left3A_231 = arith.constant 7 : i32
      %shift_left3A_232 = arith.shli %shift_right_arithmetic3A_230, %shift_left3A_231 : i32
      %multiple_of3A_233 = tpu.assume_multiple %shift_left3A_232, 128 : i32
      %dma_start3A_234 = arith.constant 10 : i32
      %dma_start3A_235 = arith.constant 0 : i32
      %dma_start3A_236 = arith.constant 0 : i32
      %dma_start3A_237 = tpu.memref_slice %arg11[%dma_start3A_234, %dma_start3A_235, %dma_start3A_236] : memref<16x32x128xf32, #tpu.memory_space<vmem>> -> memref<1x32x128xf32, #tpu.memory_space<vmem>>
      %dma_start3A_238 = tpu.memref_squeeze %dma_start3A_237 : memref<1x32x128xf32, #tpu.memory_space<vmem>> -> memref<32x128xf32, #tpu.memory_space<vmem>>
      %dma_start3A_239 = arith.constant 0 : i32
      %dma_start3A_240 = tpu.memref_slice %arg4[%dma_start3A_239, %multiple_of3A_233] : memref<32x1000001xf32, #tpu.memory_space<hbm>> -> memref<32x128xf32, #tpu.memory_space<hbm>>
      %dma_start3A_241 = arith.constant 0 : i32
      %dma_start3A_242 = arith.constant 0 : i32
      %dma_start3A_243 = tpu.memref_slice %arg11[%dma_start3A_234, %dma_start3A_241, %dma_start3A_242] : memref<16x32x128xf32, #tpu.memory_space<vmem>> -> memref<1x32x128xf32, #tpu.memory_space<vmem>>
      %dma_start3A_244 = tpu.memref_squeeze %dma_start3A_243 : memref<1x32x128xf32, #tpu.memory_space<vmem>> -> memref<32x128xf32, #tpu.memory_space<vmem>>
      %dma_start3A_245 = arith.constant 0 : i32
      %dma_start3A_246 = tpu.memref_slice %arg4[%dma_start3A_245, %multiple_of3A_233] : memref<32x1000001xf32, #tpu.memory_space<hbm>> -> memref<32x128xf32, #tpu.memory_space<hbm>>
      tpu.enqueue_dma source(%dma_start3A_246 : memref<32x128xf32, #tpu.memory_space<hbm>>) target(%dma_start3A_244 : memref<32x128xf32, #tpu.memory_space<vmem>>) target_semaphore(%arg16 : memref<!tpu.dma_semaphore, #tpu.memory_space<semaphore_mem>>)
      %slice3A_247 = vector.extract_strided_slice %get3A_21 {offsets = [11], sizes = [1], strides = [1]} : vector<16xi32> to vector<1xi32>
      %squeeze3A_248 = vector.extract %slice3A_247[0] : i32 from vector<1xi32>
      %shift_right_arithmetic3A_249 = arith.constant 7 : i32
      %shift_right_arithmetic3A_250 = arith.shrsi %squeeze3A_248, %shift_right_arithmetic3A_249 : i32
      %shift_left3A_251 = arith.constant 7 : i32
      %shift_left3A_252 = arith.shli %shift_right_arithmetic3A_250, %shift_left3A_251 : i32
      %multiple_of3A_253 = tpu.assume_multiple %shift_left3A_252, 128 : i32
      %dma_start3A_254 = arith.constant 11 : i32
      %dma_start3A_255 = arith.constant 0 : i32
      %dma_start3A_256 = arith.constant 0 : i32
      %dma_start3A_257 = tpu.memref_slice %arg11[%dma_start3A_254, %dma_start3A_255, %dma_start3A_256] : memref<16x32x128xf32, #tpu.memory_space<vmem>> -> memref<1x32x128xf32, #tpu.memory_space<vmem>>
      %dma_start3A_258 = tpu.memref_squeeze %dma_start3A_257 : memref<1x32x128xf32, #tpu.memory_space<vmem>> -> memref<32x128xf32, #tpu.memory_space<vmem>>
      %dma_start3A_259 = arith.constant 0 : i32
      %dma_start3A_260 = tpu.memref_slice %arg4[%dma_start3A_259, %multiple_of3A_253] : memref<32x1000001xf32, #tpu.memory_space<hbm>> -> memref<32x128xf32, #tpu.memory_space<hbm>>
      %dma_start3A_261 = arith.constant 0 : i32
      %dma_start3A_262 = arith.constant 0 : i32
      %dma_start3A_263 = tpu.memref_slice %arg11[%dma_start3A_254, %dma_start3A_261, %dma_start3A_262] : memref<16x32x128xf32, #tpu.memory_space<vmem>> -> memref<1x32x128xf32, #tpu.memory_space<vmem>>
      %dma_start3A_264 = tpu.memref_squeeze %dma_start3A_263 : memref<1x32x128xf32, #tpu.memory_space<vmem>> -> memref<32x128xf32, #tpu.memory_space<vmem>>
      %dma_start3A_265 = arith.constant 0 : i32
      %dma_start3A_266 = tpu.memref_slice %arg4[%dma_start3A_265, %multiple_of3A_253] : memref<32x1000001xf32, #tpu.memory_space<hbm>> -> memref<32x128xf32, #tpu.memory_space<hbm>>
      tpu.enqueue_dma source(%dma_start3A_266 : memref<32x128xf32, #tpu.memory_space<hbm>>) target(%dma_start3A_264 : memref<32x128xf32, #tpu.memory_space<vmem>>) target_semaphore(%arg16 : memref<!tpu.dma_semaphore, #tpu.memory_space<semaphore_mem>>)
      %slice3A_267 = vector.extract_strided_slice %get3A_21 {offsets = [12], sizes = [1], strides = [1]} : vector<16xi32> to vector<1xi32>
      %squeeze3A_268 = vector.extract %slice3A_267[0] : i32 from vector<1xi32>
      %shift_right_arithmetic3A_269 = arith.constant 7 : i32
      %shift_right_arithmetic3A_270 = arith.shrsi %squeeze3A_268, %shift_right_arithmetic3A_269 : i32
      %shift_left3A_271 = arith.constant 7 : i32
      %shift_left3A_272 = arith.shli %shift_right_arithmetic3A_270, %shift_left3A_271 : i32
      %multiple_of3A_273 = tpu.assume_multiple %shift_left3A_272, 128 : i32
      %dma_start3A_274 = arith.constant 12 : i32
      %dma_start3A_275 = arith.constant 0 : i32
      %dma_start3A_276 = arith.constant 0 : i32
      %dma_start3A_277 = tpu.memref_slice %arg11[%dma_start3A_274, %dma_start3A_275, %dma_start3A_276] : memref<16x32x128xf32, #tpu.memory_space<vmem>> -> memref<1x32x128xf32, #tpu.memory_space<vmem>>
      %dma_start3A_278 = tpu.memref_squeeze %dma_start3A_277 : memref<1x32x128xf32, #tpu.memory_space<vmem>> -> memref<32x128xf32, #tpu.memory_space<vmem>>
      %dma_start3A_279 = arith.constant 0 : i32
      %dma_start3A_280 = tpu.memref_slice %arg4[%dma_start3A_279, %multiple_of3A_273] : memref<32x1000001xf32, #tpu.memory_space<hbm>> -> memref<32x128xf32, #tpu.memory_space<hbm>>
      %dma_start3A_281 = arith.constant 0 : i32
      %dma_start3A_282 = arith.constant 0 : i32
      %dma_start3A_283 = tpu.memref_slice %arg11[%dma_start3A_274, %dma_start3A_281, %dma_start3A_282] : memref<16x32x128xf32, #tpu.memory_space<vmem>> -> memref<1x32x128xf32, #tpu.memory_space<vmem>>
      %dma_start3A_284 = tpu.memref_squeeze %dma_start3A_283 : memref<1x32x128xf32, #tpu.memory_space<vmem>> -> memref<32x128xf32, #tpu.memory_space<vmem>>
      %dma_start3A_285 = arith.constant 0 : i32
      %dma_start3A_286 = tpu.memref_slice %arg4[%dma_start3A_285, %multiple_of3A_273] : memref<32x1000001xf32, #tpu.memory_space<hbm>> -> memref<32x128xf32, #tpu.memory_space<hbm>>
      tpu.enqueue_dma source(%dma_start3A_286 : memref<32x128xf32, #tpu.memory_space<hbm>>) target(%dma_start3A_284 : memref<32x128xf32, #tpu.memory_space<vmem>>) target_semaphore(%arg16 : memref<!tpu.dma_semaphore, #tpu.memory_space<semaphore_mem>>)
      %slice3A_287 = vector.extract_strided_slice %get3A_21 {offsets = [13], sizes = [1], strides = [1]} : vector<16xi32> to vector<1xi32>
      %squeeze3A_288 = vector.extract %slice3A_287[0] : i32 from vector<1xi32>
      %shift_right_arithmetic3A_289 = arith.constant 7 : i32
      %shift_right_arithmetic3A_290 = arith.shrsi %squeeze3A_288, %shift_right_arithmetic3A_289 : i32
      %shift_left3A_291 = arith.constant 7 : i32
      %shift_left3A_292 = arith.shli %shift_right_arithmetic3A_290, %shift_left3A_291 : i32
      %multiple_of3A_293 = tpu.assume_multiple %shift_left3A_292, 128 : i32
      %dma_start3A_294 = arith.constant 13 : i32
      %dma_start3A_295 = arith.constant 0 : i32
      %dma_start3A_296 = arith.constant 0 : i32
      %dma_start3A_297 = tpu.memref_slice %arg11[%dma_start3A_294, %dma_start3A_295, %dma_start3A_296] : memref<16x32x128xf32, #tpu.memory_space<vmem>> -> memref<1x32x128xf32, #tpu.memory_space<vmem>>
      %dma_start3A_298 = tpu.memref_squeeze %dma_start3A_297 : memref<1x32x128xf32, #tpu.memory_space<vmem>> -> memref<32x128xf32, #tpu.memory_space<vmem>>
      %dma_start3A_299 = arith.constant 0 : i32
      %dma_start3A_300 = tpu.memref_slice %arg4[%dma_start3A_299, %multiple_of3A_293] : memref<32x1000001xf32, #tpu.memory_space<hbm>> -> memref<32x128xf32, #tpu.memory_space<hbm>>
      %dma_start3A_301 = arith.constant 0 : i32
      %dma_start3A_302 = arith.constant 0 : i32
      %dma_start3A_303 = tpu.memref_slice %arg11[%dma_start3A_294, %dma_start3A_301, %dma_start3A_302] : memref<16x32x128xf32, #tpu.memory_space<vmem>> -> memref<1x32x128xf32, #tpu.memory_space<vmem>>
      %dma_start3A_304 = tpu.memref_squeeze %dma_start3A_303 : memref<1x32x128xf32, #tpu.memory_space<vmem>> -> memref<32x128xf32, #tpu.memory_space<vmem>>
      %dma_start3A_305 = arith.constant 0 : i32
      %dma_start3A_306 = tpu.memref_slice %arg4[%dma_start3A_305, %multiple_of3A_293] : memref<32x1000001xf32, #tpu.memory_space<hbm>> -> memref<32x128xf32, #tpu.memory_space<hbm>>
      tpu.enqueue_dma source(%dma_start3A_306 : memref<32x128xf32, #tpu.memory_space<hbm>>) target(%dma_start3A_304 : memref<32x128xf32, #tpu.memory_space<vmem>>) target_semaphore(%arg16 : memref<!tpu.dma_semaphore, #tpu.memory_space<semaphore_mem>>)
      %slice3A_307 = vector.extract_strided_slice %get3A_21 {offsets = [14], sizes = [1], strides = [1]} : vector<16xi32> to vector<1xi32>
      %squeeze3A_308 = vector.extract %slice3A_307[0] : i32 from vector<1xi32>
      %shift_right_arithmetic3A_309 = arith.constant 7 : i32
      %shift_right_arithmetic3A_310 = arith.shrsi %squeeze3A_308, %shift_right_arithmetic3A_309 : i32
      %shift_left3A_311 = arith.constant 7 : i32
      %shift_left3A_312 = arith.shli %shift_right_arithmetic3A_310, %shift_left3A_311 : i32
      %multiple_of3A_313 = tpu.assume_multiple %shift_left3A_312, 128 : i32
      %dma_start3A_314 = arith.constant 14 : i32
      %dma_start3A_315 = arith.constant 0 : i32
      %dma_start3A_316 = arith.constant 0 : i32
      %dma_start3A_317 = tpu.memref_slice %arg11[%dma_start3A_314, %dma_start3A_315, %dma_start3A_316] : memref<16x32x128xf32, #tpu.memory_space<vmem>> -> memref<1x32x128xf32, #tpu.memory_space<vmem>>
      %dma_start3A_318 = tpu.memref_squeeze %dma_start3A_317 : memref<1x32x128xf32, #tpu.memory_space<vmem>> -> memref<32x128xf32, #tpu.memory_space<vmem>>
      %dma_start3A_319 = arith.constant 0 : i32
      %dma_start3A_320 = tpu.memref_slice %arg4[%dma_start3A_319, %multiple_of3A_313] : memref<32x1000001xf32, #tpu.memory_space<hbm>> -> memref<32x128xf32, #tpu.memory_space<hbm>>
      %dma_start3A_321 = arith.constant 0 : i32
      %dma_start3A_322 = arith.constant 0 : i32
      %dma_start3A_323 = tpu.memref_slice %arg11[%dma_start3A_314, %dma_start3A_321, %dma_start3A_322] : memref<16x32x128xf32, #tpu.memory_space<vmem>> -> memref<1x32x128xf32, #tpu.memory_space<vmem>>
      %dma_start3A_324 = tpu.memref_squeeze %dma_start3A_323 : memref<1x32x128xf32, #tpu.memory_space<vmem>> -> memref<32x128xf32, #tpu.memory_space<vmem>>
      %dma_start3A_325 = arith.constant 0 : i32
      %dma_start3A_326 = tpu.memref_slice %arg4[%dma_start3A_325, %multiple_of3A_313] : memref<32x1000001xf32, #tpu.memory_space<hbm>> -> memref<32x128xf32, #tpu.memory_space<hbm>>
      tpu.enqueue_dma source(%dma_start3A_326 : memref<32x128xf32, #tpu.memory_space<hbm>>) target(%dma_start3A_324 : memref<32x128xf32, #tpu.memory_space<vmem>>) target_semaphore(%arg16 : memref<!tpu.dma_semaphore, #tpu.memory_space<semaphore_mem>>)
      %slice3A_327 = vector.extract_strided_slice %get3A_21 {offsets = [15], sizes = [1], strides = [1]} : vector<16xi32> to vector<1xi32>
      %squeeze3A_328 = vector.extract %slice3A_327[0] : i32 from vector<1xi32>
      %shift_right_arithmetic3A_329 = arith.constant 7 : i32
      %shift_right_arithmetic3A_330 = arith.shrsi %squeeze3A_328, %shift_right_arithmetic3A_329 : i32
      %shift_left3A_331 = arith.constant 7 : i32
      %shift_left3A_332 = arith.shli %shift_right_arithmetic3A_330, %shift_left3A_331 : i32
      %multiple_of3A_333 = tpu.assume_multiple %shift_left3A_332, 128 : i32
      %dma_start3A_334 = arith.constant 15 : i32
      %dma_start3A_335 = arith.constant 0 : i32
      %dma_start3A_336 = arith.constant 0 : i32
      %dma_start3A_337 = tpu.memref_slice %arg11[%dma_start3A_334, %dma_start3A_335, %dma_start3A_336] : memref<16x32x128xf32, #tpu.memory_space<vmem>> -> memref<1x32x128xf32, #tpu.memory_space<vmem>>
      %dma_start3A_338 = tpu.memref_squeeze %dma_start3A_337 : memref<1x32x128xf32, #tpu.memory_space<vmem>> -> memref<32x128xf32, #tpu.memory_space<vmem>>
      %dma_start3A_339 = arith.constant 0 : i32
      %dma_start3A_340 = tpu.memref_slice %arg4[%dma_start3A_339, %multiple_of3A_333] : memref<32x1000001xf32, #tpu.memory_space<hbm>> -> memref<32x128xf32, #tpu.memory_space<hbm>>
      %dma_start3A_341 = arith.constant 0 : i32
      %dma_start3A_342 = arith.constant 0 : i32
      %dma_start3A_343 = tpu.memref_slice %arg11[%dma_start3A_334, %dma_start3A_341, %dma_start3A_342] : memref<16x32x128xf32, #tpu.memory_space<vmem>> -> memref<1x32x128xf32, #tpu.memory_space<vmem>>
      %dma_start3A_344 = tpu.memref_squeeze %dma_start3A_343 : memref<1x32x128xf32, #tpu.memory_space<vmem>> -> memref<32x128xf32, #tpu.memory_space<vmem>>
      %dma_start3A_345 = arith.constant 0 : i32
      %dma_start3A_346 = tpu.memref_slice %arg4[%dma_start3A_345, %multiple_of3A_333] : memref<32x1000001xf32, #tpu.memory_space<hbm>> -> memref<32x128xf32, #tpu.memory_space<hbm>>
      tpu.enqueue_dma source(%dma_start3A_346 : memref<32x128xf32, #tpu.memory_space<hbm>>) target(%dma_start3A_344 : memref<32x128xf32, #tpu.memory_space<vmem>>) target_semaphore(%arg16 : memref<!tpu.dma_semaphore, #tpu.memory_space<semaphore_mem>>)
      %dma_wait3A = arith.constant 0 : i32
      %dma_wait3A_347 = arith.constant 0 : i32
      %dma_wait3A_348 = arith.constant 0 : i32
      %dma_wait3A_349 = tpu.memref_slice %arg11[%dma_wait3A, %dma_wait3A_347, %dma_wait3A_348] : memref<16x32x128xf32, #tpu.memory_space<vmem>> -> memref<1x32x128xf32, #tpu.memory_space<vmem>>
      %dma_wait3A_350 = tpu.memref_squeeze %dma_wait3A_349 : memref<1x32x128xf32, #tpu.memory_space<vmem>> -> memref<32x128xf32, #tpu.memory_space<vmem>>
      %dma_wait3A_351 = arith.constant 0 : i32
      %dma_wait3A_352 = tpu.memref_slice %arg4[%dma_wait3A_351, %multiple_of3A] : memref<32x1000001xf32, #tpu.memory_space<hbm>> -> memref<32x128xf32, #tpu.memory_space<hbm>>
      %dma_wait3A_353 = arith.constant 0 : i32
      %dma_wait3A_354 = arith.constant 0 : i32
      %dma_wait3A_355 = tpu.memref_slice %arg11[%dma_wait3A, %dma_wait3A_353, %dma_wait3A_354] : memref<16x32x128xf32, #tpu.memory_space<vmem>> -> memref<1x32x128xf32, #tpu.memory_space<vmem>>
      %dma_wait3A_356 = tpu.memref_squeeze %dma_wait3A_355 : memref<1x32x128xf32, #tpu.memory_space<vmem>> -> memref<32x128xf32, #tpu.memory_space<vmem>>
      %dma_wait3A_357 = arith.constant 0 : i32
      %dma_wait3A_358 = tpu.memref_slice %arg4[%dma_wait3A_357, %multiple_of3A] : memref<32x1000001xf32, #tpu.memory_space<hbm>> -> memref<32x128xf32, #tpu.memory_space<hbm>>
      tpu.wait_dma2 semaphore(%arg16 : memref<!tpu.dma_semaphore, #tpu.memory_space<semaphore_mem>>) src(%dma_wait3A_358 : memref<32x128xf32, #tpu.memory_space<hbm>>) dst(%dma_wait3A_356 : memref<32x128xf32, #tpu.memory_space<vmem>>)
      %dma_wait3A_359 = arith.constant 1 : i32
      %dma_wait3A_360 = arith.constant 0 : i32
      %dma_wait3A_361 = arith.constant 0 : i32
      %dma_wait3A_362 = tpu.memref_slice %arg11[%dma_wait3A_359, %dma_wait3A_360, %dma_wait3A_361] : memref<16x32x128xf32, #tpu.memory_space<vmem>> -> memref<1x32x128xf32, #tpu.memory_space<vmem>>
      %dma_wait3A_363 = tpu.memref_squeeze %dma_wait3A_362 : memref<1x32x128xf32, #tpu.memory_space<vmem>> -> memref<32x128xf32, #tpu.memory_space<vmem>>
      %dma_wait3A_364 = arith.constant 0 : i32
      %dma_wait3A_365 = tpu.memref_slice %arg4[%dma_wait3A_364, %multiple_of3A_53] : memref<32x1000001xf32, #tpu.memory_space<hbm>> -> memref<32x128xf32, #tpu.memory_space<hbm>>
      %dma_wait3A_366 = arith.constant 0 : i32
      %dma_wait3A_367 = arith.constant 0 : i32
      %dma_wait3A_368 = tpu.memref_slice %arg11[%dma_wait3A_359, %dma_wait3A_366, %dma_wait3A_367] : memref<16x32x128xf32, #tpu.memory_space<vmem>> -> memref<1x32x128xf32, #tpu.memory_space<vmem>>
      %dma_wait3A_369 = tpu.memref_squeeze %dma_wait3A_368 : memref<1x32x128xf32, #tpu.memory_space<vmem>> -> memref<32x128xf32, #tpu.memory_space<vmem>>
      %dma_wait3A_370 = arith.constant 0 : i32
      %dma_wait3A_371 = tpu.memref_slice %arg4[%dma_wait3A_370, %multiple_of3A_53] : memref<32x1000001xf32, #tpu.memory_space<hbm>> -> memref<32x128xf32, #tpu.memory_space<hbm>>
      tpu.wait_dma2 semaphore(%arg16 : memref<!tpu.dma_semaphore, #tpu.memory_space<semaphore_mem>>) src(%dma_wait3A_371 : memref<32x128xf32, #tpu.memory_space<hbm>>) dst(%dma_wait3A_369 : memref<32x128xf32, #tpu.memory_space<vmem>>)
      %dma_wait3A_372 = arith.constant 2 : i32
      %dma_wait3A_373 = arith.constant 0 : i32
      %dma_wait3A_374 = arith.constant 0 : i32
      %dma_wait3A_375 = tpu.memref_slice %arg11[%dma_wait3A_372, %dma_wait3A_373, %dma_wait3A_374] : memref<16x32x128xf32, #tpu.memory_space<vmem>> -> memref<1x32x128xf32, #tpu.memory_space<vmem>>
      %dma_wait3A_376 = tpu.memref_squeeze %dma_wait3A_375 : memref<1x32x128xf32, #tpu.memory_space<vmem>> -> memref<32x128xf32, #tpu.memory_space<vmem>>
      %dma_wait3A_377 = arith.constant 0 : i32
      %dma_wait3A_378 = tpu.memref_slice %arg4[%dma_wait3A_377, %multiple_of3A_73] : memref<32x1000001xf32, #tpu.memory_space<hbm>> -> memref<32x128xf32, #tpu.memory_space<hbm>>
      %dma_wait3A_379 = arith.constant 0 : i32
      %dma_wait3A_380 = arith.constant 0 : i32
      %dma_wait3A_381 = tpu.memref_slice %arg11[%dma_wait3A_372, %dma_wait3A_379, %dma_wait3A_380] : memref<16x32x128xf32, #tpu.memory_space<vmem>> -> memref<1x32x128xf32, #tpu.memory_space<vmem>>
      %dma_wait3A_382 = tpu.memref_squeeze %dma_wait3A_381 : memref<1x32x128xf32, #tpu.memory_space<vmem>> -> memref<32x128xf32, #tpu.memory_space<vmem>>
      %dma_wait3A_383 = arith.constant 0 : i32
      %dma_wait3A_384 = tpu.memref_slice %arg4[%dma_wait3A_383, %multiple_of3A_73] : memref<32x1000001xf32, #tpu.memory_space<hbm>> -> memref<32x128xf32, #tpu.memory_space<hbm>>
      tpu.wait_dma2 semaphore(%arg16 : memref<!tpu.dma_semaphore, #tpu.memory_space<semaphore_mem>>) src(%dma_wait3A_384 : memref<32x128xf32, #tpu.memory_space<hbm>>) dst(%dma_wait3A_382 : memref<32x128xf32, #tpu.memory_space<vmem>>)
      %dma_wait3A_385 = arith.constant 3 : i32
      %dma_wait3A_386 = arith.constant 0 : i32
      %dma_wait3A_387 = arith.constant 0 : i32
      %dma_wait3A_388 = tpu.memref_slice %arg11[%dma_wait3A_385, %dma_wait3A_386, %dma_wait3A_387] : memref<16x32x128xf32, #tpu.memory_space<vmem>> -> memref<1x32x128xf32, #tpu.memory_space<vmem>>
      %dma_wait3A_389 = tpu.memref_squeeze %dma_wait3A_388 : memref<1x32x128xf32, #tpu.memory_space<vmem>> -> memref<32x128xf32, #tpu.memory_space<vmem>>
      %dma_wait3A_390 = arith.constant 0 : i32
      %dma_wait3A_391 = tpu.memref_slice %arg4[%dma_wait3A_390, %multiple_of3A_93] : memref<32x1000001xf32, #tpu.memory_space<hbm>> -> memref<32x128xf32, #tpu.memory_space<hbm>>
      %dma_wait3A_392 = arith.constant 0 : i32
      %dma_wait3A_393 = arith.constant 0 : i32
      %dma_wait3A_394 = tpu.memref_slice %arg11[%dma_wait3A_385, %dma_wait3A_392, %dma_wait3A_393] : memref<16x32x128xf32, #tpu.memory_space<vmem>> -> memref<1x32x128xf32, #tpu.memory_space<vmem>>
      %dma_wait3A_395 = tpu.memref_squeeze %dma_wait3A_394 : memref<1x32x128xf32, #tpu.memory_space<vmem>> -> memref<32x128xf32, #tpu.memory_space<vmem>>
      %dma_wait3A_396 = arith.constant 0 : i32
      %dma_wait3A_397 = tpu.memref_slice %arg4[%dma_wait3A_396, %multiple_of3A_93] : memref<32x1000001xf32, #tpu.memory_space<hbm>> -> memref<32x128xf32, #tpu.memory_space<hbm>>
      tpu.wait_dma2 semaphore(%arg16 : memref<!tpu.dma_semaphore, #tpu.memory_space<semaphore_mem>>) src(%dma_wait3A_397 : memref<32x128xf32, #tpu.memory_space<hbm>>) dst(%dma_wait3A_395 : memref<32x128xf32, #tpu.memory_space<vmem>>)
      %dma_wait3A_398 = arith.constant 4 : i32
      %dma_wait3A_399 = arith.constant 0 : i32
      %dma_wait3A_400 = arith.constant 0 : i32
      %dma_wait3A_401 = tpu.memref_slice %arg11[%dma_wait3A_398, %dma_wait3A_399, %dma_wait3A_400] : memref<16x32x128xf32, #tpu.memory_space<vmem>> -> memref<1x32x128xf32, #tpu.memory_space<vmem>>
      %dma_wait3A_402 = tpu.memref_squeeze %dma_wait3A_401 : memref<1x32x128xf32, #tpu.memory_space<vmem>> -> memref<32x128xf32, #tpu.memory_space<vmem>>
      %dma_wait3A_403 = arith.constant 0 : i32
      %dma_wait3A_404 = tpu.memref_slice %arg4[%dma_wait3A_403, %multiple_of3A_113] : memref<32x1000001xf32, #tpu.memory_space<hbm>> -> memref<32x128xf32, #tpu.memory_space<hbm>>
      %dma_wait3A_405 = arith.constant 0 : i32
      %dma_wait3A_406 = arith.constant 0 : i32
      %dma_wait3A_407 = tpu.memref_slice %arg11[%dma_wait3A_398, %dma_wait3A_405, %dma_wait3A_406] : memref<16x32x128xf32, #tpu.memory_space<vmem>> -> memref<1x32x128xf32, #tpu.memory_space<vmem>>
      %dma_wait3A_408 = tpu.memref_squeeze %dma_wait3A_407 : memref<1x32x128xf32, #tpu.memory_space<vmem>> -> memref<32x128xf32, #tpu.memory_space<vmem>>
      %dma_wait3A_409 = arith.constant 0 : i32
      %dma_wait3A_410 = tpu.memref_slice %arg4[%dma_wait3A_409, %multiple_of3A_113] : memref<32x1000001xf32, #tpu.memory_space<hbm>> -> memref<32x128xf32, #tpu.memory_space<hbm>>
      tpu.wait_dma2 semaphore(%arg16 : memref<!tpu.dma_semaphore, #tpu.memory_space<semaphore_mem>>) src(%dma_wait3A_410 : memref<32x128xf32, #tpu.memory_space<hbm>>) dst(%dma_wait3A_408 : memref<32x128xf32, #tpu.memory_space<vmem>>)
      %dma_wait3A_411 = arith.constant 5 : i32
      %dma_wait3A_412 = arith.constant 0 : i32
      %dma_wait3A_413 = arith.constant 0 : i32
      %dma_wait3A_414 = tpu.memref_slice %arg11[%dma_wait3A_411, %dma_wait3A_412, %dma_wait3A_413] : memref<16x32x128xf32, #tpu.memory_space<vmem>> -> memref<1x32x128xf32, #tpu.memory_space<vmem>>
      %dma_wait3A_415 = tpu.memref_squeeze %dma_wait3A_414 : memref<1x32x128xf32, #tpu.memory_space<vmem>> -> memref<32x128xf32, #tpu.memory_space<vmem>>
      %dma_wait3A_416 = arith.constant 0 : i32
      %dma_wait3A_417 = tpu.memref_slice %arg4[%dma_wait3A_416, %multiple_of3A_133] : memref<32x1000001xf32, #tpu.memory_space<hbm>> -> memref<32x128xf32, #tpu.memory_space<hbm>>
      %dma_wait3A_418 = arith.constant 0 : i32
      %dma_wait3A_419 = arith.constant 0 : i32
      %dma_wait3A_420 = tpu.memref_slice %arg11[%dma_wait3A_411, %dma_wait3A_418, %dma_wait3A_419] : memref<16x32x128xf32, #tpu.memory_space<vmem>> -> memref<1x32x128xf32, #tpu.memory_space<vmem>>
      %dma_wait3A_421 = tpu.memref_squeeze %dma_wait3A_420 : memref<1x32x128xf32, #tpu.memory_space<vmem>> -> memref<32x128xf32, #tpu.memory_space<vmem>>
      %dma_wait3A_422 = arith.constant 0 : i32
      %dma_wait3A_423 = tpu.memref_slice %arg4[%dma_wait3A_422, %multiple_of3A_133] : memref<32x1000001xf32, #tpu.memory_space<hbm>> -> memref<32x128xf32, #tpu.memory_space<hbm>>
      tpu.wait_dma2 semaphore(%arg16 : memref<!tpu.dma_semaphore, #tpu.memory_space<semaphore_mem>>) src(%dma_wait3A_423 : memref<32x128xf32, #tpu.memory_space<hbm>>) dst(%dma_wait3A_421 : memref<32x128xf32, #tpu.memory_space<vmem>>)
      %dma_wait3A_424 = arith.constant 6 : i32
      %dma_wait3A_425 = arith.constant 0 : i32
      %dma_wait3A_426 = arith.constant 0 : i32
      %dma_wait3A_427 = tpu.memref_slice %arg11[%dma_wait3A_424, %dma_wait3A_425, %dma_wait3A_426] : memref<16x32x128xf32, #tpu.memory_space<vmem>> -> memref<1x32x128xf32, #tpu.memory_space<vmem>>
      %dma_wait3A_428 = tpu.memref_squeeze %dma_wait3A_427 : memref<1x32x128xf32, #tpu.memory_space<vmem>> -> memref<32x128xf32, #tpu.memory_space<vmem>>
      %dma_wait3A_429 = arith.constant 0 : i32
      %dma_wait3A_430 = tpu.memref_slice %arg4[%dma_wait3A_429, %multiple_of3A_153] : memref<32x1000001xf32, #tpu.memory_space<hbm>> -> memref<32x128xf32, #tpu.memory_space<hbm>>
      %dma_wait3A_431 = arith.constant 0 : i32
      %dma_wait3A_432 = arith.constant 0 : i32
      %dma_wait3A_433 = tpu.memref_slice %arg11[%dma_wait3A_424, %dma_wait3A_431, %dma_wait3A_432] : memref<16x32x128xf32, #tpu.memory_space<vmem>> -> memref<1x32x128xf32, #tpu.memory_space<vmem>>
      %dma_wait3A_434 = tpu.memref_squeeze %dma_wait3A_433 : memref<1x32x128xf32, #tpu.memory_space<vmem>> -> memref<32x128xf32, #tpu.memory_space<vmem>>
      %dma_wait3A_435 = arith.constant 0 : i32
      %dma_wait3A_436 = tpu.memref_slice %arg4[%dma_wait3A_435, %multiple_of3A_153] : memref<32x1000001xf32, #tpu.memory_space<hbm>> -> memref<32x128xf32, #tpu.memory_space<hbm>>
      tpu.wait_dma2 semaphore(%arg16 : memref<!tpu.dma_semaphore, #tpu.memory_space<semaphore_mem>>) src(%dma_wait3A_436 : memref<32x128xf32, #tpu.memory_space<hbm>>) dst(%dma_wait3A_434 : memref<32x128xf32, #tpu.memory_space<vmem>>)
      %dma_wait3A_437 = arith.constant 7 : i32
      %dma_wait3A_438 = arith.constant 0 : i32
      %dma_wait3A_439 = arith.constant 0 : i32
      %dma_wait3A_440 = tpu.memref_slice %arg11[%dma_wait3A_437, %dma_wait3A_438, %dma_wait3A_439] : memref<16x32x128xf32, #tpu.memory_space<vmem>> -> memref<1x32x128xf32, #tpu.memory_space<vmem>>
      %dma_wait3A_441 = tpu.memref_squeeze %dma_wait3A_440 : memref<1x32x128xf32, #tpu.memory_space<vmem>> -> memref<32x128xf32, #tpu.memory_space<vmem>>
      %dma_wait3A_442 = arith.constant 0 : i32
      %dma_wait3A_443 = tpu.memref_slice %arg4[%dma_wait3A_442, %multiple_of3A_173] : memref<32x1000001xf32, #tpu.memory_space<hbm>> -> memref<32x128xf32, #tpu.memory_space<hbm>>
      %dma_wait3A_444 = arith.constant 0 : i32
      %dma_wait3A_445 = arith.constant 0 : i32
      %dma_wait3A_446 = tpu.memref_slice %arg11[%dma_wait3A_437, %dma_wait3A_444, %dma_wait3A_445] : memref<16x32x128xf32, #tpu.memory_space<vmem>> -> memref<1x32x128xf32, #tpu.memory_space<vmem>>
      %dma_wait3A_447 = tpu.memref_squeeze %dma_wait3A_446 : memref<1x32x128xf32, #tpu.memory_space<vmem>> -> memref<32x128xf32, #tpu.memory_space<vmem>>
      %dma_wait3A_448 = arith.constant 0 : i32
      %dma_wait3A_449 = tpu.memref_slice %arg4[%dma_wait3A_448, %multiple_of3A_173] : memref<32x1000001xf32, #tpu.memory_space<hbm>> -> memref<32x128xf32, #tpu.memory_space<hbm>>
      tpu.wait_dma2 semaphore(%arg16 : memref<!tpu.dma_semaphore, #tpu.memory_space<semaphore_mem>>) src(%dma_wait3A_449 : memref<32x128xf32, #tpu.memory_space<hbm>>) dst(%dma_wait3A_447 : memref<32x128xf32, #tpu.memory_space<vmem>>)
      %dma_wait3A_450 = arith.constant 8 : i32
      %dma_wait3A_451 = arith.constant 0 : i32
      %dma_wait3A_452 = arith.constant 0 : i32
      %dma_wait3A_453 = tpu.memref_slice %arg11[%dma_wait3A_450, %dma_wait3A_451, %dma_wait3A_452] : memref<16x32x128xf32, #tpu.memory_space<vmem>> -> memref<1x32x128xf32, #tpu.memory_space<vmem>>
      %dma_wait3A_454 = tpu.memref_squeeze %dma_wait3A_453 : memref<1x32x128xf32, #tpu.memory_space<vmem>> -> memref<32x128xf32, #tpu.memory_space<vmem>>
      %dma_wait3A_455 = arith.constant 0 : i32
      %dma_wait3A_456 = tpu.memref_slice %arg4[%dma_wait3A_455, %multiple_of3A_193] : memref<32x1000001xf32, #tpu.memory_space<hbm>> -> memref<32x128xf32, #tpu.memory_space<hbm>>
      %dma_wait3A_457 = arith.constant 0 : i32
      %dma_wait3A_458 = arith.constant 0 : i32
      %dma_wait3A_459 = tpu.memref_slice %arg11[%dma_wait3A_450, %dma_wait3A_457, %dma_wait3A_458] : memref<16x32x128xf32, #tpu.memory_space<vmem>> -> memref<1x32x128xf32, #tpu.memory_space<vmem>>
      %dma_wait3A_460 = tpu.memref_squeeze %dma_wait3A_459 : memref<1x32x128xf32, #tpu.memory_space<vmem>> -> memref<32x128xf32, #tpu.memory_space<vmem>>
      %dma_wait3A_461 = arith.constant 0 : i32
      %dma_wait3A_462 = tpu.memref_slice %arg4[%dma_wait3A_461, %multiple_of3A_193] : memref<32x1000001xf32, #tpu.memory_space<hbm>> -> memref<32x128xf32, #tpu.memory_space<hbm>>
      tpu.wait_dma2 semaphore(%arg16 : memref<!tpu.dma_semaphore, #tpu.memory_space<semaphore_mem>>) src(%dma_wait3A_462 : memref<32x128xf32, #tpu.memory_space<hbm>>) dst(%dma_wait3A_460 : memref<32x128xf32, #tpu.memory_space<vmem>>)
      %dma_wait3A_463 = arith.constant 9 : i32
      %dma_wait3A_464 = arith.constant 0 : i32
      %dma_wait3A_465 = arith.constant 0 : i32
      %dma_wait3A_466 = tpu.memref_slice %arg11[%dma_wait3A_463, %dma_wait3A_464, %dma_wait3A_465] : memref<16x32x128xf32, #tpu.memory_space<vmem>> -> memref<1x32x128xf32, #tpu.memory_space<vmem>>
      %dma_wait3A_467 = tpu.memref_squeeze %dma_wait3A_466 : memref<1x32x128xf32, #tpu.memory_space<vmem>> -> memref<32x128xf32, #tpu.memory_space<vmem>>
      %dma_wait3A_468 = arith.constant 0 : i32
      %dma_wait3A_469 = tpu.memref_slice %arg4[%dma_wait3A_468, %multiple_of3A_213] : memref<32x1000001xf32, #tpu.memory_space<hbm>> -> memref<32x128xf32, #tpu.memory_space<hbm>>
      %dma_wait3A_470 = arith.constant 0 : i32
      %dma_wait3A_471 = arith.constant 0 : i32
      %dma_wait3A_472 = tpu.memref_slice %arg11[%dma_wait3A_463, %dma_wait3A_470, %dma_wait3A_471] : memref<16x32x128xf32, #tpu.memory_space<vmem>> -> memref<1x32x128xf32, #tpu.memory_space<vmem>>
      %dma_wait3A_473 = tpu.memref_squeeze %dma_wait3A_472 : memref<1x32x128xf32, #tpu.memory_space<vmem>> -> memref<32x128xf32, #tpu.memory_space<vmem>>
      %dma_wait3A_474 = arith.constant 0 : i32
      %dma_wait3A_475 = tpu.memref_slice %arg4[%dma_wait3A_474, %multiple_of3A_213] : memref<32x1000001xf32, #tpu.memory_space<hbm>> -> memref<32x128xf32, #tpu.memory_space<hbm>>
      tpu.wait_dma2 semaphore(%arg16 : memref<!tpu.dma_semaphore, #tpu.memory_space<semaphore_mem>>) src(%dma_wait3A_475 : memref<32x128xf32, #tpu.memory_space<hbm>>) dst(%dma_wait3A_473 : memref<32x128xf32, #tpu.memory_space<vmem>>)
      %dma_wait3A_476 = arith.constant 10 : i32
      %dma_wait3A_477 = arith.constant 0 : i32
      %dma_wait3A_478 = arith.constant 0 : i32
      %dma_wait3A_479 = tpu.memref_slice %arg11[%dma_wait3A_476, %dma_wait3A_477, %dma_wait3A_478] : memref<16x32x128xf32, #tpu.memory_space<vmem>> -> memref<1x32x128xf32, #tpu.memory_space<vmem>>
      %dma_wait3A_480 = tpu.memref_squeeze %dma_wait3A_479 : memref<1x32x128xf32, #tpu.memory_space<vmem>> -> memref<32x128xf32, #tpu.memory_space<vmem>>
      %dma_wait3A_481 = arith.constant 0 : i32
      %dma_wait3A_482 = tpu.memref_slice %arg4[%dma_wait3A_481, %multiple_of3A_233] : memref<32x1000001xf32, #tpu.memory_space<hbm>> -> memref<32x128xf32, #tpu.memory_space<hbm>>
      %dma_wait3A_483 = arith.constant 0 : i32
      %dma_wait3A_484 = arith.constant 0 : i32
      %dma_wait3A_485 = tpu.memref_slice %arg11[%dma_wait3A_476, %dma_wait3A_483, %dma_wait3A_484] : memref<16x32x128xf32, #tpu.memory_space<vmem>> -> memref<1x32x128xf32, #tpu.memory_space<vmem>>
      %dma_wait3A_486 = tpu.memref_squeeze %dma_wait3A_485 : memref<1x32x128xf32, #tpu.memory_space<vmem>> -> memref<32x128xf32, #tpu.memory_space<vmem>>
      %dma_wait3A_487 = arith.constant 0 : i32
      %dma_wait3A_488 = tpu.memref_slice %arg4[%dma_wait3A_487, %multiple_of3A_233] : memref<32x1000001xf32, #tpu.memory_space<hbm>> -> memref<32x128xf32, #tpu.memory_space<hbm>>
      tpu.wait_dma2 semaphore(%arg16 : memref<!tpu.dma_semaphore, #tpu.memory_space<semaphore_mem>>) src(%dma_wait3A_488 : memref<32x128xf32, #tpu.memory_space<hbm>>) dst(%dma_wait3A_486 : memref<32x128xf32, #tpu.memory_space<vmem>>)
      %dma_wait3A_489 = arith.constant 11 : i32
      %dma_wait3A_490 = arith.constant 0 : i32
      %dma_wait3A_491 = arith.constant 0 : i32
      %dma_wait3A_492 = tpu.memref_slice %arg11[%dma_wait3A_489, %dma_wait3A_490, %dma_wait3A_491] : memref<16x32x128xf32, #tpu.memory_space<vmem>> -> memref<1x32x128xf32, #tpu.memory_space<vmem>>
      %dma_wait3A_493 = tpu.memref_squeeze %dma_wait3A_492 : memref<1x32x128xf32, #tpu.memory_space<vmem>> -> memref<32x128xf32, #tpu.memory_space<vmem>>
      %dma_wait3A_494 = arith.constant 0 : i32
      %dma_wait3A_495 = tpu.memref_slice %arg4[%dma_wait3A_494, %multiple_of3A_253] : memref<32x1000001xf32, #tpu.memory_space<hbm>> -> memref<32x128xf32, #tpu.memory_space<hbm>>
      %dma_wait3A_496 = arith.constant 0 : i32
      %dma_wait3A_497 = arith.constant 0 : i32
      %dma_wait3A_498 = tpu.memref_slice %arg11[%dma_wait3A_489, %dma_wait3A_496, %dma_wait3A_497] : memref<16x32x128xf32, #tpu.memory_space<vmem>> -> memref<1x32x128xf32, #tpu.memory_space<vmem>>
      %dma_wait3A_499 = tpu.memref_squeeze %dma_wait3A_498 : memref<1x32x128xf32, #tpu.memory_space<vmem>> -> memref<32x128xf32, #tpu.memory_space<vmem>>
      %dma_wait3A_500 = arith.constant 0 : i32
      %dma_wait3A_501 = tpu.memref_slice %arg4[%dma_wait3A_500, %multiple_of3A_253] : memref<32x1000001xf32, #tpu.memory_space<hbm>> -> memref<32x128xf32, #tpu.memory_space<hbm>>
      tpu.wait_dma2 semaphore(%arg16 : memref<!tpu.dma_semaphore, #tpu.memory_space<semaphore_mem>>) src(%dma_wait3A_501 : memref<32x128xf32, #tpu.memory_space<hbm>>) dst(%dma_wait3A_499 : memref<32x128xf32, #tpu.memory_space<vmem>>)
      %dma_wait3A_502 = arith.constant 12 : i32
      %dma_wait3A_503 = arith.constant 0 : i32
      %dma_wait3A_504 = arith.constant 0 : i32
      %dma_wait3A_505 = tpu.memref_slice %arg11[%dma_wait3A_502, %dma_wait3A_503, %dma_wait3A_504] : memref<16x32x128xf32, #tpu.memory_space<vmem>> -> memref<1x32x128xf32, #tpu.memory_space<vmem>>
      %dma_wait3A_506 = tpu.memref_squeeze %dma_wait3A_505 : memref<1x32x128xf32, #tpu.memory_space<vmem>> -> memref<32x128xf32, #tpu.memory_space<vmem>>
      %dma_wait3A_507 = arith.constant 0 : i32
      %dma_wait3A_508 = tpu.memref_slice %arg4[%dma_wait3A_507, %multiple_of3A_273] : memref<32x1000001xf32, #tpu.memory_space<hbm>> -> memref<32x128xf32, #tpu.memory_space<hbm>>
      %dma_wait3A_509 = arith.constant 0 : i32
      %dma_wait3A_510 = arith.constant 0 : i32
      %dma_wait3A_511 = tpu.memref_slice %arg11[%dma_wait3A_502, %dma_wait3A_509, %dma_wait3A_510] : memref<16x32x128xf32, #tpu.memory_space<vmem>> -> memref<1x32x128xf32, #tpu.memory_space<vmem>>
      %dma_wait3A_512 = tpu.memref_squeeze %dma_wait3A_511 : memref<1x32x128xf32, #tpu.memory_space<vmem>> -> memref<32x128xf32, #tpu.memory_space<vmem>>
      %dma_wait3A_513 = arith.constant 0 : i32
      %dma_wait3A_514 = tpu.memref_slice %arg4[%dma_wait3A_513, %multiple_of3A_273] : memref<32x1000001xf32, #tpu.memory_space<hbm>> -> memref<32x128xf32, #tpu.memory_space<hbm>>
      tpu.wait_dma2 semaphore(%arg16 : memref<!tpu.dma_semaphore, #tpu.memory_space<semaphore_mem>>) src(%dma_wait3A_514 : memref<32x128xf32, #tpu.memory_space<hbm>>) dst(%dma_wait3A_512 : memref<32x128xf32, #tpu.memory_space<vmem>>)
      %dma_wait3A_515 = arith.constant 13 : i32
      %dma_wait3A_516 = arith.constant 0 : i32
      %dma_wait3A_517 = arith.constant 0 : i32
      %dma_wait3A_518 = tpu.memref_slice %arg11[%dma_wait3A_515, %dma_wait3A_516, %dma_wait3A_517] : memref<16x32x128xf32, #tpu.memory_space<vmem>> -> memref<1x32x128xf32, #tpu.memory_space<vmem>>
      %dma_wait3A_519 = tpu.memref_squeeze %dma_wait3A_518 : memref<1x32x128xf32, #tpu.memory_space<vmem>> -> memref<32x128xf32, #tpu.memory_space<vmem>>
      %dma_wait3A_520 = arith.constant 0 : i32
      %dma_wait3A_521 = tpu.memref_slice %arg4[%dma_wait3A_520, %multiple_of3A_293] : memref<32x1000001xf32, #tpu.memory_space<hbm>> -> memref<32x128xf32, #tpu.memory_space<hbm>>
      %dma_wait3A_522 = arith.constant 0 : i32
      %dma_wait3A_523 = arith.constant 0 : i32
      %dma_wait3A_524 = tpu.memref_slice %arg11[%dma_wait3A_515, %dma_wait3A_522, %dma_wait3A_523] : memref<16x32x128xf32, #tpu.memory_space<vmem>> -> memref<1x32x128xf32, #tpu.memory_space<vmem>>
      %dma_wait3A_525 = tpu.memref_squeeze %dma_wait3A_524 : memref<1x32x128xf32, #tpu.memory_space<vmem>> -> memref<32x128xf32, #tpu.memory_space<vmem>>
      %dma_wait3A_526 = arith.constant 0 : i32
      %dma_wait3A_527 = tpu.memref_slice %arg4[%dma_wait3A_526, %multiple_of3A_293] : memref<32x1000001xf32, #tpu.memory_space<hbm>> -> memref<32x128xf32, #tpu.memory_space<hbm>>
      tpu.wait_dma2 semaphore(%arg16 : memref<!tpu.dma_semaphore, #tpu.memory_space<semaphore_mem>>) src(%dma_wait3A_527 : memref<32x128xf32, #tpu.memory_space<hbm>>) dst(%dma_wait3A_525 : memref<32x128xf32, #tpu.memory_space<vmem>>)
      %dma_wait3A_528 = arith.constant 14 : i32
      %dma_wait3A_529 = arith.constant 0 : i32
      %dma_wait3A_530 = arith.constant 0 : i32
      %dma_wait3A_531 = tpu.memref_slice %arg11[%dma_wait3A_528, %dma_wait3A_529, %dma_wait3A_530] : memref<16x32x128xf32, #tpu.memory_space<vmem>> -> memref<1x32x128xf32, #tpu.memory_space<vmem>>
      %dma_wait3A_532 = tpu.memref_squeeze %dma_wait3A_531 : memref<1x32x128xf32, #tpu.memory_space<vmem>> -> memref<32x128xf32, #tpu.memory_space<vmem>>
      %dma_wait3A_533 = arith.constant 0 : i32
      %dma_wait3A_534 = tpu.memref_slice %arg4[%dma_wait3A_533, %multiple_of3A_313] : memref<32x1000001xf32, #tpu.memory_space<hbm>> -> memref<32x128xf32, #tpu.memory_space<hbm>>
      %dma_wait3A_535 = arith.constant 0 : i32
      %dma_wait3A_536 = arith.constant 0 : i32
      %dma_wait3A_537 = tpu.memref_slice %arg11[%dma_wait3A_528, %dma_wait3A_535, %dma_wait3A_536] : memref<16x32x128xf32, #tpu.memory_space<vmem>> -> memref<1x32x128xf32, #tpu.memory_space<vmem>>
      %dma_wait3A_538 = tpu.memref_squeeze %dma_wait3A_537 : memref<1x32x128xf32, #tpu.memory_space<vmem>> -> memref<32x128xf32, #tpu.memory_space<vmem>>
      %dma_wait3A_539 = arith.constant 0 : i32
      %dma_wait3A_540 = tpu.memref_slice %arg4[%dma_wait3A_539, %multiple_of3A_313] : memref<32x1000001xf32, #tpu.memory_space<hbm>> -> memref<32x128xf32, #tpu.memory_space<hbm>>
      tpu.wait_dma2 semaphore(%arg16 : memref<!tpu.dma_semaphore, #tpu.memory_space<semaphore_mem>>) src(%dma_wait3A_540 : memref<32x128xf32, #tpu.memory_space<hbm>>) dst(%dma_wait3A_538 : memref<32x128xf32, #tpu.memory_space<vmem>>)
      %dma_wait3A_541 = arith.constant 15 : i32
      %dma_wait3A_542 = arith.constant 0 : i32
      %dma_wait3A_543 = arith.constant 0 : i32
      %dma_wait3A_544 = tpu.memref_slice %arg11[%dma_wait3A_541, %dma_wait3A_542, %dma_wait3A_543] : memref<16x32x128xf32, #tpu.memory_space<vmem>> -> memref<1x32x128xf32, #tpu.memory_space<vmem>>
      %dma_wait3A_545 = tpu.memref_squeeze %dma_wait3A_544 : memref<1x32x128xf32, #tpu.memory_space<vmem>> -> memref<32x128xf32, #tpu.memory_space<vmem>>
      %dma_wait3A_546 = arith.constant 0 : i32
      %dma_wait3A_547 = tpu.memref_slice %arg4[%dma_wait3A_546, %multiple_of3A_333] : memref<32x1000001xf32, #tpu.memory_space<hbm>> -> memref<32x128xf32, #tpu.memory_space<hbm>>
      %dma_wait3A_548 = arith.constant 0 : i32
      %dma_wait3A_549 = arith.constant 0 : i32
      %dma_wait3A_550 = tpu.memref_slice %arg11[%dma_wait3A_541, %dma_wait3A_548, %dma_wait3A_549] : memref<16x32x128xf32, #tpu.memory_space<vmem>> -> memref<1x32x128xf32, #tpu.memory_space<vmem>>
      %dma_wait3A_551 = tpu.memref_squeeze %dma_wait3A_550 : memref<1x32x128xf32, #tpu.memory_space<vmem>> -> memref<32x128xf32, #tpu.memory_space<vmem>>
      %dma_wait3A_552 = arith.constant 0 : i32
      %dma_wait3A_553 = tpu.memref_slice %arg4[%dma_wait3A_552, %multiple_of3A_333] : memref<32x1000001xf32, #tpu.memory_space<hbm>> -> memref<32x128xf32, #tpu.memory_space<hbm>>
      tpu.wait_dma2 semaphore(%arg16 : memref<!tpu.dma_semaphore, #tpu.memory_space<semaphore_mem>>) src(%dma_wait3A_553 : memref<32x128xf32, #tpu.memory_space<hbm>>) dst(%dma_wait3A_551 : memref<32x128xf32, #tpu.memory_space<vmem>>)
      %broadcast_in_dim3A = arith.constant 0 : i32
      %broadcast_in_dim3A_554 = vector.broadcast %broadcast_in_dim3A : i32 to vector<16xi32>
      %gather3A = tpu.vector_load_idx %arg11[%iota3A, %broadcast_in_dim3A_554, %and3A_27] : memref<16x32x128xf32, #tpu.memory_space<vmem>>[vector<16xi32>, vector<16xi32>, vector<16xi32>], vector<16xf32>,
      %swap3A = arith.constant 0 : i32
      %swap3A_555 = arith.index_cast %swap3A : i32 to index
      %swap3A_556 = arith.constant 0 : index
      %swap3A_557 = tpu.vector_load %arg12[%swap3A_555, %swap3A_556] {strides = array<i32>} : memref<32x16xf32, #tpu.memory_space<vmem>>, vector<16xf32>,
      tpu.vector_store %arg12[%swap3A_555, %swap3A_556], %gather3A {strides = array<i32>} : memref<32x16xf32, #tpu.memory_space<vmem>>, vector<16xf32>,
      %broadcast_in_dim3A_558 = arith.constant 1 : i32
      %broadcast_in_dim3A_559 = vector.broadcast %broadcast_in_dim3A_558 : i32 to vector<16xi32>
      %gather3A_560 = tpu.vector_load_idx %arg11[%iota3A, %broadcast_in_dim3A_559, %and3A_27] : memref<16x32x128xf32, #tpu.memory_space<vmem>>[vector<16xi32>, vector<16xi32>, vector<16xi32>], vector<16xf32>,
      %swap3A_561 = arith.constant 1 : i32
      %swap3A_562 = arith.index_cast %swap3A_561 : i32 to index
      %swap3A_563 = arith.constant 0 : index
      %swap3A_564 = tpu.vector_load %arg12[%swap3A_562, %swap3A_563] {strides = array<i32>} : memref<32x16xf32, #tpu.memory_space<vmem>>, vector<16xf32>,
      tpu.vector_store %arg12[%swap3A_562, %swap3A_563], %gather3A_560 {strides = array<i32>} : memref<32x16xf32, #tpu.memory_space<vmem>>, vector<16xf32>,
      %broadcast_in_dim3A_565 = arith.constant 2 : i32
      %broadcast_in_dim3A_566 = vector.broadcast %broadcast_in_dim3A_565 : i32 to vector<16xi32>
      %gather3A_567 = tpu.vector_load_idx %arg11[%iota3A, %broadcast_in_dim3A_566, %and3A_27] : memref<16x32x128xf32, #tpu.memory_space<vmem>>[vector<16xi32>, vector<16xi32>, vector<16xi32>], vector<16xf32>,
      %swap3A_568 = arith.constant 2 : i32
      %swap3A_569 = arith.index_cast %swap3A_568 : i32 to index
      %swap3A_570 = arith.constant 0 : index
      %swap3A_571 = tpu.vector_load %arg12[%swap3A_569, %swap3A_570] {strides = array<i32>} : memref<32x16xf32, #tpu.memory_space<vmem>>, vector<16xf32>,
      tpu.vector_store %arg12[%swap3A_569, %swap3A_570], %gather3A_567 {strides = array<i32>} : memref<32x16xf32, #tpu.memory_space<vmem>>, vector<16xf32>,
      %broadcast_in_dim3A_572 = arith.constant 3 : i32
      %broadcast_in_dim3A_573 = vector.broadcast %broadcast_in_dim3A_572 : i32 to vector<16xi32>
      %gather3A_574 = tpu.vector_load_idx %arg11[%iota3A, %broadcast_in_dim3A_573, %and3A_27] : memref<16x32x128xf32, #tpu.memory_space<vmem>>[vector<16xi32>, vector<16xi32>, vector<16xi32>], vector<16xf32>,
      %swap3A_575 = arith.constant 3 : i32
      %swap3A_576 = arith.index_cast %swap3A_575 : i32 to index
      %swap3A_577 = arith.constant 0 : index
      %swap3A_578 = tpu.vector_load %arg12[%swap3A_576, %swap3A_577] {strides = array<i32>} : memref<32x16xf32, #tpu.memory_space<vmem>>, vector<16xf32>,
      tpu.vector_store %arg12[%swap3A_576, %swap3A_577], %gather3A_574 {strides = array<i32>} : memref<32x16xf32, #tpu.memory_space<vmem>>, vector<16xf32>,
      %broadcast_in_dim3A_579 = arith.constant 4 : i32
      %broadcast_in_dim3A_580 = vector.broadcast %broadcast_in_dim3A_579 : i32 to vector<16xi32>
      %gather3A_581 = tpu.vector_load_idx %arg11[%iota3A, %broadcast_in_dim3A_580, %and3A_27] : memref<16x32x128xf32, #tpu.memory_space<vmem>>[vector<16xi32>, vector<16xi32>, vector<16xi32>], vector<16xf32>,
      %swap3A_582 = arith.constant 4 : i32
      %swap3A_583 = arith.index_cast %swap3A_582 : i32 to index
      %swap3A_584 = arith.constant 0 : index
      %swap3A_585 = tpu.vector_load %arg12[%swap3A_583, %swap3A_584] {strides = array<i32>} : memref<32x16xf32, #tpu.memory_space<vmem>>, vector<16xf32>,
      tpu.vector_store %arg12[%swap3A_583, %swap3A_584], %gather3A_581 {strides = array<i32>} : memref<32x16xf32, #tpu.memory_space<vmem>>, vector<16xf32>,
      %broadcast_in_dim3A_586 = arith.constant 5 : i32
      %broadcast_in_dim3A_587 = vector.broadcast %broadcast_in_dim3A_586 : i32 to vector<16xi32>
      %gather3A_588 = tpu.vector_load_idx %arg11[%iota3A, %broadcast_in_dim3A_587, %and3A_27] : memref<16x32x128xf32, #tpu.memory_space<vmem>>[vector<16xi32>, vector<16xi32>, vector<16xi32>], vector<16xf32>,
      %swap3A_589 = arith.constant 5 : i32
      %swap3A_590 = arith.index_cast %swap3A_589 : i32 to index
      %swap3A_591 = arith.constant 0 : index
      %swap3A_592 = tpu.vector_load %arg12[%swap3A_590, %swap3A_591] {strides = array<i32>} : memref<32x16xf32, #tpu.memory_space<vmem>>, vector<16xf32>,
      tpu.vector_store %arg12[%swap3A_590, %swap3A_591], %gather3A_588 {strides = array<i32>} : memref<32x16xf32, #tpu.memory_space<vmem>>, vector<16xf32>,
      %broadcast_in_dim3A_593 = arith.constant 6 : i32
      %broadcast_in_dim3A_594 = vector.broadcast %broadcast_in_dim3A_593 : i32 to vector<16xi32>
      %gather3A_595 = tpu.vector_load_idx %arg11[%iota3A, %broadcast_in_dim3A_594, %and3A_27] : memref<16x32x128xf32, #tpu.memory_space<vmem>>[vector<16xi32>, vector<16xi32>, vector<16xi32>], vector<16xf32>,
      %swap3A_596 = arith.constant 6 : i32
      %swap3A_597 = arith.index_cast %swap3A_596 : i32 to index
      %swap3A_598 = arith.constant 0 : index
      %swap3A_599 = tpu.vector_load %arg12[%swap3A_597, %swap3A_598] {strides = array<i32>} : memref<32x16xf32, #tpu.memory_space<vmem>>, vector<16xf32>,
      tpu.vector_store %arg12[%swap3A_597, %swap3A_598], %gather3A_595 {strides = array<i32>} : memref<32x16xf32, #tpu.memory_space<vmem>>, vector<16xf32>,
      %broadcast_in_dim3A_600 = arith.constant 7 : i32
      %broadcast_in_dim3A_601 = vector.broadcast %broadcast_in_dim3A_600 : i32 to vector<16xi32>
      %gather3A_602 = tpu.vector_load_idx %arg11[%iota3A, %broadcast_in_dim3A_601, %and3A_27] : memref<16x32x128xf32, #tpu.memory_space<vmem>>[vector<16xi32>, vector<16xi32>, vector<16xi32>], vector<16xf32>,
      %swap3A_603 = arith.constant 7 : i32
      %swap3A_604 = arith.index_cast %swap3A_603 : i32 to index
      %swap3A_605 = arith.constant 0 : index
      %swap3A_606 = tpu.vector_load %arg12[%swap3A_604, %swap3A_605] {strides = array<i32>} : memref<32x16xf32, #tpu.memory_space<vmem>>, vector<16xf32>,
      tpu.vector_store %arg12[%swap3A_604, %swap3A_605], %gather3A_602 {strides = array<i32>} : memref<32x16xf32, #tpu.memory_space<vmem>>, vector<16xf32>,
      %broadcast_in_dim3A_607 = arith.constant 8 : i32
      %broadcast_in_dim3A_608 = vector.broadcast %broadcast_in_dim3A_607 : i32 to vector<16xi32>
      %gather3A_609 = tpu.vector_load_idx %arg11[%iota3A, %broadcast_in_dim3A_608, %and3A_27] : memref<16x32x128xf32, #tpu.memory_space<vmem>>[vector<16xi32>, vector<16xi32>, vector<16xi32>], vector<16xf32>,
      %swap3A_610 = arith.constant 8 : i32
      %swap3A_611 = arith.index_cast %swap3A_610 : i32 to index
      %swap3A_612 = arith.constant 0 : index
      %swap3A_613 = tpu.vector_load %arg12[%swap3A_611, %swap3A_612] {strides = array<i32>} : memref<32x16xf32, #tpu.memory_space<vmem>>, vector<16xf32>,
      tpu.vector_store %arg12[%swap3A_611, %swap3A_612], %gather3A_609 {strides = array<i32>} : memref<32x16xf32, #tpu.memory_space<vmem>>, vector<16xf32>,
      %broadcast_in_dim3A_614 = arith.constant 9 : i32
      %broadcast_in_dim3A_615 = vector.broadcast %broadcast_in_dim3A_614 : i32 to vector<16xi32>
      %gather3A_616 = tpu.vector_load_idx %arg11[%iota3A, %broadcast_in_dim3A_615, %and3A_27] : memref<16x32x128xf32, #tpu.memory_space<vmem>>[vector<16xi32>, vector<16xi32>, vector<16xi32>], vector<16xf32>,
      %swap3A_617 = arith.constant 9 : i32
      %swap3A_618 = arith.index_cast %swap3A_617 : i32 to index
      %swap3A_619 = arith.constant 0 : index
      %swap3A_620 = tpu.vector_load %arg12[%swap3A_618, %swap3A_619] {strides = array<i32>} : memref<32x16xf32, #tpu.memory_space<vmem>>, vector<16xf32>,
      tpu.vector_store %arg12[%swap3A_618, %swap3A_619], %gather3A_616 {strides = array<i32>} : memref<32x16xf32, #tpu.memory_space<vmem>>, vector<16xf32>,
      %broadcast_in_dim3A_621 = arith.constant 10 : i32
      %broadcast_in_dim3A_622 = vector.broadcast %broadcast_in_dim3A_621 : i32 to vector<16xi32>
      %gather3A_623 = tpu.vector_load_idx %arg11[%iota3A, %broadcast_in_dim3A_622, %and3A_27] : memref<16x32x128xf32, #tpu.memory_space<vmem>>[vector<16xi32>, vector<16xi32>, vector<16xi32>], vector<16xf32>,
      %swap3A_624 = arith.constant 10 : i32
      %swap3A_625 = arith.index_cast %swap3A_624 : i32 to index
      %swap3A_626 = arith.constant 0 : index
      %swap3A_627 = tpu.vector_load %arg12[%swap3A_625, %swap3A_626] {strides = array<i32>} : memref<32x16xf32, #tpu.memory_space<vmem>>, vector<16xf32>,
      tpu.vector_store %arg12[%swap3A_625, %swap3A_626], %gather3A_623 {strides = array<i32>} : memref<32x16xf32, #tpu.memory_space<vmem>>, vector<16xf32>,
      %broadcast_in_dim3A_628 = arith.constant 11 : i32
      %broadcast_in_dim3A_629 = vector.broadcast %broadcast_in_dim3A_628 : i32 to vector<16xi32>
      %gather3A_630 = tpu.vector_load_idx %arg11[%iota3A, %broadcast_in_dim3A_629, %and3A_27] : memref<16x32x128xf32, #tpu.memory_space<vmem>>[vector<16xi32>, vector<16xi32>, vector<16xi32>], vector<16xf32>,
      %swap3A_631 = arith.constant 11 : i32
      %swap3A_632 = arith.index_cast %swap3A_631 : i32 to index
      %swap3A_633 = arith.constant 0 : index
      %swap3A_634 = tpu.vector_load %arg12[%swap3A_632, %swap3A_633] {strides = array<i32>} : memref<32x16xf32, #tpu.memory_space<vmem>>, vector<16xf32>,
      tpu.vector_store %arg12[%swap3A_632, %swap3A_633], %gather3A_630 {strides = array<i32>} : memref<32x16xf32, #tpu.memory_space<vmem>>, vector<16xf32>,
      %broadcast_in_dim3A_635 = arith.constant 12 : i32
      %broadcast_in_dim3A_636 = vector.broadcast %broadcast_in_dim3A_635 : i32 to vector<16xi32>
      %gather3A_637 = tpu.vector_load_idx %arg11[%iota3A, %broadcast_in_dim3A_636, %and3A_27] : memref<16x32x128xf32, #tpu.memory_space<vmem>>[vector<16xi32>, vector<16xi32>, vector<16xi32>], vector<16xf32>,
      %swap3A_638 = arith.constant 12 : i32
      %swap3A_639 = arith.index_cast %swap3A_638 : i32 to index
      %swap3A_640 = arith.constant 0 : index
      %swap3A_641 = tpu.vector_load %arg12[%swap3A_639, %swap3A_640] {strides = array<i32>} : memref<32x16xf32, #tpu.memory_space<vmem>>, vector<16xf32>,
      tpu.vector_store %arg12[%swap3A_639, %swap3A_640], %gather3A_637 {strides = array<i32>} : memref<32x16xf32, #tpu.memory_space<vmem>>, vector<16xf32>,
      %broadcast_in_dim3A_642 = arith.constant 13 : i32
      %broadcast_in_dim3A_643 = vector.broadcast %broadcast_in_dim3A_642 : i32 to vector<16xi32>
      %gather3A_644 = tpu.vector_load_idx %arg11[%iota3A, %broadcast_in_dim3A_643, %and3A_27] : memref<16x32x128xf32, #tpu.memory_space<vmem>>[vector<16xi32>, vector<16xi32>, vector<16xi32>], vector<16xf32>,
      %swap3A_645 = arith.constant 13 : i32
      %swap3A_646 = arith.index_cast %swap3A_645 : i32 to index
      %swap3A_647 = arith.constant 0 : index
      %swap3A_648 = tpu.vector_load %arg12[%swap3A_646, %swap3A_647] {strides = array<i32>} : memref<32x16xf32, #tpu.memory_space<vmem>>, vector<16xf32>,
      tpu.vector_store %arg12[%swap3A_646, %swap3A_647], %gather3A_644 {strides = array<i32>} : memref<32x16xf32, #tpu.memory_space<vmem>>, vector<16xf32>,
      %broadcast_in_dim3A_649 = arith.constant 14 : i32
      %broadcast_in_dim3A_650 = vector.broadcast %broadcast_in_dim3A_649 : i32 to vector<16xi32>
      %gather3A_651 = tpu.vector_load_idx %arg11[%iota3A, %broadcast_in_dim3A_650, %and3A_27] : memref<16x32x128xf32, #tpu.memory_space<vmem>>[vector<16xi32>, vector<16xi32>, vector<16xi32>], vector<16xf32>,
      %swap3A_652 = arith.constant 14 : i32
      %swap3A_653 = arith.index_cast %swap3A_652 : i32 to index
      %swap3A_654 = arith.constant 0 : index
      %swap3A_655 = tpu.vector_load %arg12[%swap3A_653, %swap3A_654] {strides = array<i32>} : memref<32x16xf32, #tpu.memory_space<vmem>>, vector<16xf32>,
      tpu.vector_store %arg12[%swap3A_653, %swap3A_654], %gather3A_651 {strides = array<i32>} : memref<32x16xf32, #tpu.memory_space<vmem>>, vector<16xf32>,
      %broadcast_in_dim3A_656 = arith.constant 15 : i32
      %broadcast_in_dim3A_657 = vector.broadcast %broadcast_in_dim3A_656 : i32 to vector<16xi32>
      %gather3A_658 = tpu.vector_load_idx %arg11[%iota3A, %broadcast_in_dim3A_657, %and3A_27] : memref<16x32x128xf32, #tpu.memory_space<vmem>>[vector<16xi32>, vector<16xi32>, vector<16xi32>], vector<16xf32>,
      %swap3A_659 = arith.constant 15 : i32
      %swap3A_660 = arith.index_cast %swap3A_659 : i32 to index
      %swap3A_661 = arith.constant 0 : index
      %swap3A_662 = tpu.vector_load %arg12[%swap3A_660, %swap3A_661] {strides = array<i32>} : memref<32x16xf32, #tpu.memory_space<vmem>>, vector<16xf32>,
      tpu.vector_store %arg12[%swap3A_660, %swap3A_661], %gather3A_658 {strides = array<i32>} : memref<32x16xf32, #tpu.memory_space<vmem>>, vector<16xf32>,
      %broadcast_in_dim3A_663 = arith.constant 16 : i32
      %broadcast_in_dim3A_664 = vector.broadcast %broadcast_in_dim3A_663 : i32 to vector<16xi32>
      %gather3A_665 = tpu.vector_load_idx %arg11[%iota3A, %broadcast_in_dim3A_664, %and3A_27] : memref<16x32x128xf32, #tpu.memory_space<vmem>>[vector<16xi32>, vector<16xi32>, vector<16xi32>], vector<16xf32>,
      %swap3A_666 = arith.constant 16 : i32
      %swap3A_667 = arith.index_cast %swap3A_666 : i32 to index
      %swap3A_668 = arith.constant 0 : index
      %swap3A_669 = tpu.vector_load %arg12[%swap3A_667, %swap3A_668] {strides = array<i32>} : memref<32x16xf32, #tpu.memory_space<vmem>>, vector<16xf32>,
      tpu.vector_store %arg12[%swap3A_667, %swap3A_668], %gather3A_665 {strides = array<i32>} : memref<32x16xf32, #tpu.memory_space<vmem>>, vector<16xf32>,
      %broadcast_in_dim3A_670 = arith.constant 17 : i32
      %broadcast_in_dim3A_671 = vector.broadcast %broadcast_in_dim3A_670 : i32 to vector<16xi32>
      %gather3A_672 = tpu.vector_load_idx %arg11[%iota3A, %broadcast_in_dim3A_671, %and3A_27] : memref<16x32x128xf32, #tpu.memory_space<vmem>>[vector<16xi32>, vector<16xi32>, vector<16xi32>], vector<16xf32>,
      %swap3A_673 = arith.constant 17 : i32
      %swap3A_674 = arith.index_cast %swap3A_673 : i32 to index
      %swap3A_675 = arith.constant 0 : index
      %swap3A_676 = tpu.vector_load %arg12[%swap3A_674, %swap3A_675] {strides = array<i32>} : memref<32x16xf32, #tpu.memory_space<vmem>>, vector<16xf32>,
      tpu.vector_store %arg12[%swap3A_674, %swap3A_675], %gather3A_672 {strides = array<i32>} : memref<32x16xf32, #tpu.memory_space<vmem>>, vector<16xf32>,
      %broadcast_in_dim3A_677 = arith.constant 18 : i32
      %broadcast_in_dim3A_678 = vector.broadcast %broadcast_in_dim3A_677 : i32 to vector<16xi32>
      %gather3A_679 = tpu.vector_load_idx %arg11[%iota3A, %broadcast_in_dim3A_678, %and3A_27] : memref<16x32x128xf32, #tpu.memory_space<vmem>>[vector<16xi32>, vector<16xi32>, vector<16xi32>], vector<16xf32>,
      %swap3A_680 = arith.constant 18 : i32
      %swap3A_681 = arith.index_cast %swap3A_680 : i32 to index
      %swap3A_682 = arith.constant 0 : index
      %swap3A_683 = tpu.vector_load %arg12[%swap3A_681, %swap3A_682] {strides = array<i32>} : memref<32x16xf32, #tpu.memory_space<vmem>>, vector<16xf32>,
      tpu.vector_store %arg12[%swap3A_681, %swap3A_682], %gather3A_679 {strides = array<i32>} : memref<32x16xf32, #tpu.memory_space<vmem>>, vector<16xf32>,
      %broadcast_in_dim3A_684 = arith.constant 19 : i32
      %broadcast_in_dim3A_685 = vector.broadcast %broadcast_in_dim3A_684 : i32 to vector<16xi32>
      %gather3A_686 = tpu.vector_load_idx %arg11[%iota3A, %broadcast_in_dim3A_685, %and3A_27] : memref<16x32x128xf32, #tpu.memory_space<vmem>>[vector<16xi32>, vector<16xi32>, vector<16xi32>], vector<16xf32>,
      %swap3A_687 = arith.constant 19 : i32
      %swap3A_688 = arith.index_cast %swap3A_687 : i32 to index
      %swap3A_689 = arith.constant 0 : index
      %swap3A_690 = tpu.vector_load %arg12[%swap3A_688, %swap3A_689] {strides = array<i32>} : memref<32x16xf32, #tpu.memory_space<vmem>>, vector<16xf32>,
      tpu.vector_store %arg12[%swap3A_688, %swap3A_689], %gather3A_686 {strides = array<i32>} : memref<32x16xf32, #tpu.memory_space<vmem>>, vector<16xf32>,
      %broadcast_in_dim3A_691 = arith.constant 20 : i32
      %broadcast_in_dim3A_692 = vector.broadcast %broadcast_in_dim3A_691 : i32 to vector<16xi32>
      %gather3A_693 = tpu.vector_load_idx %arg11[%iota3A, %broadcast_in_dim3A_692, %and3A_27] : memref<16x32x128xf32, #tpu.memory_space<vmem>>[vector<16xi32>, vector<16xi32>, vector<16xi32>], vector<16xf32>,
      %swap3A_694 = arith.constant 20 : i32
      %swap3A_695 = arith.index_cast %swap3A_694 : i32 to index
      %swap3A_696 = arith.constant 0 : index
      %swap3A_697 = tpu.vector_load %arg12[%swap3A_695, %swap3A_696] {strides = array<i32>} : memref<32x16xf32, #tpu.memory_space<vmem>>, vector<16xf32>,
      tpu.vector_store %arg12[%swap3A_695, %swap3A_696], %gather3A_693 {strides = array<i32>} : memref<32x16xf32, #tpu.memory_space<vmem>>, vector<16xf32>,
      %broadcast_in_dim3A_698 = arith.constant 21 : i32
      %broadcast_in_dim3A_699 = vector.broadcast %broadcast_in_dim3A_698 : i32 to vector<16xi32>
      %gather3A_700 = tpu.vector_load_idx %arg11[%iota3A, %broadcast_in_dim3A_699, %and3A_27] : memref<16x32x128xf32, #tpu.memory_space<vmem>>[vector<16xi32>, vector<16xi32>, vector<16xi32>], vector<16xf32>,
      %swap3A_701 = arith.constant 21 : i32
      %swap3A_702 = arith.index_cast %swap3A_701 : i32 to index
      %swap3A_703 = arith.constant 0 : index
      %swap3A_704 = tpu.vector_load %arg12[%swap3A_702, %swap3A_703] {strides = array<i32>} : memref<32x16xf32, #tpu.memory_space<vmem>>, vector<16xf32>,
      tpu.vector_store %arg12[%swap3A_702, %swap3A_703], %gather3A_700 {strides = array<i32>} : memref<32x16xf32, #tpu.memory_space<vmem>>, vector<16xf32>,
      %broadcast_in_dim3A_705 = arith.constant 22 : i32
      %broadcast_in_dim3A_706 = vector.broadcast %broadcast_in_dim3A_705 : i32 to vector<16xi32>
      %gather3A_707 = tpu.vector_load_idx %arg11[%iota3A, %broadcast_in_dim3A_706, %and3A_27] : memref<16x32x128xf32, #tpu.memory_space<vmem>>[vector<16xi32>, vector<16xi32>, vector<16xi32>], vector<16xf32>,
      %swap3A_708 = arith.constant 22 : i32
      %swap3A_709 = arith.index_cast %swap3A_708 : i32 to index
      %swap3A_710 = arith.constant 0 : index
      %swap3A_711 = tpu.vector_load %arg12[%swap3A_709, %swap3A_710] {strides = array<i32>} : memref<32x16xf32, #tpu.memory_space<vmem>>, vector<16xf32>,
      tpu.vector_store %arg12[%swap3A_709, %swap3A_710], %gather3A_707 {strides = array<i32>} : memref<32x16xf32, #tpu.memory_space<vmem>>, vector<16xf32>,
      %broadcast_in_dim3A_712 = arith.constant 23 : i32
      %broadcast_in_dim3A_713 = vector.broadcast %broadcast_in_dim3A_712 : i32 to vector<16xi32>
      %gather3A_714 = tpu.vector_load_idx %arg11[%iota3A, %broadcast_in_dim3A_713, %and3A_27] : memref<16x32x128xf32, #tpu.memory_space<vmem>>[vector<16xi32>, vector<16xi32>, vector<16xi32>], vector<16xf32>,
      %swap3A_715 = arith.constant 23 : i32
      %swap3A_716 = arith.index_cast %swap3A_715 : i32 to index
      %swap3A_717 = arith.constant 0 : index
      %swap3A_718 = tpu.vector_load %arg12[%swap3A_716, %swap3A_717] {strides = array<i32>} : memref<32x16xf32, #tpu.memory_space<vmem>>, vector<16xf32>,
      tpu.vector_store %arg12[%swap3A_716, %swap3A_717], %gather3A_714 {strides = array<i32>} : memref<32x16xf32, #tpu.memory_space<vmem>>, vector<16xf32>,
      %broadcast_in_dim3A_719 = arith.constant 24 : i32
      %broadcast_in_dim3A_720 = vector.broadcast %broadcast_in_dim3A_719 : i32 to vector<16xi32>
      %gather3A_721 = tpu.vector_load_idx %arg11[%iota3A, %broadcast_in_dim3A_720, %and3A_27] : memref<16x32x128xf32, #tpu.memory_space<vmem>>[vector<16xi32>, vector<16xi32>, vector<16xi32>], vector<16xf32>,
      %swap3A_722 = arith.constant 24 : i32
      %swap3A_723 = arith.index_cast %swap3A_722 : i32 to index
      %swap3A_724 = arith.constant 0 : index
      %swap3A_725 = tpu.vector_load %arg12[%swap3A_723, %swap3A_724] {strides = array<i32>} : memref<32x16xf32, #tpu.memory_space<vmem>>, vector<16xf32>,
      tpu.vector_store %arg12[%swap3A_723, %swap3A_724], %gather3A_721 {strides = array<i32>} : memref<32x16xf32, #tpu.memory_space<vmem>>, vector<16xf32>,
      %broadcast_in_dim3A_726 = arith.constant 25 : i32
      %broadcast_in_dim3A_727 = vector.broadcast %broadcast_in_dim3A_726 : i32 to vector<16xi32>
      %gather3A_728 = tpu.vector_load_idx %arg11[%iota3A, %broadcast_in_dim3A_727, %and3A_27] : memref<16x32x128xf32, #tpu.memory_space<vmem>>[vector<16xi32>, vector<16xi32>, vector<16xi32>], vector<16xf32>,
      %swap3A_729 = arith.constant 25 : i32
      %swap3A_730 = arith.index_cast %swap3A_729 : i32 to index
      %swap3A_731 = arith.constant 0 : index
      %swap3A_732 = tpu.vector_load %arg12[%swap3A_730, %swap3A_731] {strides = array<i32>} : memref<32x16xf32, #tpu.memory_space<vmem>>, vector<16xf32>,
      tpu.vector_store %arg12[%swap3A_730, %swap3A_731], %gather3A_728 {strides = array<i32>} : memref<32x16xf32, #tpu.memory_space<vmem>>, vector<16xf32>,
      %broadcast_in_dim3A_733 = arith.constant 26 : i32
      %broadcast_in_dim3A_734 = vector.broadcast %broadcast_in_dim3A_733 : i32 to vector<16xi32>
      %gather3A_735 = tpu.vector_load_idx %arg11[%iota3A, %broadcast_in_dim3A_734, %and3A_27] : memref<16x32x128xf32, #tpu.memory_space<vmem>>[vector<16xi32>, vector<16xi32>, vector<16xi32>], vector<16xf32>,
      %swap3A_736 = arith.constant 26 : i32
      %swap3A_737 = arith.index_cast %swap3A_736 : i32 to index
      %swap3A_738 = arith.constant 0 : index
      %swap3A_739 = tpu.vector_load %arg12[%swap3A_737, %swap3A_738] {strides = array<i32>} : memref<32x16xf32, #tpu.memory_space<vmem>>, vector<16xf32>,
      tpu.vector_store %arg12[%swap3A_737, %swap3A_738], %gather3A_735 {strides = array<i32>} : memref<32x16xf32, #tpu.memory_space<vmem>>, vector<16xf32>,
      %broadcast_in_dim3A_740 = arith.constant 27 : i32
      %broadcast_in_dim3A_741 = vector.broadcast %broadcast_in_dim3A_740 : i32 to vector<16xi32>
      %gather3A_742 = tpu.vector_load_idx %arg11[%iota3A, %broadcast_in_dim3A_741, %and3A_27] : memref<16x32x128xf32, #tpu.memory_space<vmem>>[vector<16xi32>, vector<16xi32>, vector<16xi32>], vector<16xf32>,
      %swap3A_743 = arith.constant 27 : i32
      %swap3A_744 = arith.index_cast %swap3A_743 : i32 to index
      %swap3A_745 = arith.constant 0 : index
      %swap3A_746 = tpu.vector_load %arg12[%swap3A_744, %swap3A_745] {strides = array<i32>} : memref<32x16xf32, #tpu.memory_space<vmem>>, vector<16xf32>,
      tpu.vector_store %arg12[%swap3A_744, %swap3A_745], %gather3A_742 {strides = array<i32>} : memref<32x16xf32, #tpu.memory_space<vmem>>, vector<16xf32>,
      %broadcast_in_dim3A_747 = arith.constant 28 : i32
      %broadcast_in_dim3A_748 = vector.broadcast %broadcast_in_dim3A_747 : i32 to vector<16xi32>
      %gather3A_749 = tpu.vector_load_idx %arg11[%iota3A, %broadcast_in_dim3A_748, %and3A_27] : memref<16x32x128xf32, #tpu.memory_space<vmem>>[vector<16xi32>, vector<16xi32>, vector<16xi32>], vector<16xf32>,
      %swap3A_750 = arith.constant 28 : i32
      %swap3A_751 = arith.index_cast %swap3A_750 : i32 to index
      %swap3A_752 = arith.constant 0 : index
      %swap3A_753 = tpu.vector_load %arg12[%swap3A_751, %swap3A_752] {strides = array<i32>} : memref<32x16xf32, #tpu.memory_space<vmem>>, vector<16xf32>,
      tpu.vector_store %arg12[%swap3A_751, %swap3A_752], %gather3A_749 {strides = array<i32>} : memref<32x16xf32, #tpu.memory_space<vmem>>, vector<16xf32>,
      %broadcast_in_dim3A_754 = arith.constant 29 : i32
      %broadcast_in_dim3A_755 = vector.broadcast %broadcast_in_dim3A_754 : i32 to vector<16xi32>
      %gather3A_756 = tpu.vector_load_idx %arg11[%iota3A, %broadcast_in_dim3A_755, %and3A_27] : memref<16x32x128xf32, #tpu.memory_space<vmem>>[vector<16xi32>, vector<16xi32>, vector<16xi32>], vector<16xf32>,
      %swap3A_757 = arith.constant 29 : i32
      %swap3A_758 = arith.index_cast %swap3A_757 : i32 to index
      %swap3A_759 = arith.constant 0 : index
      %swap3A_760 = tpu.vector_load %arg12[%swap3A_758, %swap3A_759] {strides = array<i32>} : memref<32x16xf32, #tpu.memory_space<vmem>>, vector<16xf32>,
      tpu.vector_store %arg12[%swap3A_758, %swap3A_759], %gather3A_756 {strides = array<i32>} : memref<32x16xf32, #tpu.memory_space<vmem>>, vector<16xf32>,
      %broadcast_in_dim3A_761 = arith.constant 30 : i32
      %broadcast_in_dim3A_762 = vector.broadcast %broadcast_in_dim3A_761 : i32 to vector<16xi32>
      %gather3A_763 = tpu.vector_load_idx %arg11[%iota3A, %broadcast_in_dim3A_762, %and3A_27] : memref<16x32x128xf32, #tpu.memory_space<vmem>>[vector<16xi32>, vector<16xi32>, vector<16xi32>], vector<16xf32>,
      %swap3A_764 = arith.constant 30 : i32
      %swap3A_765 = arith.index_cast %swap3A_764 : i32 to index
      %swap3A_766 = arith.constant 0 : index
      %swap3A_767 = tpu.vector_load %arg12[%swap3A_765, %swap3A_766] {strides = array<i32>} : memref<32x16xf32, #tpu.memory_space<vmem>>, vector<16xf32>,
      tpu.vector_store %arg12[%swap3A_765, %swap3A_766], %gather3A_763 {strides = array<i32>} : memref<32x16xf32, #tpu.memory_space<vmem>>, vector<16xf32>,
      %broadcast_in_dim3A_768 = arith.constant 31 : i32
      %broadcast_in_dim3A_769 = vector.broadcast %broadcast_in_dim3A_768 : i32 to vector<16xi32>
      %gather3A_770 = tpu.vector_load_idx %arg11[%iota3A, %broadcast_in_dim3A_769, %and3A_27] : memref<16x32x128xf32, #tpu.memory_space<vmem>>[vector<16xi32>, vector<16xi32>, vector<16xi32>], vector<16xf32>,
      %swap3A_771 = arith.constant 31 : i32
      %swap3A_772 = arith.index_cast %swap3A_771 : i32 to index
      %swap3A_773 = arith.constant 0 : index
      %swap3A_774 = tpu.vector_load %arg12[%swap3A_772, %swap3A_773] {strides = array<i32>} : memref<32x16xf32, #tpu.memory_space<vmem>>, vector<16xf32>,
      tpu.vector_store %arg12[%swap3A_772, %swap3A_773], %gather3A_770 {strides = array<i32>} : memref<32x16xf32, #tpu.memory_space<vmem>>, vector<16xf32>,
      %slice3A_775 = vector.extract_strided_slice %get3A_25 {offsets = [0], sizes = [1], strides = [1]} : vector<16xi32> to vector<1xi32>
      %squeeze3A_776 = vector.extract %slice3A_775[0] : i32 from vector<1xi32>
      %shift_right_arithmetic3A_777 = arith.constant 7 : i32
      %shift_right_arithmetic3A_778 = arith.shrsi %squeeze3A_776, %shift_right_arithmetic3A_777 : i32
      %shift_left3A_779 = arith.constant 7 : i32
      %shift_left3A_780 = arith.shli %shift_right_arithmetic3A_778, %shift_left3A_779 : i32
      %multiple_of3A_781 = tpu.assume_multiple %shift_left3A_780, 128 : i32
      %dma_start3A_782 = arith.constant 0 : i32
      %dma_start3A_783 = arith.constant 0 : i32
      %dma_start3A_784 = arith.constant 0 : i32
      %dma_start3A_785 = tpu.memref_slice %arg11[%dma_start3A_782, %dma_start3A_783, %dma_start3A_784] : memref<16x32x128xf32, #tpu.memory_space<vmem>> -> memref<1x32x128xf32, #tpu.memory_space<vmem>>
      %dma_start3A_786 = tpu.memref_squeeze %dma_start3A_785 : memref<1x32x128xf32, #tpu.memory_space<vmem>> -> memref<32x128xf32, #tpu.memory_space<vmem>>
      %dma_start3A_787 = arith.constant 0 : i32
      %dma_start3A_788 = tpu.memref_slice %arg5[%dma_start3A_787, %multiple_of3A_781] : memref<32x1000001xf32, #tpu.memory_space<hbm>> -> memref<32x128xf32, #tpu.memory_space<hbm>>
      %dma_start3A_789 = arith.constant 0 : i32
      %dma_start3A_790 = arith.constant 0 : i32
      %dma_start3A_791 = tpu.memref_slice %arg11[%dma_start3A_782, %dma_start3A_789, %dma_start3A_790] : memref<16x32x128xf32, #tpu.memory_space<vmem>> -> memref<1x32x128xf32, #tpu.memory_space<vmem>>
      %dma_start3A_792 = tpu.memref_squeeze %dma_start3A_791 : memref<1x32x128xf32, #tpu.memory_space<vmem>> -> memref<32x128xf32, #tpu.memory_space<vmem>>
      %dma_start3A_793 = arith.constant 0 : i32
      %dma_start3A_794 = tpu.memref_slice %arg5[%dma_start3A_793, %multiple_of3A_781] : memref<32x1000001xf32, #tpu.memory_space<hbm>> -> memref<32x128xf32, #tpu.memory_space<hbm>>
      tpu.enqueue_dma source(%dma_start3A_794 : memref<32x128xf32, #tpu.memory_space<hbm>>) target(%dma_start3A_792 : memref<32x128xf32, #tpu.memory_space<vmem>>) target_semaphore(%arg17 : memref<!tpu.dma_semaphore, #tpu.memory_space<semaphore_mem>>)
      %slice3A_795 = vector.extract_strided_slice %get3A_25 {offsets = [1], sizes = [1], strides = [1]} : vector<16xi32> to vector<1xi32>
      %squeeze3A_796 = vector.extract %slice3A_795[0] : i32 from vector<1xi32>
      %shift_right_arithmetic3A_797 = arith.constant 7 : i32
      %shift_right_arithmetic3A_798 = arith.shrsi %squeeze3A_796, %shift_right_arithmetic3A_797 : i32
      %shift_left3A_799 = arith.constant 7 : i32
      %shift_left3A_800 = arith.shli %shift_right_arithmetic3A_798, %shift_left3A_799 : i32
      %multiple_of3A_801 = tpu.assume_multiple %shift_left3A_800, 128 : i32
      %dma_start3A_802 = arith.constant 1 : i32
      %dma_start3A_803 = arith.constant 0 : i32
      %dma_start3A_804 = arith.constant 0 : i32
      %dma_start3A_805 = tpu.memref_slice %arg11[%dma_start3A_802, %dma_start3A_803, %dma_start3A_804] : memref<16x32x128xf32, #tpu.memory_space<vmem>> -> memref<1x32x128xf32, #tpu.memory_space<vmem>>
      %dma_start3A_806 = tpu.memref_squeeze %dma_start3A_805 : memref<1x32x128xf32, #tpu.memory_space<vmem>> -> memref<32x128xf32, #tpu.memory_space<vmem>>
      %dma_start3A_807 = arith.constant 0 : i32
      %dma_start3A_808 = tpu.memref_slice %arg5[%dma_start3A_807, %multiple_of3A_801] : memref<32x1000001xf32, #tpu.memory_space<hbm>> -> memref<32x128xf32, #tpu.memory_space<hbm>>
      %dma_start3A_809 = arith.constant 0 : i32
      %dma_start3A_810 = arith.constant 0 : i32
      %dma_start3A_811 = tpu.memref_slice %arg11[%dma_start3A_802, %dma_start3A_809, %dma_start3A_810] : memref<16x32x128xf32, #tpu.memory_space<vmem>> -> memref<1x32x128xf32, #tpu.memory_space<vmem>>
      %dma_start3A_812 = tpu.memref_squeeze %dma_start3A_811 : memref<1x32x128xf32, #tpu.memory_space<vmem>> -> memref<32x128xf32, #tpu.memory_space<vmem>>
      %dma_start3A_813 = arith.constant 0 : i32
      %dma_start3A_814 = tpu.memref_slice %arg5[%dma_start3A_813, %multiple_of3A_801] : memref<32x1000001xf32, #tpu.memory_space<hbm>> -> memref<32x128xf32, #tpu.memory_space<hbm>>
      tpu.enqueue_dma source(%dma_start3A_814 : memref<32x128xf32, #tpu.memory_space<hbm>>) target(%dma_start3A_812 : memref<32x128xf32, #tpu.memory_space<vmem>>) target_semaphore(%arg17 : memref<!tpu.dma_semaphore, #tpu.memory_space<semaphore_mem>>)
      %slice3A_815 = vector.extract_strided_slice %get3A_25 {offsets = [2], sizes = [1], strides = [1]} : vector<16xi32> to vector<1xi32>
      %squeeze3A_816 = vector.extract %slice3A_815[0] : i32 from vector<1xi32>
      %shift_right_arithmetic3A_817 = arith.constant 7 : i32
      %shift_right_arithmetic3A_818 = arith.shrsi %squeeze3A_816, %shift_right_arithmetic3A_817 : i32
      %shift_left3A_819 = arith.constant 7 : i32
      %shift_left3A_820 = arith.shli %shift_right_arithmetic3A_818, %shift_left3A_819 : i32
      %multiple_of3A_821 = tpu.assume_multiple %shift_left3A_820, 128 : i32
      %dma_start3A_822 = arith.constant 2 : i32
      %dma_start3A_823 = arith.constant 0 : i32
      %dma_start3A_824 = arith.constant 0 : i32
      %dma_start3A_825 = tpu.memref_slice %arg11[%dma_start3A_822, %dma_start3A_823, %dma_start3A_824] : memref<16x32x128xf32, #tpu.memory_space<vmem>> -> memref<1x32x128xf32, #tpu.memory_space<vmem>>
      %dma_start3A_826 = tpu.memref_squeeze %dma_start3A_825 : memref<1x32x128xf32, #tpu.memory_space<vmem>> -> memref<32x128xf32, #tpu.memory_space<vmem>>
      %dma_start3A_827 = arith.constant 0 : i32
      %dma_start3A_828 = tpu.memref_slice %arg5[%dma_start3A_827, %multiple_of3A_821] : memref<32x1000001xf32, #tpu.memory_space<hbm>> -> memref<32x128xf32, #tpu.memory_space<hbm>>
      %dma_start3A_829 = arith.constant 0 : i32
      %dma_start3A_830 = arith.constant 0 : i32
      %dma_start3A_831 = tpu.memref_slice %arg11[%dma_start3A_822, %dma_start3A_829, %dma_start3A_830] : memref<16x32x128xf32, #tpu.memory_space<vmem>> -> memref<1x32x128xf32, #tpu.memory_space<vmem>>
      %dma_start3A_832 = tpu.memref_squeeze %dma_start3A_831 : memref<1x32x128xf32, #tpu.memory_space<vmem>> -> memref<32x128xf32, #tpu.memory_space<vmem>>
      %dma_start3A_833 = arith.constant 0 : i32
      %dma_start3A_834 = tpu.memref_slice %arg5[%dma_start3A_833, %multiple_of3A_821] : memref<32x1000001xf32, #tpu.memory_space<hbm>> -> memref<32x128xf32, #tpu.memory_space<hbm>>
      tpu.enqueue_dma source(%dma_start3A_834 : memref<32x128xf32, #tpu.memory_space<hbm>>) target(%dma_start3A_832 : memref<32x128xf32, #tpu.memory_space<vmem>>) target_semaphore(%arg17 : memref<!tpu.dma_semaphore, #tpu.memory_space<semaphore_mem>>)
      %slice3A_835 = vector.extract_strided_slice %get3A_25 {offsets = [3], sizes = [1], strides = [1]} : vector<16xi32> to vector<1xi32>
      %squeeze3A_836 = vector.extract %slice3A_835[0] : i32 from vector<1xi32>
      %shift_right_arithmetic3A_837 = arith.constant 7 : i32
      %shift_right_arithmetic3A_838 = arith.shrsi %squeeze3A_836, %shift_right_arithmetic3A_837 : i32
      %shift_left3A_839 = arith.constant 7 : i32
      %shift_left3A_840 = arith.shli %shift_right_arithmetic3A_838, %shift_left3A_839 : i32
      %multiple_of3A_841 = tpu.assume_multiple %shift_left3A_840, 128 : i32
      %dma_start3A_842 = arith.constant 3 : i32
      %dma_start3A_843 = arith.constant 0 : i32
      %dma_start3A_844 = arith.constant 0 : i32
      %dma_start3A_845 = tpu.memref_slice %arg11[%dma_start3A_842, %dma_start3A_843, %dma_start3A_844] : memref<16x32x128xf32, #tpu.memory_space<vmem>> -> memref<1x32x128xf32, #tpu.memory_space<vmem>>
      %dma_start3A_846 = tpu.memref_squeeze %dma_start3A_845 : memref<1x32x128xf32, #tpu.memory_space<vmem>> -> memref<32x128xf32, #tpu.memory_space<vmem>>
      %dma_start3A_847 = arith.constant 0 : i32
      %dma_start3A_848 = tpu.memref_slice %arg5[%dma_start3A_847, %multiple_of3A_841] : memref<32x1000001xf32, #tpu.memory_space<hbm>> -> memref<32x128xf32, #tpu.memory_space<hbm>>
      %dma_start3A_849 = arith.constant 0 : i32
      %dma_start3A_850 = arith.constant 0 : i32
      %dma_start3A_851 = tpu.memref_slice %arg11[%dma_start3A_842, %dma_start3A_849, %dma_start3A_850] : memref<16x32x128xf32, #tpu.memory_space<vmem>> -> memref<1x32x128xf32, #tpu.memory_space<vmem>>
      %dma_start3A_852 = tpu.memref_squeeze %dma_start3A_851 : memref<1x32x128xf32, #tpu.memory_space<vmem>> -> memref<32x128xf32, #tpu.memory_space<vmem>>
      %dma_start3A_853 = arith.constant 0 : i32
      %dma_start3A_854 = tpu.memref_slice %arg5[%dma_start3A_853, %multiple_of3A_841] : memref<32x1000001xf32, #tpu.memory_space<hbm>> -> memref<32x128xf32, #tpu.memory_space<hbm>>
      tpu.enqueue_dma source(%dma_start3A_854 : memref<32x128xf32, #tpu.memory_space<hbm>>) target(%dma_start3A_852 : memref<32x128xf32, #tpu.memory_space<vmem>>) target_semaphore(%arg17 : memref<!tpu.dma_semaphore, #tpu.memory_space<semaphore_mem>>)
      %slice3A_855 = vector.extract_strided_slice %get3A_25 {offsets = [4], sizes = [1], strides = [1]} : vector<16xi32> to vector<1xi32>
      %squeeze3A_856 = vector.extract %slice3A_855[0] : i32 from vector<1xi32>
      %shift_right_arithmetic3A_857 = arith.constant 7 : i32
      %shift_right_arithmetic3A_858 = arith.shrsi %squeeze3A_856, %shift_right_arithmetic3A_857 : i32
      %shift_left3A_859 = arith.constant 7 : i32
      %shift_left3A_860 = arith.shli %shift_right_arithmetic3A_858, %shift_left3A_859 : i32
      %multiple_of3A_861 = tpu.assume_multiple %shift_left3A_860, 128 : i32
      %dma_start3A_862 = arith.constant 4 : i32
      %dma_start3A_863 = arith.constant 0 : i32
      %dma_start3A_864 = arith.constant 0 : i32
      %dma_start3A_865 = tpu.memref_slice %arg11[%dma_start3A_862, %dma_start3A_863, %dma_start3A_864] : memref<16x32x128xf32, #tpu.memory_space<vmem>> -> memref<1x32x128xf32, #tpu.memory_space<vmem>>
      %dma_start3A_866 = tpu.memref_squeeze %dma_start3A_865 : memref<1x32x128xf32, #tpu.memory_space<vmem>> -> memref<32x128xf32, #tpu.memory_space<vmem>>
      %dma_start3A_867 = arith.constant 0 : i32
      %dma_start3A_868 = tpu.memref_slice %arg5[%dma_start3A_867, %multiple_of3A_861] : memref<32x1000001xf32, #tpu.memory_space<hbm>> -> memref<32x128xf32, #tpu.memory_space<hbm>>
      %dma_start3A_869 = arith.constant 0 : i32
      %dma_start3A_870 = arith.constant 0 : i32
      %dma_start3A_871 = tpu.memref_slice %arg11[%dma_start3A_862, %dma_start3A_869, %dma_start3A_870] : memref<16x32x128xf32, #tpu.memory_space<vmem>> -> memref<1x32x128xf32, #tpu.memory_space<vmem>>
      %dma_start3A_872 = tpu.memref_squeeze %dma_start3A_871 : memref<1x32x128xf32, #tpu.memory_space<vmem>> -> memref<32x128xf32, #tpu.memory_space<vmem>>
      %dma_start3A_873 = arith.constant 0 : i32
      %dma_start3A_874 = tpu.memref_slice %arg5[%dma_start3A_873, %multiple_of3A_861] : memref<32x1000001xf32, #tpu.memory_space<hbm>> -> memref<32x128xf32, #tpu.memory_space<hbm>>
      tpu.enqueue_dma source(%dma_start3A_874 : memref<32x128xf32, #tpu.memory_space<hbm>>) target(%dma_start3A_872 : memref<32x128xf32, #tpu.memory_space<vmem>>) target_semaphore(%arg17 : memref<!tpu.dma_semaphore, #tpu.memory_space<semaphore_mem>>)
      %slice3A_875 = vector.extract_strided_slice %get3A_25 {offsets = [5], sizes = [1], strides = [1]} : vector<16xi32> to vector<1xi32>
      %squeeze3A_876 = vector.extract %slice3A_875[0] : i32 from vector<1xi32>
      %shift_right_arithmetic3A_877 = arith.constant 7 : i32
      %shift_right_arithmetic3A_878 = arith.shrsi %squeeze3A_876, %shift_right_arithmetic3A_877 : i32
      %shift_left3A_879 = arith.constant 7 : i32
      %shift_left3A_880 = arith.shli %shift_right_arithmetic3A_878, %shift_left3A_879 : i32
      %multiple_of3A_881 = tpu.assume_multiple %shift_left3A_880, 128 : i32
      %dma_start3A_882 = arith.constant 5 : i32
      %dma_start3A_883 = arith.constant 0 : i32
      %dma_start3A_884 = arith.constant 0 : i32
      %dma_start3A_885 = tpu.memref_slice %arg11[%dma_start3A_882, %dma_start3A_883, %dma_start3A_884] : memref<16x32x128xf32, #tpu.memory_space<vmem>> -> memref<1x32x128xf32, #tpu.memory_space<vmem>>
      %dma_start3A_886 = tpu.memref_squeeze %dma_start3A_885 : memref<1x32x128xf32, #tpu.memory_space<vmem>> -> memref<32x128xf32, #tpu.memory_space<vmem>>
      %dma_start3A_887 = arith.constant 0 : i32
      %dma_start3A_888 = tpu.memref_slice %arg5[%dma_start3A_887, %multiple_of3A_881] : memref<32x1000001xf32, #tpu.memory_space<hbm>> -> memref<32x128xf32, #tpu.memory_space<hbm>>
      %dma_start3A_889 = arith.constant 0 : i32
      %dma_start3A_890 = arith.constant 0 : i32
      %dma_start3A_891 = tpu.memref_slice %arg11[%dma_start3A_882, %dma_start3A_889, %dma_start3A_890] : memref<16x32x128xf32, #tpu.memory_space<vmem>> -> memref<1x32x128xf32, #tpu.memory_space<vmem>>
      %dma_start3A_892 = tpu.memref_squeeze %dma_start3A_891 : memref<1x32x128xf32, #tpu.memory_space<vmem>> -> memref<32x128xf32, #tpu.memory_space<vmem>>
      %dma_start3A_893 = arith.constant 0 : i32
      %dma_start3A_894 = tpu.memref_slice %arg5[%dma_start3A_893, %multiple_of3A_881] : memref<32x1000001xf32, #tpu.memory_space<hbm>> -> memref<32x128xf32, #tpu.memory_space<hbm>>
      tpu.enqueue_dma source(%dma_start3A_894 : memref<32x128xf32, #tpu.memory_space<hbm>>) target(%dma_start3A_892 : memref<32x128xf32, #tpu.memory_space<vmem>>) target_semaphore(%arg17 : memref<!tpu.dma_semaphore, #tpu.memory_space<semaphore_mem>>)
      %slice3A_895 = vector.extract_strided_slice %get3A_25 {offsets = [6], sizes = [1], strides = [1]} : vector<16xi32> to vector<1xi32>
      %squeeze3A_896 = vector.extract %slice3A_895[0] : i32 from vector<1xi32>
      %shift_right_arithmetic3A_897 = arith.constant 7 : i32
      %shift_right_arithmetic3A_898 = arith.shrsi %squeeze3A_896, %shift_right_arithmetic3A_897 : i32
      %shift_left3A_899 = arith.constant 7 : i32
      %shift_left3A_900 = arith.shli %shift_right_arithmetic3A_898, %shift_left3A_899 : i32
      %multiple_of3A_901 = tpu.assume_multiple %shift_left3A_900, 128 : i32
      %dma_start3A_902 = arith.constant 6 : i32
      %dma_start3A_903 = arith.constant 0 : i32
      %dma_start3A_904 = arith.constant 0 : i32
      %dma_start3A_905 = tpu.memref_slice %arg11[%dma_start3A_902, %dma_start3A_903, %dma_start3A_904] : memref<16x32x128xf32, #tpu.memory_space<vmem>> -> memref<1x32x128xf32, #tpu.memory_space<vmem>>
      %dma_start3A_906 = tpu.memref_squeeze %dma_start3A_905 : memref<1x32x128xf32, #tpu.memory_space<vmem>> -> memref<32x128xf32, #tpu.memory_space<vmem>>
      %dma_start3A_907 = arith.constant 0 : i32
      %dma_start3A_908 = tpu.memref_slice %arg5[%dma_start3A_907, %multiple_of3A_901] : memref<32x1000001xf32, #tpu.memory_space<hbm>> -> memref<32x128xf32, #tpu.memory_space<hbm>>
      %dma_start3A_909 = arith.constant 0 : i32
      %dma_start3A_910 = arith.constant 0 : i32
      %dma_start3A_911 = tpu.memref_slice %arg11[%dma_start3A_902, %dma_start3A_909, %dma_start3A_910] : memref<16x32x128xf32, #tpu.memory_space<vmem>> -> memref<1x32x128xf32, #tpu.memory_space<vmem>>
      %dma_start3A_912 = tpu.memref_squeeze %dma_start3A_911 : memref<1x32x128xf32, #tpu.memory_space<vmem>> -> memref<32x128xf32, #tpu.memory_space<vmem>>
      %dma_start3A_913 = arith.constant 0 : i32
      %dma_start3A_914 = tpu.memref_slice %arg5[%dma_start3A_913, %multiple_of3A_901] : memref<32x1000001xf32, #tpu.memory_space<hbm>> -> memref<32x128xf32, #tpu.memory_space<hbm>>
      tpu.enqueue_dma source(%dma_start3A_914 : memref<32x128xf32, #tpu.memory_space<hbm>>) target(%dma_start3A_912 : memref<32x128xf32, #tpu.memory_space<vmem>>) target_semaphore(%arg17 : memref<!tpu.dma_semaphore, #tpu.memory_space<semaphore_mem>>)
      %slice3A_915 = vector.extract_strided_slice %get3A_25 {offsets = [7], sizes = [1], strides = [1]} : vector<16xi32> to vector<1xi32>
      %squeeze3A_916 = vector.extract %slice3A_915[0] : i32 from vector<1xi32>
      %shift_right_arithmetic3A_917 = arith.constant 7 : i32
      %shift_right_arithmetic3A_918 = arith.shrsi %squeeze3A_916, %shift_right_arithmetic3A_917 : i32
      %shift_left3A_919 = arith.constant 7 : i32
      %shift_left3A_920 = arith.shli %shift_right_arithmetic3A_918, %shift_left3A_919 : i32
      %multiple_of3A_921 = tpu.assume_multiple %shift_left3A_920, 128 : i32
      %dma_start3A_922 = arith.constant 7 : i32
      %dma_start3A_923 = arith.constant 0 : i32
      %dma_start3A_924 = arith.constant 0 : i32
      %dma_start3A_925 = tpu.memref_slice %arg11[%dma_start3A_922, %dma_start3A_923, %dma_start3A_924] : memref<16x32x128xf32, #tpu.memory_space<vmem>> -> memref<1x32x128xf32, #tpu.memory_space<vmem>>
      %dma_start3A_926 = tpu.memref_squeeze %dma_start3A_925 : memref<1x32x128xf32, #tpu.memory_space<vmem>> -> memref<32x128xf32, #tpu.memory_space<vmem>>
      %dma_start3A_927 = arith.constant 0 : i32
      %dma_start3A_928 = tpu.memref_slice %arg5[%dma_start3A_927, %multiple_of3A_921] : memref<32x1000001xf32, #tpu.memory_space<hbm>> -> memref<32x128xf32, #tpu.memory_space<hbm>>
      %dma_start3A_929 = arith.constant 0 : i32
      %dma_start3A_930 = arith.constant 0 : i32
      %dma_start3A_931 = tpu.memref_slice %arg11[%dma_start3A_922, %dma_start3A_929, %dma_start3A_930] : memref<16x32x128xf32, #tpu.memory_space<vmem>> -> memref<1x32x128xf32, #tpu.memory_space<vmem>>
      %dma_start3A_932 = tpu.memref_squeeze %dma_start3A_931 : memref<1x32x128xf32, #tpu.memory_space<vmem>> -> memref<32x128xf32, #tpu.memory_space<vmem>>
      %dma_start3A_933 = arith.constant 0 : i32
      %dma_start3A_934 = tpu.memref_slice %arg5[%dma_start3A_933, %multiple_of3A_921] : memref<32x1000001xf32, #tpu.memory_space<hbm>> -> memref<32x128xf32, #tpu.memory_space<hbm>>
      tpu.enqueue_dma source(%dma_start3A_934 : memref<32x128xf32, #tpu.memory_space<hbm>>) target(%dma_start3A_932 : memref<32x128xf32, #tpu.memory_space<vmem>>) target_semaphore(%arg17 : memref<!tpu.dma_semaphore, #tpu.memory_space<semaphore_mem>>)
      %slice3A_935 = vector.extract_strided_slice %get3A_25 {offsets = [8], sizes = [1], strides = [1]} : vector<16xi32> to vector<1xi32>
      %squeeze3A_936 = vector.extract %slice3A_935[0] : i32 from vector<1xi32>
      %shift_right_arithmetic3A_937 = arith.constant 7 : i32
      %shift_right_arithmetic3A_938 = arith.shrsi %squeeze3A_936, %shift_right_arithmetic3A_937 : i32
      %shift_left3A_939 = arith.constant 7 : i32
      %shift_left3A_940 = arith.shli %shift_right_arithmetic3A_938, %shift_left3A_939 : i32
      %multiple_of3A_941 = tpu.assume_multiple %shift_left3A_940, 128 : i32
      %dma_start3A_942 = arith.constant 8 : i32
      %dma_start3A_943 = arith.constant 0 : i32
      %dma_start3A_944 = arith.constant 0 : i32
      %dma_start3A_945 = tpu.memref_slice %arg11[%dma_start3A_942, %dma_start3A_943, %dma_start3A_944] : memref<16x32x128xf32, #tpu.memory_space<vmem>> -> memref<1x32x128xf32, #tpu.memory_space<vmem>>
      %dma_start3A_946 = tpu.memref_squeeze %dma_start3A_945 : memref<1x32x128xf32, #tpu.memory_space<vmem>> -> memref<32x128xf32, #tpu.memory_space<vmem>>
      %dma_start3A_947 = arith.constant 0 : i32
      %dma_start3A_948 = tpu.memref_slice %arg5[%dma_start3A_947, %multiple_of3A_941] : memref<32x1000001xf32, #tpu.memory_space<hbm>> -> memref<32x128xf32, #tpu.memory_space<hbm>>
      %dma_start3A_949 = arith.constant 0 : i32
      %dma_start3A_950 = arith.constant 0 : i32
      %dma_start3A_951 = tpu.memref_slice %arg11[%dma_start3A_942, %dma_start3A_949, %dma_start3A_950] : memref<16x32x128xf32, #tpu.memory_space<vmem>> -> memref<1x32x128xf32, #tpu.memory_space<vmem>>
      %dma_start3A_952 = tpu.memref_squeeze %dma_start3A_951 : memref<1x32x128xf32, #tpu.memory_space<vmem>> -> memref<32x128xf32, #tpu.memory_space<vmem>>
      %dma_start3A_953 = arith.constant 0 : i32
      %dma_start3A_954 = tpu.memref_slice %arg5[%dma_start3A_953, %multiple_of3A_941] : memref<32x1000001xf32, #tpu.memory_space<hbm>> -> memref<32x128xf32, #tpu.memory_space<hbm>>
      tpu.enqueue_dma source(%dma_start3A_954 : memref<32x128xf32, #tpu.memory_space<hbm>>) target(%dma_start3A_952 : memref<32x128xf32, #tpu.memory_space<vmem>>) target_semaphore(%arg17 : memref<!tpu.dma_semaphore, #tpu.memory_space<semaphore_mem>>)
      %slice3A_955 = vector.extract_strided_slice %get3A_25 {offsets = [9], sizes = [1], strides = [1]} : vector<16xi32> to vector<1xi32>
      %squeeze3A_956 = vector.extract %slice3A_955[0] : i32 from vector<1xi32>
      %shift_right_arithmetic3A_957 = arith.constant 7 : i32
      %shift_right_arithmetic3A_958 = arith.shrsi %squeeze3A_956, %shift_right_arithmetic3A_957 : i32
      %shift_left3A_959 = arith.constant 7 : i32
      %shift_left3A_960 = arith.shli %shift_right_arithmetic3A_958, %shift_left3A_959 : i32
      %multiple_of3A_961 = tpu.assume_multiple %shift_left3A_960, 128 : i32
      %dma_start3A_962 = arith.constant 9 : i32
      %dma_start3A_963 = arith.constant 0 : i32
      %dma_start3A_964 = arith.constant 0 : i32
      %dma_start3A_965 = tpu.memref_slice %arg11[%dma_start3A_962, %dma_start3A_963, %dma_start3A_964] : memref<16x32x128xf32, #tpu.memory_space<vmem>> -> memref<1x32x128xf32, #tpu.memory_space<vmem>>
      %dma_start3A_966 = tpu.memref_squeeze %dma_start3A_965 : memref<1x32x128xf32, #tpu.memory_space<vmem>> -> memref<32x128xf32, #tpu.memory_space<vmem>>
      %dma_start3A_967 = arith.constant 0 : i32
      %dma_start3A_968 = tpu.memref_slice %arg5[%dma_start3A_967, %multiple_of3A_961] : memref<32x1000001xf32, #tpu.memory_space<hbm>> -> memref<32x128xf32, #tpu.memory_space<hbm>>
      %dma_start3A_969 = arith.constant 0 : i32
      %dma_start3A_970 = arith.constant 0 : i32
      %dma_start3A_971 = tpu.memref_slice %arg11[%dma_start3A_962, %dma_start3A_969, %dma_start3A_970] : memref<16x32x128xf32, #tpu.memory_space<vmem>> -> memref<1x32x128xf32, #tpu.memory_space<vmem>>
      %dma_start3A_972 = tpu.memref_squeeze %dma_start3A_971 : memref<1x32x128xf32, #tpu.memory_space<vmem>> -> memref<32x128xf32, #tpu.memory_space<vmem>>
      %dma_start3A_973 = arith.constant 0 : i32
      %dma_start3A_974 = tpu.memref_slice %arg5[%dma_start3A_973, %multiple_of3A_961] : memref<32x1000001xf32, #tpu.memory_space<hbm>> -> memref<32x128xf32, #tpu.memory_space<hbm>>
      tpu.enqueue_dma source(%dma_start3A_974 : memref<32x128xf32, #tpu.memory_space<hbm>>) target(%dma_start3A_972 : memref<32x128xf32, #tpu.memory_space<vmem>>) target_semaphore(%arg17 : memref<!tpu.dma_semaphore, #tpu.memory_space<semaphore_mem>>)
      %slice3A_975 = vector.extract_strided_slice %get3A_25 {offsets = [10], sizes = [1], strides = [1]} : vector<16xi32> to vector<1xi32>
      %squeeze3A_976 = vector.extract %slice3A_975[0] : i32 from vector<1xi32>
      %shift_right_arithmetic3A_977 = arith.constant 7 : i32
      %shift_right_arithmetic3A_978 = arith.shrsi %squeeze3A_976, %shift_right_arithmetic3A_977 : i32
      %shift_left3A_979 = arith.constant 7 : i32
      %shift_left3A_980 = arith.shli %shift_right_arithmetic3A_978, %shift_left3A_979 : i32
      %multiple_of3A_981 = tpu.assume_multiple %shift_left3A_980, 128 : i32
      %dma_start3A_982 = arith.constant 10 : i32
      %dma_start3A_983 = arith.constant 0 : i32
      %dma_start3A_984 = arith.constant 0 : i32
      %dma_start3A_985 = tpu.memref_slice %arg11[%dma_start3A_982, %dma_start3A_983, %dma_start3A_984] : memref<16x32x128xf32, #tpu.memory_space<vmem>> -> memref<1x32x128xf32, #tpu.memory_space<vmem>>
      %dma_start3A_986 = tpu.memref_squeeze %dma_start3A_985 : memref<1x32x128xf32, #tpu.memory_space<vmem>> -> memref<32x128xf32, #tpu.memory_space<vmem>>
      %dma_start3A_987 = arith.constant 0 : i32
      %dma_start3A_988 = tpu.memref_slice %arg5[%dma_start3A_987, %multiple_of3A_981] : memref<32x1000001xf32, #tpu.memory_space<hbm>> -> memref<32x128xf32, #tpu.memory_space<hbm>>
      %dma_start3A_989 = arith.constant 0 : i32
      %dma_start3A_990 = arith.constant 0 : i32
      %dma_start3A_991 = tpu.memref_slice %arg11[%dma_start3A_982, %dma_start3A_989, %dma_start3A_990] : memref<16x32x128xf32, #tpu.memory_space<vmem>> -> memref<1x32x128xf32, #tpu.memory_space<vmem>>
      %dma_start3A_992 = tpu.memref_squeeze %dma_start3A_991 : memref<1x32x128xf32, #tpu.memory_space<vmem>> -> memref<32x128xf32, #tpu.memory_space<vmem>>
      %dma_start3A_993 = arith.constant 0 : i32
      %dma_start3A_994 = tpu.memref_slice %arg5[%dma_start3A_993, %multiple_of3A_981] : memref<32x1000001xf32, #tpu.memory_space<hbm>> -> memref<32x128xf32, #tpu.memory_space<hbm>>
      tpu.enqueue_dma source(%dma_start3A_994 : memref<32x128xf32, #tpu.memory_space<hbm>>) target(%dma_start3A_992 : memref<32x128xf32, #tpu.memory_space<vmem>>) target_semaphore(%arg17 : memref<!tpu.dma_semaphore, #tpu.memory_space<semaphore_mem>>)
      %slice3A_995 = vector.extract_strided_slice %get3A_25 {offsets = [11], sizes = [1], strides = [1]} : vector<16xi32> to vector<1xi32>
      %squeeze3A_996 = vector.extract %slice3A_995[0] : i32 from vector<1xi32>
      %shift_right_arithmetic3A_997 = arith.constant 7 : i32
      %shift_right_arithmetic3A_998 = arith.shrsi %squeeze3A_996, %shift_right_arithmetic3A_997 : i32
      %shift_left3A_999 = arith.constant 7 : i32
      %shift_left3A_1000 = arith.shli %shift_right_arithmetic3A_998, %shift_left3A_999 : i32
      %multiple_of3A_1001 = tpu.assume_multiple %shift_left3A_1000, 128 : i32
      %dma_start3A_1002 = arith.constant 11 : i32
      %dma_start3A_1003 = arith.constant 0 : i32
      %dma_start3A_1004 = arith.constant 0 : i32
      %dma_start3A_1005 = tpu.memref_slice %arg11[%dma_start3A_1002, %dma_start3A_1003, %dma_start3A_1004] : memref<16x32x128xf32, #tpu.memory_space<vmem>> -> memref<1x32x128xf32, #tpu.memory_space<vmem>>
      %dma_start3A_1006 = tpu.memref_squeeze %dma_start3A_1005 : memref<1x32x128xf32, #tpu.memory_space<vmem>> -> memref<32x128xf32, #tpu.memory_space<vmem>>
      %dma_start3A_1007 = arith.constant 0 : i32
      %dma_start3A_1008 = tpu.memref_slice %arg5[%dma_start3A_1007, %multiple_of3A_1001] : memref<32x1000001xf32, #tpu.memory_space<hbm>> -> memref<32x128xf32, #tpu.memory_space<hbm>>
      %dma_start3A_1009 = arith.constant 0 : i32
      %dma_start3A_1010 = arith.constant 0 : i32
      %dma_start3A_1011 = tpu.memref_slice %arg11[%dma_start3A_1002, %dma_start3A_1009, %dma_start3A_1010] : memref<16x32x128xf32, #tpu.memory_space<vmem>> -> memref<1x32x128xf32, #tpu.memory_space<vmem>>
      %dma_start3A_1012 = tpu.memref_squeeze %dma_start3A_1011 : memref<1x32x128xf32, #tpu.memory_space<vmem>> -> memref<32x128xf32, #tpu.memory_space<vmem>>
      %dma_start3A_1013 = arith.constant 0 : i32
      %dma_start3A_1014 = tpu.memref_slice %arg5[%dma_start3A_1013, %multiple_of3A_1001] : memref<32x1000001xf32, #tpu.memory_space<hbm>> -> memref<32x128xf32, #tpu.memory_space<hbm>>
      tpu.enqueue_dma source(%dma_start3A_1014 : memref<32x128xf32, #tpu.memory_space<hbm>>) target(%dma_start3A_1012 : memref<32x128xf32, #tpu.memory_space<vmem>>) target_semaphore(%arg17 : memref<!tpu.dma_semaphore, #tpu.memory_space<semaphore_mem>>)
      %slice3A_1015 = vector.extract_strided_slice %get3A_25 {offsets = [12], sizes = [1], strides = [1]} : vector<16xi32> to vector<1xi32>
      %squeeze3A_1016 = vector.extract %slice3A_1015[0] : i32 from vector<1xi32>
      %shift_right_arithmetic3A_1017 = arith.constant 7 : i32
      %shift_right_arithmetic3A_1018 = arith.shrsi %squeeze3A_1016, %shift_right_arithmetic3A_1017 : i32
      %shift_left3A_1019 = arith.constant 7 : i32
      %shift_left3A_1020 = arith.shli %shift_right_arithmetic3A_1018, %shift_left3A_1019 : i32
      %multiple_of3A_1021 = tpu.assume_multiple %shift_left3A_1020, 128 : i32
      %dma_start3A_1022 = arith.constant 12 : i32
      %dma_start3A_1023 = arith.constant 0 : i32
      %dma_start3A_1024 = arith.constant 0 : i32
      %dma_start3A_1025 = tpu.memref_slice %arg11[%dma_start3A_1022, %dma_start3A_1023, %dma_start3A_1024] : memref<16x32x128xf32, #tpu.memory_space<vmem>> -> memref<1x32x128xf32, #tpu.memory_space<vmem>>
      %dma_start3A_1026 = tpu.memref_squeeze %dma_start3A_1025 : memref<1x32x128xf32, #tpu.memory_space<vmem>> -> memref<32x128xf32, #tpu.memory_space<vmem>>
      %dma_start3A_1027 = arith.constant 0 : i32
      %dma_start3A_1028 = tpu.memref_slice %arg5[%dma_start3A_1027, %multiple_of3A_1021] : memref<32x1000001xf32, #tpu.memory_space<hbm>> -> memref<32x128xf32, #tpu.memory_space<hbm>>
      %dma_start3A_1029 = arith.constant 0 : i32
      %dma_start3A_1030 = arith.constant 0 : i32
      %dma_start3A_1031 = tpu.memref_slice %arg11[%dma_start3A_1022, %dma_start3A_1029, %dma_start3A_1030] : memref<16x32x128xf32, #tpu.memory_space<vmem>> -> memref<1x32x128xf32, #tpu.memory_space<vmem>>
      %dma_start3A_1032 = tpu.memref_squeeze %dma_start3A_1031 : memref<1x32x128xf32, #tpu.memory_space<vmem>> -> memref<32x128xf32, #tpu.memory_space<vmem>>
      %dma_start3A_1033 = arith.constant 0 : i32
      %dma_start3A_1034 = tpu.memref_slice %arg5[%dma_start3A_1033, %multiple_of3A_1021] : memref<32x1000001xf32, #tpu.memory_space<hbm>> -> memref<32x128xf32, #tpu.memory_space<hbm>>
      tpu.enqueue_dma source(%dma_start3A_1034 : memref<32x128xf32, #tpu.memory_space<hbm>>) target(%dma_start3A_1032 : memref<32x128xf32, #tpu.memory_space<vmem>>) target_semaphore(%arg17 : memref<!tpu.dma_semaphore, #tpu.memory_space<semaphore_mem>>)
      %slice3A_1035 = vector.extract_strided_slice %get3A_25 {offsets = [13], sizes = [1], strides = [1]} : vector<16xi32> to vector<1xi32>
      %squeeze3A_1036 = vector.extract %slice3A_1035[0] : i32 from vector<1xi32>
      %shift_right_arithmetic3A_1037 = arith.constant 7 : i32
      %shift_right_arithmetic3A_1038 = arith.shrsi %squeeze3A_1036, %shift_right_arithmetic3A_1037 : i32
      %shift_left3A_1039 = arith.constant 7 : i32
      %shift_left3A_1040 = arith.shli %shift_right_arithmetic3A_1038, %shift_left3A_1039 : i32
      %multiple_of3A_1041 = tpu.assume_multiple %shift_left3A_1040, 128 : i32
      %dma_start3A_1042 = arith.constant 13 : i32
      %dma_start3A_1043 = arith.constant 0 : i32
      %dma_start3A_1044 = arith.constant 0 : i32
      %dma_start3A_1045 = tpu.memref_slice %arg11[%dma_start3A_1042, %dma_start3A_1043, %dma_start3A_1044] : memref<16x32x128xf32, #tpu.memory_space<vmem>> -> memref<1x32x128xf32, #tpu.memory_space<vmem>>
      %dma_start3A_1046 = tpu.memref_squeeze %dma_start3A_1045 : memref<1x32x128xf32, #tpu.memory_space<vmem>> -> memref<32x128xf32, #tpu.memory_space<vmem>>
      %dma_start3A_1047 = arith.constant 0 : i32
      %dma_start3A_1048 = tpu.memref_slice %arg5[%dma_start3A_1047, %multiple_of3A_1041] : memref<32x1000001xf32, #tpu.memory_space<hbm>> -> memref<32x128xf32, #tpu.memory_space<hbm>>
      %dma_start3A_1049 = arith.constant 0 : i32
      %dma_start3A_1050 = arith.constant 0 : i32
      %dma_start3A_1051 = tpu.memref_slice %arg11[%dma_start3A_1042, %dma_start3A_1049, %dma_start3A_1050] : memref<16x32x128xf32, #tpu.memory_space<vmem>> -> memref<1x32x128xf32, #tpu.memory_space<vmem>>
      %dma_start3A_1052 = tpu.memref_squeeze %dma_start3A_1051 : memref<1x32x128xf32, #tpu.memory_space<vmem>> -> memref<32x128xf32, #tpu.memory_space<vmem>>
      %dma_start3A_1053 = arith.constant 0 : i32
      %dma_start3A_1054 = tpu.memref_slice %arg5[%dma_start3A_1053, %multiple_of3A_1041] : memref<32x1000001xf32, #tpu.memory_space<hbm>> -> memref<32x128xf32, #tpu.memory_space<hbm>>
      tpu.enqueue_dma source(%dma_start3A_1054 : memref<32x128xf32, #tpu.memory_space<hbm>>) target(%dma_start3A_1052 : memref<32x128xf32, #tpu.memory_space<vmem>>) target_semaphore(%arg17 : memref<!tpu.dma_semaphore, #tpu.memory_space<semaphore_mem>>)
      %slice3A_1055 = vector.extract_strided_slice %get3A_25 {offsets = [14], sizes = [1], strides = [1]} : vector<16xi32> to vector<1xi32>
      %squeeze3A_1056 = vector.extract %slice3A_1055[0] : i32 from vector<1xi32>
      %shift_right_arithmetic3A_1057 = arith.constant 7 : i32
      %shift_right_arithmetic3A_1058 = arith.shrsi %squeeze3A_1056, %shift_right_arithmetic3A_1057 : i32
      %shift_left3A_1059 = arith.constant 7 : i32
      %shift_left3A_1060 = arith.shli %shift_right_arithmetic3A_1058, %shift_left3A_1059 : i32
      %multiple_of3A_1061 = tpu.assume_multiple %shift_left3A_1060, 128 : i32
      %dma_start3A_1062 = arith.constant 14 : i32
      %dma_start3A_1063 = arith.constant 0 : i32
      %dma_start3A_1064 = arith.constant 0 : i32
      %dma_start3A_1065 = tpu.memref_slice %arg11[%dma_start3A_1062, %dma_start3A_1063, %dma_start3A_1064] : memref<16x32x128xf32, #tpu.memory_space<vmem>> -> memref<1x32x128xf32, #tpu.memory_space<vmem>>
      %dma_start3A_1066 = tpu.memref_squeeze %dma_start3A_1065 : memref<1x32x128xf32, #tpu.memory_space<vmem>> -> memref<32x128xf32, #tpu.memory_space<vmem>>
      %dma_start3A_1067 = arith.constant 0 : i32
      %dma_start3A_1068 = tpu.memref_slice %arg5[%dma_start3A_1067, %multiple_of3A_1061] : memref<32x1000001xf32, #tpu.memory_space<hbm>> -> memref<32x128xf32, #tpu.memory_space<hbm>>
      %dma_start3A_1069 = arith.constant 0 : i32
      %dma_start3A_1070 = arith.constant 0 : i32
      %dma_start3A_1071 = tpu.memref_slice %arg11[%dma_start3A_1062, %dma_start3A_1069, %dma_start3A_1070] : memref<16x32x128xf32, #tpu.memory_space<vmem>> -> memref<1x32x128xf32, #tpu.memory_space<vmem>>
      %dma_start3A_1072 = tpu.memref_squeeze %dma_start3A_1071 : memref<1x32x128xf32, #tpu.memory_space<vmem>> -> memref<32x128xf32, #tpu.memory_space<vmem>>
      %dma_start3A_1073 = arith.constant 0 : i32
      %dma_start3A_1074 = tpu.memref_slice %arg5[%dma_start3A_1073, %multiple_of3A_1061] : memref<32x1000001xf32, #tpu.memory_space<hbm>> -> memref<32x128xf32, #tpu.memory_space<hbm>>
      tpu.enqueue_dma source(%dma_start3A_1074 : memref<32x128xf32, #tpu.memory_space<hbm>>) target(%dma_start3A_1072 : memref<32x128xf32, #tpu.memory_space<vmem>>) target_semaphore(%arg17 : memref<!tpu.dma_semaphore, #tpu.memory_space<semaphore_mem>>)
      %slice3A_1075 = vector.extract_strided_slice %get3A_25 {offsets = [15], sizes = [1], strides = [1]} : vector<16xi32> to vector<1xi32>
      %squeeze3A_1076 = vector.extract %slice3A_1075[0] : i32 from vector<1xi32>
      %shift_right_arithmetic3A_1077 = arith.constant 7 : i32
      %shift_right_arithmetic3A_1078 = arith.shrsi %squeeze3A_1076, %shift_right_arithmetic3A_1077 : i32
      %shift_left3A_1079 = arith.constant 7 : i32
      %shift_left3A_1080 = arith.shli %shift_right_arithmetic3A_1078, %shift_left3A_1079 : i32
      %multiple_of3A_1081 = tpu.assume_multiple %shift_left3A_1080, 128 : i32
      %dma_start3A_1082 = arith.constant 15 : i32
      %dma_start3A_1083 = arith.constant 0 : i32
      %dma_start3A_1084 = arith.constant 0 : i32
      %dma_start3A_1085 = tpu.memref_slice %arg11[%dma_start3A_1082, %dma_start3A_1083, %dma_start3A_1084] : memref<16x32x128xf32, #tpu.memory_space<vmem>> -> memref<1x32x128xf32, #tpu.memory_space<vmem>>
      %dma_start3A_1086 = tpu.memref_squeeze %dma_start3A_1085 : memref<1x32x128xf32, #tpu.memory_space<vmem>> -> memref<32x128xf32, #tpu.memory_space<vmem>>
      %dma_start3A_1087 = arith.constant 0 : i32
      %dma_start3A_1088 = tpu.memref_slice %arg5[%dma_start3A_1087, %multiple_of3A_1081] : memref<32x1000001xf32, #tpu.memory_space<hbm>> -> memref<32x128xf32, #tpu.memory_space<hbm>>
      %dma_start3A_1089 = arith.constant 0 : i32
      %dma_start3A_1090 = arith.constant 0 : i32
      %dma_start3A_1091 = tpu.memref_slice %arg11[%dma_start3A_1082, %dma_start3A_1089, %dma_start3A_1090] : memref<16x32x128xf32, #tpu.memory_space<vmem>> -> memref<1x32x128xf32, #tpu.memory_space<vmem>>
      %dma_start3A_1092 = tpu.memref_squeeze %dma_start3A_1091 : memref<1x32x128xf32, #tpu.memory_space<vmem>> -> memref<32x128xf32, #tpu.memory_space<vmem>>
      %dma_start3A_1093 = arith.constant 0 : i32
      %dma_start3A_1094 = tpu.memref_slice %arg5[%dma_start3A_1093, %multiple_of3A_1081] : memref<32x1000001xf32, #tpu.memory_space<hbm>> -> memref<32x128xf32, #tpu.memory_space<hbm>>
      tpu.enqueue_dma source(%dma_start3A_1094 : memref<32x128xf32, #tpu.memory_space<hbm>>) target(%dma_start3A_1092 : memref<32x128xf32, #tpu.memory_space<vmem>>) target_semaphore(%arg17 : memref<!tpu.dma_semaphore, #tpu.memory_space<semaphore_mem>>)
      %dma_wait3A_1095 = arith.constant 0 : i32
      %dma_wait3A_1096 = arith.constant 0 : i32
      %dma_wait3A_1097 = arith.constant 0 : i32
      %dma_wait3A_1098 = tpu.memref_slice %arg11[%dma_wait3A_1095, %dma_wait3A_1096, %dma_wait3A_1097] : memref<16x32x128xf32, #tpu.memory_space<vmem>> -> memref<1x32x128xf32, #tpu.memory_space<vmem>>
      %dma_wait3A_1099 = tpu.memref_squeeze %dma_wait3A_1098 : memref<1x32x128xf32, #tpu.memory_space<vmem>> -> memref<32x128xf32, #tpu.memory_space<vmem>>
      %dma_wait3A_1100 = arith.constant 0 : i32
      %dma_wait3A_1101 = tpu.memref_slice %arg5[%dma_wait3A_1100, %multiple_of3A_781] : memref<32x1000001xf32, #tpu.memory_space<hbm>> -> memref<32x128xf32, #tpu.memory_space<hbm>>
      %dma_wait3A_1102 = arith.constant 0 : i32
      %dma_wait3A_1103 = arith.constant 0 : i32
      %dma_wait3A_1104 = tpu.memref_slice %arg11[%dma_wait3A_1095, %dma_wait3A_1102, %dma_wait3A_1103] : memref<16x32x128xf32, #tpu.memory_space<vmem>> -> memref<1x32x128xf32, #tpu.memory_space<vmem>>
      %dma_wait3A_1105 = tpu.memref_squeeze %dma_wait3A_1104 : memref<1x32x128xf32, #tpu.memory_space<vmem>> -> memref<32x128xf32, #tpu.memory_space<vmem>>
      %dma_wait3A_1106 = arith.constant 0 : i32
      %dma_wait3A_1107 = tpu.memref_slice %arg5[%dma_wait3A_1106, %multiple_of3A_781] : memref<32x1000001xf32, #tpu.memory_space<hbm>> -> memref<32x128xf32, #tpu.memory_space<hbm>>
      tpu.wait_dma2 semaphore(%arg17 : memref<!tpu.dma_semaphore, #tpu.memory_space<semaphore_mem>>) src(%dma_wait3A_1107 : memref<32x128xf32, #tpu.memory_space<hbm>>) dst(%dma_wait3A_1105 : memref<32x128xf32, #tpu.memory_space<vmem>>)
      %dma_wait3A_1108 = arith.constant 1 : i32
      %dma_wait3A_1109 = arith.constant 0 : i32
      %dma_wait3A_1110 = arith.constant 0 : i32
      %dma_wait3A_1111 = tpu.memref_slice %arg11[%dma_wait3A_1108, %dma_wait3A_1109, %dma_wait3A_1110] : memref<16x32x128xf32, #tpu.memory_space<vmem>> -> memref<1x32x128xf32, #tpu.memory_space<vmem>>
      %dma_wait3A_1112 = tpu.memref_squeeze %dma_wait3A_1111 : memref<1x32x128xf32, #tpu.memory_space<vmem>> -> memref<32x128xf32, #tpu.memory_space<vmem>>
      %dma_wait3A_1113 = arith.constant 0 : i32
      %dma_wait3A_1114 = tpu.memref_slice %arg5[%dma_wait3A_1113, %multiple_of3A_801] : memref<32x1000001xf32, #tpu.memory_space<hbm>> -> memref<32x128xf32, #tpu.memory_space<hbm>>
      %dma_wait3A_1115 = arith.constant 0 : i32
      %dma_wait3A_1116 = arith.constant 0 : i32
      %dma_wait3A_1117 = tpu.memref_slice %arg11[%dma_wait3A_1108, %dma_wait3A_1115, %dma_wait3A_1116] : memref<16x32x128xf32, #tpu.memory_space<vmem>> -> memref<1x32x128xf32, #tpu.memory_space<vmem>>
      %dma_wait3A_1118 = tpu.memref_squeeze %dma_wait3A_1117 : memref<1x32x128xf32, #tpu.memory_space<vmem>> -> memref<32x128xf32, #tpu.memory_space<vmem>>
      %dma_wait3A_1119 = arith.constant 0 : i32
      %dma_wait3A_1120 = tpu.memref_slice %arg5[%dma_wait3A_1119, %multiple_of3A_801] : memref<32x1000001xf32, #tpu.memory_space<hbm>> -> memref<32x128xf32, #tpu.memory_space<hbm>>
      tpu.wait_dma2 semaphore(%arg17 : memref<!tpu.dma_semaphore, #tpu.memory_space<semaphore_mem>>) src(%dma_wait3A_1120 : memref<32x128xf32, #tpu.memory_space<hbm>>) dst(%dma_wait3A_1118 : memref<32x128xf32, #tpu.memory_space<vmem>>)
      %dma_wait3A_1121 = arith.constant 2 : i32
      %dma_wait3A_1122 = arith.constant 0 : i32
      %dma_wait3A_1123 = arith.constant 0 : i32
      %dma_wait3A_1124 = tpu.memref_slice %arg11[%dma_wait3A_1121, %dma_wait3A_1122, %dma_wait3A_1123] : memref<16x32x128xf32, #tpu.memory_space<vmem>> -> memref<1x32x128xf32, #tpu.memory_space<vmem>>
      %dma_wait3A_1125 = tpu.memref_squeeze %dma_wait3A_1124 : memref<1x32x128xf32, #tpu.memory_space<vmem>> -> memref<32x128xf32, #tpu.memory_space<vmem>>
      %dma_wait3A_1126 = arith.constant 0 : i32
      %dma_wait3A_1127 = tpu.memref_slice %arg5[%dma_wait3A_1126, %multiple_of3A_821] : memref<32x1000001xf32, #tpu.memory_space<hbm>> -> memref<32x128xf32, #tpu.memory_space<hbm>>
      %dma_wait3A_1128 = arith.constant 0 : i32
      %dma_wait3A_1129 = arith.constant 0 : i32
      %dma_wait3A_1130 = tpu.memref_slice %arg11[%dma_wait3A_1121, %dma_wait3A_1128, %dma_wait3A_1129] : memref<16x32x128xf32, #tpu.memory_space<vmem>> -> memref<1x32x128xf32, #tpu.memory_space<vmem>>
      %dma_wait3A_1131 = tpu.memref_squeeze %dma_wait3A_1130 : memref<1x32x128xf32, #tpu.memory_space<vmem>> -> memref<32x128xf32, #tpu.memory_space<vmem>>
      %dma_wait3A_1132 = arith.constant 0 : i32
      %dma_wait3A_1133 = tpu.memref_slice %arg5[%dma_wait3A_1132, %multiple_of3A_821] : memref<32x1000001xf32, #tpu.memory_space<hbm>> -> memref<32x128xf32, #tpu.memory_space<hbm>>
      tpu.wait_dma2 semaphore(%arg17 : memref<!tpu.dma_semaphore, #tpu.memory_space<semaphore_mem>>) src(%dma_wait3A_1133 : memref<32x128xf32, #tpu.memory_space<hbm>>) dst(%dma_wait3A_1131 : memref<32x128xf32, #tpu.memory_space<vmem>>)
      %dma_wait3A_1134 = arith.constant 3 : i32
      %dma_wait3A_1135 = arith.constant 0 : i32
      %dma_wait3A_1136 = arith.constant 0 : i32
      %dma_wait3A_1137 = tpu.memref_slice %arg11[%dma_wait3A_1134, %dma_wait3A_1135, %dma_wait3A_1136] : memref<16x32x128xf32, #tpu.memory_space<vmem>> -> memref<1x32x128xf32, #tpu.memory_space<vmem>>
      %dma_wait3A_1138 = tpu.memref_squeeze %dma_wait3A_1137 : memref<1x32x128xf32, #tpu.memory_space<vmem>> -> memref<32x128xf32, #tpu.memory_space<vmem>>
      %dma_wait3A_1139 = arith.constant 0 : i32
      %dma_wait3A_1140 = tpu.memref_slice %arg5[%dma_wait3A_1139, %multiple_of3A_841] : memref<32x1000001xf32, #tpu.memory_space<hbm>> -> memref<32x128xf32, #tpu.memory_space<hbm>>
      %dma_wait3A_1141 = arith.constant 0 : i32
      %dma_wait3A_1142 = arith.constant 0 : i32
      %dma_wait3A_1143 = tpu.memref_slice %arg11[%dma_wait3A_1134, %dma_wait3A_1141, %dma_wait3A_1142] : memref<16x32x128xf32, #tpu.memory_space<vmem>> -> memref<1x32x128xf32, #tpu.memory_space<vmem>>
      %dma_wait3A_1144 = tpu.memref_squeeze %dma_wait3A_1143 : memref<1x32x128xf32, #tpu.memory_space<vmem>> -> memref<32x128xf32, #tpu.memory_space<vmem>>
      %dma_wait3A_1145 = arith.constant 0 : i32
      %dma_wait3A_1146 = tpu.memref_slice %arg5[%dma_wait3A_1145, %multiple_of3A_841] : memref<32x1000001xf32, #tpu.memory_space<hbm>> -> memref<32x128xf32, #tpu.memory_space<hbm>>
      tpu.wait_dma2 semaphore(%arg17 : memref<!tpu.dma_semaphore, #tpu.memory_space<semaphore_mem>>) src(%dma_wait3A_1146 : memref<32x128xf32, #tpu.memory_space<hbm>>) dst(%dma_wait3A_1144 : memref<32x128xf32, #tpu.memory_space<vmem>>)
      %dma_wait3A_1147 = arith.constant 4 : i32
      %dma_wait3A_1148 = arith.constant 0 : i32
      %dma_wait3A_1149 = arith.constant 0 : i32
      %dma_wait3A_1150 = tpu.memref_slice %arg11[%dma_wait3A_1147, %dma_wait3A_1148, %dma_wait3A_1149] : memref<16x32x128xf32, #tpu.memory_space<vmem>> -> memref<1x32x128xf32, #tpu.memory_space<vmem>>
      %dma_wait3A_1151 = tpu.memref_squeeze %dma_wait3A_1150 : memref<1x32x128xf32, #tpu.memory_space<vmem>> -> memref<32x128xf32, #tpu.memory_space<vmem>>
      %dma_wait3A_1152 = arith.constant 0 : i32
      %dma_wait3A_1153 = tpu.memref_slice %arg5[%dma_wait3A_1152, %multiple_of3A_861] : memref<32x1000001xf32, #tpu.memory_space<hbm>> -> memref<32x128xf32, #tpu.memory_space<hbm>>
      %dma_wait3A_1154 = arith.constant 0 : i32
      %dma_wait3A_1155 = arith.constant 0 : i32
      %dma_wait3A_1156 = tpu.memref_slice %arg11[%dma_wait3A_1147, %dma_wait3A_1154, %dma_wait3A_1155] : memref<16x32x128xf32, #tpu.memory_space<vmem>> -> memref<1x32x128xf32, #tpu.memory_space<vmem>>
      %dma_wait3A_1157 = tpu.memref_squeeze %dma_wait3A_1156 : memref<1x32x128xf32, #tpu.memory_space<vmem>> -> memref<32x128xf32, #tpu.memory_space<vmem>>
      %dma_wait3A_1158 = arith.constant 0 : i32
      %dma_wait3A_1159 = tpu.memref_slice %arg5[%dma_wait3A_1158, %multiple_of3A_861] : memref<32x1000001xf32, #tpu.memory_space<hbm>> -> memref<32x128xf32, #tpu.memory_space<hbm>>
      tpu.wait_dma2 semaphore(%arg17 : memref<!tpu.dma_semaphore, #tpu.memory_space<semaphore_mem>>) src(%dma_wait3A_1159 : memref<32x128xf32, #tpu.memory_space<hbm>>) dst(%dma_wait3A_1157 : memref<32x128xf32, #tpu.memory_space<vmem>>)
      %dma_wait3A_1160 = arith.constant 5 : i32
      %dma_wait3A_1161 = arith.constant 0 : i32
      %dma_wait3A_1162 = arith.constant 0 : i32
      %dma_wait3A_1163 = tpu.memref_slice %arg11[%dma_wait3A_1160, %dma_wait3A_1161, %dma_wait3A_1162] : memref<16x32x128xf32, #tpu.memory_space<vmem>> -> memref<1x32x128xf32, #tpu.memory_space<vmem>>
      %dma_wait3A_1164 = tpu.memref_squeeze %dma_wait3A_1163 : memref<1x32x128xf32, #tpu.memory_space<vmem>> -> memref<32x128xf32, #tpu.memory_space<vmem>>
      %dma_wait3A_1165 = arith.constant 0 : i32
      %dma_wait3A_1166 = tpu.memref_slice %arg5[%dma_wait3A_1165, %multiple_of3A_881] : memref<32x1000001xf32, #tpu.memory_space<hbm>> -> memref<32x128xf32, #tpu.memory_space<hbm>>
      %dma_wait3A_1167 = arith.constant 0 : i32
      %dma_wait3A_1168 = arith.constant 0 : i32
      %dma_wait3A_1169 = tpu.memref_slice %arg11[%dma_wait3A_1160, %dma_wait3A_1167, %dma_wait3A_1168] : memref<16x32x128xf32, #tpu.memory_space<vmem>> -> memref<1x32x128xf32, #tpu.memory_space<vmem>>
      %dma_wait3A_1170 = tpu.memref_squeeze %dma_wait3A_1169 : memref<1x32x128xf32, #tpu.memory_space<vmem>> -> memref<32x128xf32, #tpu.memory_space<vmem>>
      %dma_wait3A_1171 = arith.constant 0 : i32
      %dma_wait3A_1172 = tpu.memref_slice %arg5[%dma_wait3A_1171, %multiple_of3A_881] : memref<32x1000001xf32, #tpu.memory_space<hbm>> -> memref<32x128xf32, #tpu.memory_space<hbm>>
      tpu.wait_dma2 semaphore(%arg17 : memref<!tpu.dma_semaphore, #tpu.memory_space<semaphore_mem>>) src(%dma_wait3A_1172 : memref<32x128xf32, #tpu.memory_space<hbm>>) dst(%dma_wait3A_1170 : memref<32x128xf32, #tpu.memory_space<vmem>>)
      %dma_wait3A_1173 = arith.constant 6 : i32
      %dma_wait3A_1174 = arith.constant 0 : i32
      %dma_wait3A_1175 = arith.constant 0 : i32
      %dma_wait3A_1176 = tpu.memref_slice %arg11[%dma_wait3A_1173, %dma_wait3A_1174, %dma_wait3A_1175] : memref<16x32x128xf32, #tpu.memory_space<vmem>> -> memref<1x32x128xf32, #tpu.memory_space<vmem>>
      %dma_wait3A_1177 = tpu.memref_squeeze %dma_wait3A_1176 : memref<1x32x128xf32, #tpu.memory_space<vmem>> -> memref<32x128xf32, #tpu.memory_space<vmem>>
      %dma_wait3A_1178 = arith.constant 0 : i32
      %dma_wait3A_1179 = tpu.memref_slice %arg5[%dma_wait3A_1178, %multiple_of3A_901] : memref<32x1000001xf32, #tpu.memory_space<hbm>> -> memref<32x128xf32, #tpu.memory_space<hbm>>
      %dma_wait3A_1180 = arith.constant 0 : i32
      %dma_wait3A_1181 = arith.constant 0 : i32
      %dma_wait3A_1182 = tpu.memref_slice %arg11[%dma_wait3A_1173, %dma_wait3A_1180, %dma_wait3A_1181] : memref<16x32x128xf32, #tpu.memory_space<vmem>> -> memref<1x32x128xf32, #tpu.memory_space<vmem>>
      %dma_wait3A_1183 = tpu.memref_squeeze %dma_wait3A_1182 : memref<1x32x128xf32, #tpu.memory_space<vmem>> -> memref<32x128xf32, #tpu.memory_space<vmem>>
      %dma_wait3A_1184 = arith.constant 0 : i32
      %dma_wait3A_1185 = tpu.memref_slice %arg5[%dma_wait3A_1184, %multiple_of3A_901] : memref<32x1000001xf32, #tpu.memory_space<hbm>> -> memref<32x128xf32, #tpu.memory_space<hbm>>
      tpu.wait_dma2 semaphore(%arg17 : memref<!tpu.dma_semaphore, #tpu.memory_space<semaphore_mem>>) src(%dma_wait3A_1185 : memref<32x128xf32, #tpu.memory_space<hbm>>) dst(%dma_wait3A_1183 : memref<32x128xf32, #tpu.memory_space<vmem>>)
      %dma_wait3A_1186 = arith.constant 7 : i32
      %dma_wait3A_1187 = arith.constant 0 : i32
      %dma_wait3A_1188 = arith.constant 0 : i32
      %dma_wait3A_1189 = tpu.memref_slice %arg11[%dma_wait3A_1186, %dma_wait3A_1187, %dma_wait3A_1188] : memref<16x32x128xf32, #tpu.memory_space<vmem>> -> memref<1x32x128xf32, #tpu.memory_space<vmem>>
      %dma_wait3A_1190 = tpu.memref_squeeze %dma_wait3A_1189 : memref<1x32x128xf32, #tpu.memory_space<vmem>> -> memref<32x128xf32, #tpu.memory_space<vmem>>
      %dma_wait3A_1191 = arith.constant 0 : i32
      %dma_wait3A_1192 = tpu.memref_slice %arg5[%dma_wait3A_1191, %multiple_of3A_921] : memref<32x1000001xf32, #tpu.memory_space<hbm>> -> memref<32x128xf32, #tpu.memory_space<hbm>>
      %dma_wait3A_1193 = arith.constant 0 : i32
      %dma_wait3A_1194 = arith.constant 0 : i32
      %dma_wait3A_1195 = tpu.memref_slice %arg11[%dma_wait3A_1186, %dma_wait3A_1193, %dma_wait3A_1194] : memref<16x32x128xf32, #tpu.memory_space<vmem>> -> memref<1x32x128xf32, #tpu.memory_space<vmem>>
      %dma_wait3A_1196 = tpu.memref_squeeze %dma_wait3A_1195 : memref<1x32x128xf32, #tpu.memory_space<vmem>> -> memref<32x128xf32, #tpu.memory_space<vmem>>
      %dma_wait3A_1197 = arith.constant 0 : i32
      %dma_wait3A_1198 = tpu.memref_slice %arg5[%dma_wait3A_1197, %multiple_of3A_921] : memref<32x1000001xf32, #tpu.memory_space<hbm>> -> memref<32x128xf32, #tpu.memory_space<hbm>>
      tpu.wait_dma2 semaphore(%arg17 : memref<!tpu.dma_semaphore, #tpu.memory_space<semaphore_mem>>) src(%dma_wait3A_1198 : memref<32x128xf32, #tpu.memory_space<hbm>>) dst(%dma_wait3A_1196 : memref<32x128xf32, #tpu.memory_space<vmem>>)
      %dma_wait3A_1199 = arith.constant 8 : i32
      %dma_wait3A_1200 = arith.constant 0 : i32
      %dma_wait3A_1201 = arith.constant 0 : i32
      %dma_wait3A_1202 = tpu.memref_slice %arg11[%dma_wait3A_1199, %dma_wait3A_1200, %dma_wait3A_1201] : memref<16x32x128xf32, #tpu.memory_space<vmem>> -> memref<1x32x128xf32, #tpu.memory_space<vmem>>
      %dma_wait3A_1203 = tpu.memref_squeeze %dma_wait3A_1202 : memref<1x32x128xf32, #tpu.memory_space<vmem>> -> memref<32x128xf32, #tpu.memory_space<vmem>>
      %dma_wait3A_1204 = arith.constant 0 : i32
      %dma_wait3A_1205 = tpu.memref_slice %arg5[%dma_wait3A_1204, %multiple_of3A_941] : memref<32x1000001xf32, #tpu.memory_space<hbm>> -> memref<32x128xf32, #tpu.memory_space<hbm>>
      %dma_wait3A_1206 = arith.constant 0 : i32
      %dma_wait3A_1207 = arith.constant 0 : i32
      %dma_wait3A_1208 = tpu.memref_slice %arg11[%dma_wait3A_1199, %dma_wait3A_1206, %dma_wait3A_1207] : memref<16x32x128xf32, #tpu.memory_space<vmem>> -> memref<1x32x128xf32, #tpu.memory_space<vmem>>
      %dma_wait3A_1209 = tpu.memref_squeeze %dma_wait3A_1208 : memref<1x32x128xf32, #tpu.memory_space<vmem>> -> memref<32x128xf32, #tpu.memory_space<vmem>>
      %dma_wait3A_1210 = arith.constant 0 : i32
      %dma_wait3A_1211 = tpu.memref_slice %arg5[%dma_wait3A_1210, %multiple_of3A_941] : memref<32x1000001xf32, #tpu.memory_space<hbm>> -> memref<32x128xf32, #tpu.memory_space<hbm>>
      tpu.wait_dma2 semaphore(%arg17 : memref<!tpu.dma_semaphore, #tpu.memory_space<semaphore_mem>>) src(%dma_wait3A_1211 : memref<32x128xf32, #tpu.memory_space<hbm>>) dst(%dma_wait3A_1209 : memref<32x128xf32, #tpu.memory_space<vmem>>)
      %dma_wait3A_1212 = arith.constant 9 : i32
      %dma_wait3A_1213 = arith.constant 0 : i32
      %dma_wait3A_1214 = arith.constant 0 : i32
      %dma_wait3A_1215 = tpu.memref_slice %arg11[%dma_wait3A_1212, %dma_wait3A_1213, %dma_wait3A_1214] : memref<16x32x128xf32, #tpu.memory_space<vmem>> -> memref<1x32x128xf32, #tpu.memory_space<vmem>>
      %dma_wait3A_1216 = tpu.memref_squeeze %dma_wait3A_1215 : memref<1x32x128xf32, #tpu.memory_space<vmem>> -> memref<32x128xf32, #tpu.memory_space<vmem>>
      %dma_wait3A_1217 = arith.constant 0 : i32
      %dma_wait3A_1218 = tpu.memref_slice %arg5[%dma_wait3A_1217, %multiple_of3A_961] : memref<32x1000001xf32, #tpu.memory_space<hbm>> -> memref<32x128xf32, #tpu.memory_space<hbm>>
      %dma_wait3A_1219 = arith.constant 0 : i32
      %dma_wait3A_1220 = arith.constant 0 : i32
      %dma_wait3A_1221 = tpu.memref_slice %arg11[%dma_wait3A_1212, %dma_wait3A_1219, %dma_wait3A_1220] : memref<16x32x128xf32, #tpu.memory_space<vmem>> -> memref<1x32x128xf32, #tpu.memory_space<vmem>>
      %dma_wait3A_1222 = tpu.memref_squeeze %dma_wait3A_1221 : memref<1x32x128xf32, #tpu.memory_space<vmem>> -> memref<32x128xf32, #tpu.memory_space<vmem>>
      %dma_wait3A_1223 = arith.constant 0 : i32
      %dma_wait3A_1224 = tpu.memref_slice %arg5[%dma_wait3A_1223, %multiple_of3A_961] : memref<32x1000001xf32, #tpu.memory_space<hbm>> -> memref<32x128xf32, #tpu.memory_space<hbm>>
      tpu.wait_dma2 semaphore(%arg17 : memref<!tpu.dma_semaphore, #tpu.memory_space<semaphore_mem>>) src(%dma_wait3A_1224 : memref<32x128xf32, #tpu.memory_space<hbm>>) dst(%dma_wait3A_1222 : memref<32x128xf32, #tpu.memory_space<vmem>>)
      %dma_wait3A_1225 = arith.constant 10 : i32
      %dma_wait3A_1226 = arith.constant 0 : i32
      %dma_wait3A_1227 = arith.constant 0 : i32
      %dma_wait3A_1228 = tpu.memref_slice %arg11[%dma_wait3A_1225, %dma_wait3A_1226, %dma_wait3A_1227] : memref<16x32x128xf32, #tpu.memory_space<vmem>> -> memref<1x32x128xf32, #tpu.memory_space<vmem>>
      %dma_wait3A_1229 = tpu.memref_squeeze %dma_wait3A_1228 : memref<1x32x128xf32, #tpu.memory_space<vmem>> -> memref<32x128xf32, #tpu.memory_space<vmem>>
      %dma_wait3A_1230 = arith.constant 0 : i32
      %dma_wait3A_1231 = tpu.memref_slice %arg5[%dma_wait3A_1230, %multiple_of3A_981] : memref<32x1000001xf32, #tpu.memory_space<hbm>> -> memref<32x128xf32, #tpu.memory_space<hbm>>
      %dma_wait3A_1232 = arith.constant 0 : i32
      %dma_wait3A_1233 = arith.constant 0 : i32
      %dma_wait3A_1234 = tpu.memref_slice %arg11[%dma_wait3A_1225, %dma_wait3A_1232, %dma_wait3A_1233] : memref<16x32x128xf32, #tpu.memory_space<vmem>> -> memref<1x32x128xf32, #tpu.memory_space<vmem>>
      %dma_wait3A_1235 = tpu.memref_squeeze %dma_wait3A_1234 : memref<1x32x128xf32, #tpu.memory_space<vmem>> -> memref<32x128xf32, #tpu.memory_space<vmem>>
      %dma_wait3A_1236 = arith.constant 0 : i32
      %dma_wait3A_1237 = tpu.memref_slice %arg5[%dma_wait3A_1236, %multiple_of3A_981] : memref<32x1000001xf32, #tpu.memory_space<hbm>> -> memref<32x128xf32, #tpu.memory_space<hbm>>
      tpu.wait_dma2 semaphore(%arg17 : memref<!tpu.dma_semaphore, #tpu.memory_space<semaphore_mem>>) src(%dma_wait3A_1237 : memref<32x128xf32, #tpu.memory_space<hbm>>) dst(%dma_wait3A_1235 : memref<32x128xf32, #tpu.memory_space<vmem>>)
      %dma_wait3A_1238 = arith.constant 11 : i32
      %dma_wait3A_1239 = arith.constant 0 : i32
      %dma_wait3A_1240 = arith.constant 0 : i32
      %dma_wait3A_1241 = tpu.memref_slice %arg11[%dma_wait3A_1238, %dma_wait3A_1239, %dma_wait3A_1240] : memref<16x32x128xf32, #tpu.memory_space<vmem>> -> memref<1x32x128xf32, #tpu.memory_space<vmem>>
      %dma_wait3A_1242 = tpu.memref_squeeze %dma_wait3A_1241 : memref<1x32x128xf32, #tpu.memory_space<vmem>> -> memref<32x128xf32, #tpu.memory_space<vmem>>
      %dma_wait3A_1243 = arith.constant 0 : i32
      %dma_wait3A_1244 = tpu.memref_slice %arg5[%dma_wait3A_1243, %multiple_of3A_1001] : memref<32x1000001xf32, #tpu.memory_space<hbm>> -> memref<32x128xf32, #tpu.memory_space<hbm>>
      %dma_wait3A_1245 = arith.constant 0 : i32
      %dma_wait3A_1246 = arith.constant 0 : i32
      %dma_wait3A_1247 = tpu.memref_slice %arg11[%dma_wait3A_1238, %dma_wait3A_1245, %dma_wait3A_1246] : memref<16x32x128xf32, #tpu.memory_space<vmem>> -> memref<1x32x128xf32, #tpu.memory_space<vmem>>
      %dma_wait3A_1248 = tpu.memref_squeeze %dma_wait3A_1247 : memref<1x32x128xf32, #tpu.memory_space<vmem>> -> memref<32x128xf32, #tpu.memory_space<vmem>>
      %dma_wait3A_1249 = arith.constant 0 : i32
      %dma_wait3A_1250 = tpu.memref_slice %arg5[%dma_wait3A_1249, %multiple_of3A_1001] : memref<32x1000001xf32, #tpu.memory_space<hbm>> -> memref<32x128xf32, #tpu.memory_space<hbm>>
      tpu.wait_dma2 semaphore(%arg17 : memref<!tpu.dma_semaphore, #tpu.memory_space<semaphore_mem>>) src(%dma_wait3A_1250 : memref<32x128xf32, #tpu.memory_space<hbm>>) dst(%dma_wait3A_1248 : memref<32x128xf32, #tpu.memory_space<vmem>>)
      %dma_wait3A_1251 = arith.constant 12 : i32
      %dma_wait3A_1252 = arith.constant 0 : i32
      %dma_wait3A_1253 = arith.constant 0 : i32
      %dma_wait3A_1254 = tpu.memref_slice %arg11[%dma_wait3A_1251, %dma_wait3A_1252, %dma_wait3A_1253] : memref<16x32x128xf32, #tpu.memory_space<vmem>> -> memref<1x32x128xf32, #tpu.memory_space<vmem>>
      %dma_wait3A_1255 = tpu.memref_squeeze %dma_wait3A_1254 : memref<1x32x128xf32, #tpu.memory_space<vmem>> -> memref<32x128xf32, #tpu.memory_space<vmem>>
      %dma_wait3A_1256 = arith.constant 0 : i32
      %dma_wait3A_1257 = tpu.memref_slice %arg5[%dma_wait3A_1256, %multiple_of3A_1021] : memref<32x1000001xf32, #tpu.memory_space<hbm>> -> memref<32x128xf32, #tpu.memory_space<hbm>>
      %dma_wait3A_1258 = arith.constant 0 : i32
      %dma_wait3A_1259 = arith.constant 0 : i32
      %dma_wait3A_1260 = tpu.memref_slice %arg11[%dma_wait3A_1251, %dma_wait3A_1258, %dma_wait3A_1259] : memref<16x32x128xf32, #tpu.memory_space<vmem>> -> memref<1x32x128xf32, #tpu.memory_space<vmem>>
      %dma_wait3A_1261 = tpu.memref_squeeze %dma_wait3A_1260 : memref<1x32x128xf32, #tpu.memory_space<vmem>> -> memref<32x128xf32, #tpu.memory_space<vmem>>
      %dma_wait3A_1262 = arith.constant 0 : i32
      %dma_wait3A_1263 = tpu.memref_slice %arg5[%dma_wait3A_1262, %multiple_of3A_1021] : memref<32x1000001xf32, #tpu.memory_space<hbm>> -> memref<32x128xf32, #tpu.memory_space<hbm>>
      tpu.wait_dma2 semaphore(%arg17 : memref<!tpu.dma_semaphore, #tpu.memory_space<semaphore_mem>>) src(%dma_wait3A_1263 : memref<32x128xf32, #tpu.memory_space<hbm>>) dst(%dma_wait3A_1261 : memref<32x128xf32, #tpu.memory_space<vmem>>)
      %dma_wait3A_1264 = arith.constant 13 : i32
      %dma_wait3A_1265 = arith.constant 0 : i32
      %dma_wait3A_1266 = arith.constant 0 : i32
      %dma_wait3A_1267 = tpu.memref_slice %arg11[%dma_wait3A_1264, %dma_wait3A_1265, %dma_wait3A_1266] : memref<16x32x128xf32, #tpu.memory_space<vmem>> -> memref<1x32x128xf32, #tpu.memory_space<vmem>>
      %dma_wait3A_1268 = tpu.memref_squeeze %dma_wait3A_1267 : memref<1x32x128xf32, #tpu.memory_space<vmem>> -> memref<32x128xf32, #tpu.memory_space<vmem>>
      %dma_wait3A_1269 = arith.constant 0 : i32
      %dma_wait3A_1270 = tpu.memref_slice %arg5[%dma_wait3A_1269, %multiple_of3A_1041] : memref<32x1000001xf32, #tpu.memory_space<hbm>> -> memref<32x128xf32, #tpu.memory_space<hbm>>
      %dma_wait3A_1271 = arith.constant 0 : i32
      %dma_wait3A_1272 = arith.constant 0 : i32
      %dma_wait3A_1273 = tpu.memref_slice %arg11[%dma_wait3A_1264, %dma_wait3A_1271, %dma_wait3A_1272] : memref<16x32x128xf32, #tpu.memory_space<vmem>> -> memref<1x32x128xf32, #tpu.memory_space<vmem>>
      %dma_wait3A_1274 = tpu.memref_squeeze %dma_wait3A_1273 : memref<1x32x128xf32, #tpu.memory_space<vmem>> -> memref<32x128xf32, #tpu.memory_space<vmem>>
      %dma_wait3A_1275 = arith.constant 0 : i32
      %dma_wait3A_1276 = tpu.memref_slice %arg5[%dma_wait3A_1275, %multiple_of3A_1041] : memref<32x1000001xf32, #tpu.memory_space<hbm>> -> memref<32x128xf32, #tpu.memory_space<hbm>>
      tpu.wait_dma2 semaphore(%arg17 : memref<!tpu.dma_semaphore, #tpu.memory_space<semaphore_mem>>) src(%dma_wait3A_1276 : memref<32x128xf32, #tpu.memory_space<hbm>>) dst(%dma_wait3A_1274 : memref<32x128xf32, #tpu.memory_space<vmem>>)
      %dma_wait3A_1277 = arith.constant 14 : i32
      %dma_wait3A_1278 = arith.constant 0 : i32
      %dma_wait3A_1279 = arith.constant 0 : i32
      %dma_wait3A_1280 = tpu.memref_slice %arg11[%dma_wait3A_1277, %dma_wait3A_1278, %dma_wait3A_1279] : memref<16x32x128xf32, #tpu.memory_space<vmem>> -> memref<1x32x128xf32, #tpu.memory_space<vmem>>
      %dma_wait3A_1281 = tpu.memref_squeeze %dma_wait3A_1280 : memref<1x32x128xf32, #tpu.memory_space<vmem>> -> memref<32x128xf32, #tpu.memory_space<vmem>>
      %dma_wait3A_1282 = arith.constant 0 : i32
      %dma_wait3A_1283 = tpu.memref_slice %arg5[%dma_wait3A_1282, %multiple_of3A_1061] : memref<32x1000001xf32, #tpu.memory_space<hbm>> -> memref<32x128xf32, #tpu.memory_space<hbm>>
      %dma_wait3A_1284 = arith.constant 0 : i32
      %dma_wait3A_1285 = arith.constant 0 : i32
      %dma_wait3A_1286 = tpu.memref_slice %arg11[%dma_wait3A_1277, %dma_wait3A_1284, %dma_wait3A_1285] : memref<16x32x128xf32, #tpu.memory_space<vmem>> -> memref<1x32x128xf32, #tpu.memory_space<vmem>>
      %dma_wait3A_1287 = tpu.memref_squeeze %dma_wait3A_1286 : memref<1x32x128xf32, #tpu.memory_space<vmem>> -> memref<32x128xf32, #tpu.memory_space<vmem>>
      %dma_wait3A_1288 = arith.constant 0 : i32
      %dma_wait3A_1289 = tpu.memref_slice %arg5[%dma_wait3A_1288, %multiple_of3A_1061] : memref<32x1000001xf32, #tpu.memory_space<hbm>> -> memref<32x128xf32, #tpu.memory_space<hbm>>
      tpu.wait_dma2 semaphore(%arg17 : memref<!tpu.dma_semaphore, #tpu.memory_space<semaphore_mem>>) src(%dma_wait3A_1289 : memref<32x128xf32, #tpu.memory_space<hbm>>) dst(%dma_wait3A_1287 : memref<32x128xf32, #tpu.memory_space<vmem>>)
      %dma_wait3A_1290 = arith.constant 15 : i32
      %dma_wait3A_1291 = arith.constant 0 : i32
      %dma_wait3A_1292 = arith.constant 0 : i32
      %dma_wait3A_1293 = tpu.memref_slice %arg11[%dma_wait3A_1290, %dma_wait3A_1291, %dma_wait3A_1292] : memref<16x32x128xf32, #tpu.memory_space<vmem>> -> memref<1x32x128xf32, #tpu.memory_space<vmem>>
      %dma_wait3A_1294 = tpu.memref_squeeze %dma_wait3A_1293 : memref<1x32x128xf32, #tpu.memory_space<vmem>> -> memref<32x128xf32, #tpu.memory_space<vmem>>
      %dma_wait3A_1295 = arith.constant 0 : i32
      %dma_wait3A_1296 = tpu.memref_slice %arg5[%dma_wait3A_1295, %multiple_of3A_1081] : memref<32x1000001xf32, #tpu.memory_space<hbm>> -> memref<32x128xf32, #tpu.memory_space<hbm>>
      %dma_wait3A_1297 = arith.constant 0 : i32
      %dma_wait3A_1298 = arith.constant 0 : i32
      %dma_wait3A_1299 = tpu.memref_slice %arg11[%dma_wait3A_1290, %dma_wait3A_1297, %dma_wait3A_1298] : memref<16x32x128xf32, #tpu.memory_space<vmem>> -> memref<1x32x128xf32, #tpu.memory_space<vmem>>
      %dma_wait3A_1300 = tpu.memref_squeeze %dma_wait3A_1299 : memref<1x32x128xf32, #tpu.memory_space<vmem>> -> memref<32x128xf32, #tpu.memory_space<vmem>>
      %dma_wait3A_1301 = arith.constant 0 : i32
      %dma_wait3A_1302 = tpu.memref_slice %arg5[%dma_wait3A_1301, %multiple_of3A_1081] : memref<32x1000001xf32, #tpu.memory_space<hbm>> -> memref<32x128xf32, #tpu.memory_space<hbm>>
      tpu.wait_dma2 semaphore(%arg17 : memref<!tpu.dma_semaphore, #tpu.memory_space<semaphore_mem>>) src(%dma_wait3A_1302 : memref<32x128xf32, #tpu.memory_space<hbm>>) dst(%dma_wait3A_1300 : memref<32x128xf32, #tpu.memory_space<vmem>>)
      %broadcast_in_dim3A_1303 = vector.broadcast %squeeze3A : f32 to vector<16xf32>
      %broadcast_in_dim3A_1304 = arith.constant 0 : i32
      %broadcast_in_dim3A_1305 = vector.broadcast %broadcast_in_dim3A_1304 : i32 to vector<16xi32>
      %gather3A_1306 = tpu.vector_load_idx %arg11[%iota3A, %broadcast_in_dim3A_1305, %and3A_30] : memref<16x32x128xf32, #tpu.memory_space<vmem>>[vector<16xi32>, vector<16xi32>, vector<16xi32>], vector<16xf32>,
      %slice3A_1307 = vector.extract_strided_slice %get3A_5 {offsets = [0], sizes = [1], strides = [1]} : vector<16xf32> to vector<1xf32>
      %squeeze3A_1308 = vector.extract %slice3A_1307[0] : f32 from vector<1xf32>
      %get3A_1309 = arith.constant 0 : i32
      %get3A_1310 = arith.index_cast %get3A_1309 : i32 to index
      %get3A_1311 = arith.constant 0 : index
      %get3A_1312 = tpu.vector_load %arg12[%get3A_1310, %get3A_1311] {strides = array<i32>} : memref<32x16xf32, #tpu.memory_space<vmem>>, vector<16xf32>,
      %mul3A_1313 = arith.mulf %get3A_1312, %gather3A_1306 : vector<16xf32>
      %mul3A_1314 = vector.broadcast %squeeze3A_1308 : f32 to vector<16xf32>
      %mul3A_1315 = arith.mulf %mul3A_1313, %mul3A_1314 : vector<16xf32>
      %add3A_1316 = arith.addf %broadcast_in_dim3A_1303, %mul3A_1315 : vector<16xf32>
      %broadcast_in_dim3A_1317 = arith.constant 1 : i32
      %broadcast_in_dim3A_1318 = vector.broadcast %broadcast_in_dim3A_1317 : i32 to vector<16xi32>
      %gather3A_1319 = tpu.vector_load_idx %arg11[%iota3A, %broadcast_in_dim3A_1318, %and3A_30] : memref<16x32x128xf32, #tpu.memory_space<vmem>>[vector<16xi32>, vector<16xi32>, vector<16xi32>], vector<16xf32>,
      %slice3A_1320 = vector.extract_strided_slice %get3A_5 {offsets = [1], sizes = [1], strides = [1]} : vector<16xf32> to vector<1xf32>
      %squeeze3A_1321 = vector.extract %slice3A_1320[0] : f32 from vector<1xf32>
      %get3A_1322 = arith.constant 1 : i32
      %get3A_1323 = arith.index_cast %get3A_1322 : i32 to index
      %get3A_1324 = arith.constant 0 : index
      %get3A_1325 = tpu.vector_load %arg12[%get3A_1323, %get3A_1324] {strides = array<i32>} : memref<32x16xf32, #tpu.memory_space<vmem>>, vector<16xf32>,
      %mul3A_1326 = arith.mulf %get3A_1325, %gather3A_1319 : vector<16xf32>
      %mul3A_1327 = vector.broadcast %squeeze3A_1321 : f32 to vector<16xf32>
      %mul3A_1328 = arith.mulf %mul3A_1326, %mul3A_1327 : vector<16xf32>
      %add3A_1329 = arith.addf %add3A_1316, %mul3A_1328 : vector<16xf32>
      %broadcast_in_dim3A_1330 = arith.constant 2 : i32
      %broadcast_in_dim3A_1331 = vector.broadcast %broadcast_in_dim3A_1330 : i32 to vector<16xi32>
      %gather3A_1332 = tpu.vector_load_idx %arg11[%iota3A, %broadcast_in_dim3A_1331, %and3A_30] : memref<16x32x128xf32, #tpu.memory_space<vmem>>[vector<16xi32>, vector<16xi32>, vector<16xi32>], vector<16xf32>,
      %slice3A_1333 = vector.extract_strided_slice %get3A_5 {offsets = [2], sizes = [1], strides = [1]} : vector<16xf32> to vector<1xf32>
      %squeeze3A_1334 = vector.extract %slice3A_1333[0] : f32 from vector<1xf32>
      %get3A_1335 = arith.constant 2 : i32
      %get3A_1336 = arith.index_cast %get3A_1335 : i32 to index
      %get3A_1337 = arith.constant 0 : index
      %get3A_1338 = tpu.vector_load %arg12[%get3A_1336, %get3A_1337] {strides = array<i32>} : memref<32x16xf32, #tpu.memory_space<vmem>>, vector<16xf32>,
      %mul3A_1339 = arith.mulf %get3A_1338, %gather3A_1332 : vector<16xf32>
      %mul3A_1340 = vector.broadcast %squeeze3A_1334 : f32 to vector<16xf32>
      %mul3A_1341 = arith.mulf %mul3A_1339, %mul3A_1340 : vector<16xf32>
      %add3A_1342 = arith.addf %add3A_1329, %mul3A_1341 : vector<16xf32>
      %broadcast_in_dim3A_1343 = arith.constant 3 : i32
      %broadcast_in_dim3A_1344 = vector.broadcast %broadcast_in_dim3A_1343 : i32 to vector<16xi32>
      %gather3A_1345 = tpu.vector_load_idx %arg11[%iota3A, %broadcast_in_dim3A_1344, %and3A_30] : memref<16x32x128xf32, #tpu.memory_space<vmem>>[vector<16xi32>, vector<16xi32>, vector<16xi32>], vector<16xf32>,
      %slice3A_1346 = vector.extract_strided_slice %get3A_5 {offsets = [3], sizes = [1], strides = [1]} : vector<16xf32> to vector<1xf32>
      %squeeze3A_1347 = vector.extract %slice3A_1346[0] : f32 from vector<1xf32>
      %get3A_1348 = arith.constant 3 : i32
      %get3A_1349 = arith.index_cast %get3A_1348 : i32 to index
      %get3A_1350 = arith.constant 0 : index
      %get3A_1351 = tpu.vector_load %arg12[%get3A_1349, %get3A_1350] {strides = array<i32>} : memref<32x16xf32, #tpu.memory_space<vmem>>, vector<16xf32>,
      %mul3A_1352 = arith.mulf %get3A_1351, %gather3A_1345 : vector<16xf32>
      %mul3A_1353 = vector.broadcast %squeeze3A_1347 : f32 to vector<16xf32>
      %mul3A_1354 = arith.mulf %mul3A_1352, %mul3A_1353 : vector<16xf32>
      %add3A_1355 = arith.addf %add3A_1342, %mul3A_1354 : vector<16xf32>
      %broadcast_in_dim3A_1356 = arith.constant 4 : i32
      %broadcast_in_dim3A_1357 = vector.broadcast %broadcast_in_dim3A_1356 : i32 to vector<16xi32>
      %gather3A_1358 = tpu.vector_load_idx %arg11[%iota3A, %broadcast_in_dim3A_1357, %and3A_30] : memref<16x32x128xf32, #tpu.memory_space<vmem>>[vector<16xi32>, vector<16xi32>, vector<16xi32>], vector<16xf32>,
      %slice3A_1359 = vector.extract_strided_slice %get3A_5 {offsets = [4], sizes = [1], strides = [1]} : vector<16xf32> to vector<1xf32>
      %squeeze3A_1360 = vector.extract %slice3A_1359[0] : f32 from vector<1xf32>
      %get3A_1361 = arith.constant 4 : i32
      %get3A_1362 = arith.index_cast %get3A_1361 : i32 to index
      %get3A_1363 = arith.constant 0 : index
      %get3A_1364 = tpu.vector_load %arg12[%get3A_1362, %get3A_1363] {strides = array<i32>} : memref<32x16xf32, #tpu.memory_space<vmem>>, vector<16xf32>,
      %mul3A_1365 = arith.mulf %get3A_1364, %gather3A_1358 : vector<16xf32>
      %mul3A_1366 = vector.broadcast %squeeze3A_1360 : f32 to vector<16xf32>
      %mul3A_1367 = arith.mulf %mul3A_1365, %mul3A_1366 : vector<16xf32>
      %add3A_1368 = arith.addf %add3A_1355, %mul3A_1367 : vector<16xf32>
      %broadcast_in_dim3A_1369 = arith.constant 5 : i32
      %broadcast_in_dim3A_1370 = vector.broadcast %broadcast_in_dim3A_1369 : i32 to vector<16xi32>
      %gather3A_1371 = tpu.vector_load_idx %arg11[%iota3A, %broadcast_in_dim3A_1370, %and3A_30] : memref<16x32x128xf32, #tpu.memory_space<vmem>>[vector<16xi32>, vector<16xi32>, vector<16xi32>], vector<16xf32>,
      %slice3A_1372 = vector.extract_strided_slice %get3A_5 {offsets = [5], sizes = [1], strides = [1]} : vector<16xf32> to vector<1xf32>
      %squeeze3A_1373 = vector.extract %slice3A_1372[0] : f32 from vector<1xf32>
      %get3A_1374 = arith.constant 5 : i32
      %get3A_1375 = arith.index_cast %get3A_1374 : i32 to index
      %get3A_1376 = arith.constant 0 : index
      %get3A_1377 = tpu.vector_load %arg12[%get3A_1375, %get3A_1376] {strides = array<i32>} : memref<32x16xf32, #tpu.memory_space<vmem>>, vector<16xf32>,
      %mul3A_1378 = arith.mulf %get3A_1377, %gather3A_1371 : vector<16xf32>
      %mul3A_1379 = vector.broadcast %squeeze3A_1373 : f32 to vector<16xf32>
      %mul3A_1380 = arith.mulf %mul3A_1378, %mul3A_1379 : vector<16xf32>
      %add3A_1381 = arith.addf %add3A_1368, %mul3A_1380 : vector<16xf32>
      %broadcast_in_dim3A_1382 = arith.constant 6 : i32
      %broadcast_in_dim3A_1383 = vector.broadcast %broadcast_in_dim3A_1382 : i32 to vector<16xi32>
      %gather3A_1384 = tpu.vector_load_idx %arg11[%iota3A, %broadcast_in_dim3A_1383, %and3A_30] : memref<16x32x128xf32, #tpu.memory_space<vmem>>[vector<16xi32>, vector<16xi32>, vector<16xi32>], vector<16xf32>,
      %slice3A_1385 = vector.extract_strided_slice %get3A_5 {offsets = [6], sizes = [1], strides = [1]} : vector<16xf32> to vector<1xf32>
      %squeeze3A_1386 = vector.extract %slice3A_1385[0] : f32 from vector<1xf32>
      %get3A_1387 = arith.constant 6 : i32
      %get3A_1388 = arith.index_cast %get3A_1387 : i32 to index
      %get3A_1389 = arith.constant 0 : index
      %get3A_1390 = tpu.vector_load %arg12[%get3A_1388, %get3A_1389] {strides = array<i32>} : memref<32x16xf32, #tpu.memory_space<vmem>>, vector<16xf32>,
      %mul3A_1391 = arith.mulf %get3A_1390, %gather3A_1384 : vector<16xf32>
      %mul3A_1392 = vector.broadcast %squeeze3A_1386 : f32 to vector<16xf32>
      %mul3A_1393 = arith.mulf %mul3A_1391, %mul3A_1392 : vector<16xf32>
      %add3A_1394 = arith.addf %add3A_1381, %mul3A_1393 : vector<16xf32>
      %broadcast_in_dim3A_1395 = arith.constant 7 : i32
      %broadcast_in_dim3A_1396 = vector.broadcast %broadcast_in_dim3A_1395 : i32 to vector<16xi32>
      %gather3A_1397 = tpu.vector_load_idx %arg11[%iota3A, %broadcast_in_dim3A_1396, %and3A_30] : memref<16x32x128xf32, #tpu.memory_space<vmem>>[vector<16xi32>, vector<16xi32>, vector<16xi32>], vector<16xf32>,
      %slice3A_1398 = vector.extract_strided_slice %get3A_5 {offsets = [7], sizes = [1], strides = [1]} : vector<16xf32> to vector<1xf32>
      %squeeze3A_1399 = vector.extract %slice3A_1398[0] : f32 from vector<1xf32>
      %get3A_1400 = arith.constant 7 : i32
      %get3A_1401 = arith.index_cast %get3A_1400 : i32 to index
      %get3A_1402 = arith.constant 0 : index
      %get3A_1403 = tpu.vector_load %arg12[%get3A_1401, %get3A_1402] {strides = array<i32>} : memref<32x16xf32, #tpu.memory_space<vmem>>, vector<16xf32>,
      %mul3A_1404 = arith.mulf %get3A_1403, %gather3A_1397 : vector<16xf32>
      %mul3A_1405 = vector.broadcast %squeeze3A_1399 : f32 to vector<16xf32>
      %mul3A_1406 = arith.mulf %mul3A_1404, %mul3A_1405 : vector<16xf32>
      %add3A_1407 = arith.addf %add3A_1394, %mul3A_1406 : vector<16xf32>
      %broadcast_in_dim3A_1408 = arith.constant 8 : i32
      %broadcast_in_dim3A_1409 = vector.broadcast %broadcast_in_dim3A_1408 : i32 to vector<16xi32>
      %gather3A_1410 = tpu.vector_load_idx %arg11[%iota3A, %broadcast_in_dim3A_1409, %and3A_30] : memref<16x32x128xf32, #tpu.memory_space<vmem>>[vector<16xi32>, vector<16xi32>, vector<16xi32>], vector<16xf32>,
      %slice3A_1411 = vector.extract_strided_slice %get3A_5 {offsets = [8], sizes = [1], strides = [1]} : vector<16xf32> to vector<1xf32>
      %squeeze3A_1412 = vector.extract %slice3A_1411[0] : f32 from vector<1xf32>
      %get3A_1413 = arith.constant 8 : i32
      %get3A_1414 = arith.index_cast %get3A_1413 : i32 to index
      %get3A_1415 = arith.constant 0 : index
      %get3A_1416 = tpu.vector_load %arg12[%get3A_1414, %get3A_1415] {strides = array<i32>} : memref<32x16xf32, #tpu.memory_space<vmem>>, vector<16xf32>,
      %mul3A_1417 = arith.mulf %get3A_1416, %gather3A_1410 : vector<16xf32>
      %mul3A_1418 = vector.broadcast %squeeze3A_1412 : f32 to vector<16xf32>
      %mul3A_1419 = arith.mulf %mul3A_1417, %mul3A_1418 : vector<16xf32>
      %add3A_1420 = arith.addf %add3A_1407, %mul3A_1419 : vector<16xf32>
      %broadcast_in_dim3A_1421 = arith.constant 9 : i32
      %broadcast_in_dim3A_1422 = vector.broadcast %broadcast_in_dim3A_1421 : i32 to vector<16xi32>
      %gather3A_1423 = tpu.vector_load_idx %arg11[%iota3A, %broadcast_in_dim3A_1422, %and3A_30] : memref<16x32x128xf32, #tpu.memory_space<vmem>>[vector<16xi32>, vector<16xi32>, vector<16xi32>], vector<16xf32>,
      %slice3A_1424 = vector.extract_strided_slice %get3A_5 {offsets = [9], sizes = [1], strides = [1]} : vector<16xf32> to vector<1xf32>
      %squeeze3A_1425 = vector.extract %slice3A_1424[0] : f32 from vector<1xf32>
      %get3A_1426 = arith.constant 9 : i32
      %get3A_1427 = arith.index_cast %get3A_1426 : i32 to index
      %get3A_1428 = arith.constant 0 : index
      %get3A_1429 = tpu.vector_load %arg12[%get3A_1427, %get3A_1428] {strides = array<i32>} : memref<32x16xf32, #tpu.memory_space<vmem>>, vector<16xf32>,
      %mul3A_1430 = arith.mulf %get3A_1429, %gather3A_1423 : vector<16xf32>
      %mul3A_1431 = vector.broadcast %squeeze3A_1425 : f32 to vector<16xf32>
      %mul3A_1432 = arith.mulf %mul3A_1430, %mul3A_1431 : vector<16xf32>
      %add3A_1433 = arith.addf %add3A_1420, %mul3A_1432 : vector<16xf32>
      %broadcast_in_dim3A_1434 = arith.constant 10 : i32
      %broadcast_in_dim3A_1435 = vector.broadcast %broadcast_in_dim3A_1434 : i32 to vector<16xi32>
      %gather3A_1436 = tpu.vector_load_idx %arg11[%iota3A, %broadcast_in_dim3A_1435, %and3A_30] : memref<16x32x128xf32, #tpu.memory_space<vmem>>[vector<16xi32>, vector<16xi32>, vector<16xi32>], vector<16xf32>,
      %slice3A_1437 = vector.extract_strided_slice %get3A_5 {offsets = [10], sizes = [1], strides = [1]} : vector<16xf32> to vector<1xf32>
      %squeeze3A_1438 = vector.extract %slice3A_1437[0] : f32 from vector<1xf32>
      %get3A_1439 = arith.constant 10 : i32
      %get3A_1440 = arith.index_cast %get3A_1439 : i32 to index
      %get3A_1441 = arith.constant 0 : index
      %get3A_1442 = tpu.vector_load %arg12[%get3A_1440, %get3A_1441] {strides = array<i32>} : memref<32x16xf32, #tpu.memory_space<vmem>>, vector<16xf32>,
      %mul3A_1443 = arith.mulf %get3A_1442, %gather3A_1436 : vector<16xf32>
      %mul3A_1444 = vector.broadcast %squeeze3A_1438 : f32 to vector<16xf32>
      %mul3A_1445 = arith.mulf %mul3A_1443, %mul3A_1444 : vector<16xf32>
      %add3A_1446 = arith.addf %add3A_1433, %mul3A_1445 : vector<16xf32>
      %broadcast_in_dim3A_1447 = arith.constant 11 : i32
      %broadcast_in_dim3A_1448 = vector.broadcast %broadcast_in_dim3A_1447 : i32 to vector<16xi32>
      %gather3A_1449 = tpu.vector_load_idx %arg11[%iota3A, %broadcast_in_dim3A_1448, %and3A_30] : memref<16x32x128xf32, #tpu.memory_space<vmem>>[vector<16xi32>, vector<16xi32>, vector<16xi32>], vector<16xf32>,
      %slice3A_1450 = vector.extract_strided_slice %get3A_5 {offsets = [11], sizes = [1], strides = [1]} : vector<16xf32> to vector<1xf32>
      %squeeze3A_1451 = vector.extract %slice3A_1450[0] : f32 from vector<1xf32>
      %get3A_1452 = arith.constant 11 : i32
      %get3A_1453 = arith.index_cast %get3A_1452 : i32 to index
      %get3A_1454 = arith.constant 0 : index
      %get3A_1455 = tpu.vector_load %arg12[%get3A_1453, %get3A_1454] {strides = array<i32>} : memref<32x16xf32, #tpu.memory_space<vmem>>, vector<16xf32>,
      %mul3A_1456 = arith.mulf %get3A_1455, %gather3A_1449 : vector<16xf32>
      %mul3A_1457 = vector.broadcast %squeeze3A_1451 : f32 to vector<16xf32>
      %mul3A_1458 = arith.mulf %mul3A_1456, %mul3A_1457 : vector<16xf32>
      %add3A_1459 = arith.addf %add3A_1446, %mul3A_1458 : vector<16xf32>
      %broadcast_in_dim3A_1460 = arith.constant 12 : i32
      %broadcast_in_dim3A_1461 = vector.broadcast %broadcast_in_dim3A_1460 : i32 to vector<16xi32>
      %gather3A_1462 = tpu.vector_load_idx %arg11[%iota3A, %broadcast_in_dim3A_1461, %and3A_30] : memref<16x32x128xf32, #tpu.memory_space<vmem>>[vector<16xi32>, vector<16xi32>, vector<16xi32>], vector<16xf32>,
      %slice3A_1463 = vector.extract_strided_slice %get3A_5 {offsets = [12], sizes = [1], strides = [1]} : vector<16xf32> to vector<1xf32>
      %squeeze3A_1464 = vector.extract %slice3A_1463[0] : f32 from vector<1xf32>
      %get3A_1465 = arith.constant 12 : i32
      %get3A_1466 = arith.index_cast %get3A_1465 : i32 to index
      %get3A_1467 = arith.constant 0 : index
      %get3A_1468 = tpu.vector_load %arg12[%get3A_1466, %get3A_1467] {strides = array<i32>} : memref<32x16xf32, #tpu.memory_space<vmem>>, vector<16xf32>,
      %mul3A_1469 = arith.mulf %get3A_1468, %gather3A_1462 : vector<16xf32>
      %mul3A_1470 = vector.broadcast %squeeze3A_1464 : f32 to vector<16xf32>
      %mul3A_1471 = arith.mulf %mul3A_1469, %mul3A_1470 : vector<16xf32>
      %add3A_1472 = arith.addf %add3A_1459, %mul3A_1471 : vector<16xf32>
      %broadcast_in_dim3A_1473 = arith.constant 13 : i32
      %broadcast_in_dim3A_1474 = vector.broadcast %broadcast_in_dim3A_1473 : i32 to vector<16xi32>
      %gather3A_1475 = tpu.vector_load_idx %arg11[%iota3A, %broadcast_in_dim3A_1474, %and3A_30] : memref<16x32x128xf32, #tpu.memory_space<vmem>>[vector<16xi32>, vector<16xi32>, vector<16xi32>], vector<16xf32>,
      %slice3A_1476 = vector.extract_strided_slice %get3A_5 {offsets = [13], sizes = [1], strides = [1]} : vector<16xf32> to vector<1xf32>
      %squeeze3A_1477 = vector.extract %slice3A_1476[0] : f32 from vector<1xf32>
      %get3A_1478 = arith.constant 13 : i32
      %get3A_1479 = arith.index_cast %get3A_1478 : i32 to index
      %get3A_1480 = arith.constant 0 : index
      %get3A_1481 = tpu.vector_load %arg12[%get3A_1479, %get3A_1480] {strides = array<i32>} : memref<32x16xf32, #tpu.memory_space<vmem>>, vector<16xf32>,
      %mul3A_1482 = arith.mulf %get3A_1481, %gather3A_1475 : vector<16xf32>
      %mul3A_1483 = vector.broadcast %squeeze3A_1477 : f32 to vector<16xf32>
      %mul3A_1484 = arith.mulf %mul3A_1482, %mul3A_1483 : vector<16xf32>
      %add3A_1485 = arith.addf %add3A_1472, %mul3A_1484 : vector<16xf32>
      %broadcast_in_dim3A_1486 = arith.constant 14 : i32
      %broadcast_in_dim3A_1487 = vector.broadcast %broadcast_in_dim3A_1486 : i32 to vector<16xi32>
      %gather3A_1488 = tpu.vector_load_idx %arg11[%iota3A, %broadcast_in_dim3A_1487, %and3A_30] : memref<16x32x128xf32, #tpu.memory_space<vmem>>[vector<16xi32>, vector<16xi32>, vector<16xi32>], vector<16xf32>,
      %slice3A_1489 = vector.extract_strided_slice %get3A_5 {offsets = [14], sizes = [1], strides = [1]} : vector<16xf32> to vector<1xf32>
      %squeeze3A_1490 = vector.extract %slice3A_1489[0] : f32 from vector<1xf32>
      %get3A_1491 = arith.constant 14 : i32
      %get3A_1492 = arith.index_cast %get3A_1491 : i32 to index
      %get3A_1493 = arith.constant 0 : index
      %get3A_1494 = tpu.vector_load %arg12[%get3A_1492, %get3A_1493] {strides = array<i32>} : memref<32x16xf32, #tpu.memory_space<vmem>>, vector<16xf32>,
      %mul3A_1495 = arith.mulf %get3A_1494, %gather3A_1488 : vector<16xf32>
      %mul3A_1496 = vector.broadcast %squeeze3A_1490 : f32 to vector<16xf32>
      %mul3A_1497 = arith.mulf %mul3A_1495, %mul3A_1496 : vector<16xf32>
      %add3A_1498 = arith.addf %add3A_1485, %mul3A_1497 : vector<16xf32>
      %broadcast_in_dim3A_1499 = arith.constant 15 : i32
      %broadcast_in_dim3A_1500 = vector.broadcast %broadcast_in_dim3A_1499 : i32 to vector<16xi32>
      %gather3A_1501 = tpu.vector_load_idx %arg11[%iota3A, %broadcast_in_dim3A_1500, %and3A_30] : memref<16x32x128xf32, #tpu.memory_space<vmem>>[vector<16xi32>, vector<16xi32>, vector<16xi32>], vector<16xf32>,
      %slice3A_1502 = vector.extract_strided_slice %get3A_5 {offsets = [15], sizes = [1], strides = [1]} : vector<16xf32> to vector<1xf32>
      %squeeze3A_1503 = vector.extract %slice3A_1502[0] : f32 from vector<1xf32>
      %get3A_1504 = arith.constant 15 : i32
      %get3A_1505 = arith.index_cast %get3A_1504 : i32 to index
      %get3A_1506 = arith.constant 0 : index
      %get3A_1507 = tpu.vector_load %arg12[%get3A_1505, %get3A_1506] {strides = array<i32>} : memref<32x16xf32, #tpu.memory_space<vmem>>, vector<16xf32>,
      %mul3A_1508 = arith.mulf %get3A_1507, %gather3A_1501 : vector<16xf32>
      %mul3A_1509 = vector.broadcast %squeeze3A_1503 : f32 to vector<16xf32>
      %mul3A_1510 = arith.mulf %mul3A_1508, %mul3A_1509 : vector<16xf32>
      %add3A_1511 = arith.addf %add3A_1498, %mul3A_1510 : vector<16xf32>
      %broadcast_in_dim3A_1512 = arith.constant 16 : i32
      %broadcast_in_dim3A_1513 = vector.broadcast %broadcast_in_dim3A_1512 : i32 to vector<16xi32>
      %gather3A_1514 = tpu.vector_load_idx %arg11[%iota3A, %broadcast_in_dim3A_1513, %and3A_30] : memref<16x32x128xf32, #tpu.memory_space<vmem>>[vector<16xi32>, vector<16xi32>, vector<16xi32>], vector<16xf32>,
      %slice3A_1515 = vector.extract_strided_slice %get3A_9 {offsets = [0], sizes = [1], strides = [1]} : vector<16xf32> to vector<1xf32>
      %squeeze3A_1516 = vector.extract %slice3A_1515[0] : f32 from vector<1xf32>
      %get3A_1517 = arith.constant 16 : i32
      %get3A_1518 = arith.index_cast %get3A_1517 : i32 to index
      %get3A_1519 = arith.constant 0 : index
      %get3A_1520 = tpu.vector_load %arg12[%get3A_1518, %get3A_1519] {strides = array<i32>} : memref<32x16xf32, #tpu.memory_space<vmem>>, vector<16xf32>,
      %mul3A_1521 = arith.mulf %get3A_1520, %gather3A_1514 : vector<16xf32>
      %mul3A_1522 = vector.broadcast %squeeze3A_1516 : f32 to vector<16xf32>
      %mul3A_1523 = arith.mulf %mul3A_1521, %mul3A_1522 : vector<16xf32>
      %add3A_1524 = arith.addf %add3A_1511, %mul3A_1523 : vector<16xf32>
      %broadcast_in_dim3A_1525 = arith.constant 17 : i32
      %broadcast_in_dim3A_1526 = vector.broadcast %broadcast_in_dim3A_1525 : i32 to vector<16xi32>
      %gather3A_1527 = tpu.vector_load_idx %arg11[%iota3A, %broadcast_in_dim3A_1526, %and3A_30] : memref<16x32x128xf32, #tpu.memory_space<vmem>>[vector<16xi32>, vector<16xi32>, vector<16xi32>], vector<16xf32>,
      %slice3A_1528 = vector.extract_strided_slice %get3A_9 {offsets = [1], sizes = [1], strides = [1]} : vector<16xf32> to vector<1xf32>
      %squeeze3A_1529 = vector.extract %slice3A_1528[0] : f32 from vector<1xf32>
      %get3A_1530 = arith.constant 17 : i32
      %get3A_1531 = arith.index_cast %get3A_1530 : i32 to index
      %get3A_1532 = arith.constant 0 : index
      %get3A_1533 = tpu.vector_load %arg12[%get3A_1531, %get3A_1532] {strides = array<i32>} : memref<32x16xf32, #tpu.memory_space<vmem>>, vector<16xf32>,
      %mul3A_1534 = arith.mulf %get3A_1533, %gather3A_1527 : vector<16xf32>
      %mul3A_1535 = vector.broadcast %squeeze3A_1529 : f32 to vector<16xf32>
      %mul3A_1536 = arith.mulf %mul3A_1534, %mul3A_1535 : vector<16xf32>
      %add3A_1537 = arith.addf %add3A_1524, %mul3A_1536 : vector<16xf32>
      %broadcast_in_dim3A_1538 = arith.constant 18 : i32
      %broadcast_in_dim3A_1539 = vector.broadcast %broadcast_in_dim3A_1538 : i32 to vector<16xi32>
      %gather3A_1540 = tpu.vector_load_idx %arg11[%iota3A, %broadcast_in_dim3A_1539, %and3A_30] : memref<16x32x128xf32, #tpu.memory_space<vmem>>[vector<16xi32>, vector<16xi32>, vector<16xi32>], vector<16xf32>,
      %slice3A_1541 = vector.extract_strided_slice %get3A_9 {offsets = [2], sizes = [1], strides = [1]} : vector<16xf32> to vector<1xf32>
      %squeeze3A_1542 = vector.extract %slice3A_1541[0] : f32 from vector<1xf32>
      %get3A_1543 = arith.constant 18 : i32
      %get3A_1544 = arith.index_cast %get3A_1543 : i32 to index
      %get3A_1545 = arith.constant 0 : index
      %get3A_1546 = tpu.vector_load %arg12[%get3A_1544, %get3A_1545] {strides = array<i32>} : memref<32x16xf32, #tpu.memory_space<vmem>>, vector<16xf32>,
      %mul3A_1547 = arith.mulf %get3A_1546, %gather3A_1540 : vector<16xf32>
      %mul3A_1548 = vector.broadcast %squeeze3A_1542 : f32 to vector<16xf32>
      %mul3A_1549 = arith.mulf %mul3A_1547, %mul3A_1548 : vector<16xf32>
      %add3A_1550 = arith.addf %add3A_1537, %mul3A_1549 : vector<16xf32>
      %broadcast_in_dim3A_1551 = arith.constant 19 : i32
      %broadcast_in_dim3A_1552 = vector.broadcast %broadcast_in_dim3A_1551 : i32 to vector<16xi32>
      %gather3A_1553 = tpu.vector_load_idx %arg11[%iota3A, %broadcast_in_dim3A_1552, %and3A_30] : memref<16x32x128xf32, #tpu.memory_space<vmem>>[vector<16xi32>, vector<16xi32>, vector<16xi32>], vector<16xf32>,
      %slice3A_1554 = vector.extract_strided_slice %get3A_9 {offsets = [3], sizes = [1], strides = [1]} : vector<16xf32> to vector<1xf32>
      %squeeze3A_1555 = vector.extract %slice3A_1554[0] : f32 from vector<1xf32>
      %get3A_1556 = arith.constant 19 : i32
      %get3A_1557 = arith.index_cast %get3A_1556 : i32 to index
      %get3A_1558 = arith.constant 0 : index
      %get3A_1559 = tpu.vector_load %arg12[%get3A_1557, %get3A_1558] {strides = array<i32>} : memref<32x16xf32, #tpu.memory_space<vmem>>, vector<16xf32>,
      %mul3A_1560 = arith.mulf %get3A_1559, %gather3A_1553 : vector<16xf32>
      %mul3A_1561 = vector.broadcast %squeeze3A_1555 : f32 to vector<16xf32>
      %mul3A_1562 = arith.mulf %mul3A_1560, %mul3A_1561 : vector<16xf32>
      %add3A_1563 = arith.addf %add3A_1550, %mul3A_1562 : vector<16xf32>
      %broadcast_in_dim3A_1564 = arith.constant 20 : i32
      %broadcast_in_dim3A_1565 = vector.broadcast %broadcast_in_dim3A_1564 : i32 to vector<16xi32>
      %gather3A_1566 = tpu.vector_load_idx %arg11[%iota3A, %broadcast_in_dim3A_1565, %and3A_30] : memref<16x32x128xf32, #tpu.memory_space<vmem>>[vector<16xi32>, vector<16xi32>, vector<16xi32>], vector<16xf32>,
      %slice3A_1567 = vector.extract_strided_slice %get3A_9 {offsets = [4], sizes = [1], strides = [1]} : vector<16xf32> to vector<1xf32>
      %squeeze3A_1568 = vector.extract %slice3A_1567[0] : f32 from vector<1xf32>
      %get3A_1569 = arith.constant 20 : i32
      %get3A_1570 = arith.index_cast %get3A_1569 : i32 to index
      %get3A_1571 = arith.constant 0 : index
      %get3A_1572 = tpu.vector_load %arg12[%get3A_1570, %get3A_1571] {strides = array<i32>} : memref<32x16xf32, #tpu.memory_space<vmem>>, vector<16xf32>,
      %mul3A_1573 = arith.mulf %get3A_1572, %gather3A_1566 : vector<16xf32>
      %mul3A_1574 = vector.broadcast %squeeze3A_1568 : f32 to vector<16xf32>
      %mul3A_1575 = arith.mulf %mul3A_1573, %mul3A_1574 : vector<16xf32>
      %add3A_1576 = arith.addf %add3A_1563, %mul3A_1575 : vector<16xf32>
      %broadcast_in_dim3A_1577 = arith.constant 21 : i32
      %broadcast_in_dim3A_1578 = vector.broadcast %broadcast_in_dim3A_1577 : i32 to vector<16xi32>
      %gather3A_1579 = tpu.vector_load_idx %arg11[%iota3A, %broadcast_in_dim3A_1578, %and3A_30] : memref<16x32x128xf32, #tpu.memory_space<vmem>>[vector<16xi32>, vector<16xi32>, vector<16xi32>], vector<16xf32>,
      %slice3A_1580 = vector.extract_strided_slice %get3A_9 {offsets = [5], sizes = [1], strides = [1]} : vector<16xf32> to vector<1xf32>
      %squeeze3A_1581 = vector.extract %slice3A_1580[0] : f32 from vector<1xf32>
      %get3A_1582 = arith.constant 21 : i32
      %get3A_1583 = arith.index_cast %get3A_1582 : i32 to index
      %get3A_1584 = arith.constant 0 : index
      %get3A_1585 = tpu.vector_load %arg12[%get3A_1583, %get3A_1584] {strides = array<i32>} : memref<32x16xf32, #tpu.memory_space<vmem>>, vector<16xf32>,
      %mul3A_1586 = arith.mulf %get3A_1585, %gather3A_1579 : vector<16xf32>
      %mul3A_1587 = vector.broadcast %squeeze3A_1581 : f32 to vector<16xf32>
      %mul3A_1588 = arith.mulf %mul3A_1586, %mul3A_1587 : vector<16xf32>
      %add3A_1589 = arith.addf %add3A_1576, %mul3A_1588 : vector<16xf32>
      %broadcast_in_dim3A_1590 = arith.constant 22 : i32
      %broadcast_in_dim3A_1591 = vector.broadcast %broadcast_in_dim3A_1590 : i32 to vector<16xi32>
      %gather3A_1592 = tpu.vector_load_idx %arg11[%iota3A, %broadcast_in_dim3A_1591, %and3A_30] : memref<16x32x128xf32, #tpu.memory_space<vmem>>[vector<16xi32>, vector<16xi32>, vector<16xi32>], vector<16xf32>,
      %slice3A_1593 = vector.extract_strided_slice %get3A_9 {offsets = [6], sizes = [1], strides = [1]} : vector<16xf32> to vector<1xf32>
      %squeeze3A_1594 = vector.extract %slice3A_1593[0] : f32 from vector<1xf32>
      %get3A_1595 = arith.constant 22 : i32
      %get3A_1596 = arith.index_cast %get3A_1595 : i32 to index
      %get3A_1597 = arith.constant 0 : index
      %get3A_1598 = tpu.vector_load %arg12[%get3A_1596, %get3A_1597] {strides = array<i32>} : memref<32x16xf32, #tpu.memory_space<vmem>>, vector<16xf32>,
      %mul3A_1599 = arith.mulf %get3A_1598, %gather3A_1592 : vector<16xf32>
      %mul3A_1600 = vector.broadcast %squeeze3A_1594 : f32 to vector<16xf32>
      %mul3A_1601 = arith.mulf %mul3A_1599, %mul3A_1600 : vector<16xf32>
      %add3A_1602 = arith.addf %add3A_1589, %mul3A_1601 : vector<16xf32>
      %broadcast_in_dim3A_1603 = arith.constant 23 : i32
      %broadcast_in_dim3A_1604 = vector.broadcast %broadcast_in_dim3A_1603 : i32 to vector<16xi32>
      %gather3A_1605 = tpu.vector_load_idx %arg11[%iota3A, %broadcast_in_dim3A_1604, %and3A_30] : memref<16x32x128xf32, #tpu.memory_space<vmem>>[vector<16xi32>, vector<16xi32>, vector<16xi32>], vector<16xf32>,
      %slice3A_1606 = vector.extract_strided_slice %get3A_9 {offsets = [7], sizes = [1], strides = [1]} : vector<16xf32> to vector<1xf32>
      %squeeze3A_1607 = vector.extract %slice3A_1606[0] : f32 from vector<1xf32>
      %get3A_1608 = arith.constant 23 : i32
      %get3A_1609 = arith.index_cast %get3A_1608 : i32 to index
      %get3A_1610 = arith.constant 0 : index
      %get3A_1611 = tpu.vector_load %arg12[%get3A_1609, %get3A_1610] {strides = array<i32>} : memref<32x16xf32, #tpu.memory_space<vmem>>, vector<16xf32>,
      %mul3A_1612 = arith.mulf %get3A_1611, %gather3A_1605 : vector<16xf32>
      %mul3A_1613 = vector.broadcast %squeeze3A_1607 : f32 to vector<16xf32>
      %mul3A_1614 = arith.mulf %mul3A_1612, %mul3A_1613 : vector<16xf32>
      %add3A_1615 = arith.addf %add3A_1602, %mul3A_1614 : vector<16xf32>
      %broadcast_in_dim3A_1616 = arith.constant 24 : i32
      %broadcast_in_dim3A_1617 = vector.broadcast %broadcast_in_dim3A_1616 : i32 to vector<16xi32>
      %gather3A_1618 = tpu.vector_load_idx %arg11[%iota3A, %broadcast_in_dim3A_1617, %and3A_30] : memref<16x32x128xf32, #tpu.memory_space<vmem>>[vector<16xi32>, vector<16xi32>, vector<16xi32>], vector<16xf32>,
      %slice3A_1619 = vector.extract_strided_slice %get3A_9 {offsets = [8], sizes = [1], strides = [1]} : vector<16xf32> to vector<1xf32>
      %squeeze3A_1620 = vector.extract %slice3A_1619[0] : f32 from vector<1xf32>
      %get3A_1621 = arith.constant 24 : i32
      %get3A_1622 = arith.index_cast %get3A_1621 : i32 to index
      %get3A_1623 = arith.constant 0 : index
      %get3A_1624 = tpu.vector_load %arg12[%get3A_1622, %get3A_1623] {strides = array<i32>} : memref<32x16xf32, #tpu.memory_space<vmem>>, vector<16xf32>,
      %mul3A_1625 = arith.mulf %get3A_1624, %gather3A_1618 : vector<16xf32>
      %mul3A_1626 = vector.broadcast %squeeze3A_1620 : f32 to vector<16xf32>
      %mul3A_1627 = arith.mulf %mul3A_1625, %mul3A_1626 : vector<16xf32>
      %add3A_1628 = arith.addf %add3A_1615, %mul3A_1627 : vector<16xf32>
      %broadcast_in_dim3A_1629 = arith.constant 25 : i32
      %broadcast_in_dim3A_1630 = vector.broadcast %broadcast_in_dim3A_1629 : i32 to vector<16xi32>
      %gather3A_1631 = tpu.vector_load_idx %arg11[%iota3A, %broadcast_in_dim3A_1630, %and3A_30] : memref<16x32x128xf32, #tpu.memory_space<vmem>>[vector<16xi32>, vector<16xi32>, vector<16xi32>], vector<16xf32>,
      %slice3A_1632 = vector.extract_strided_slice %get3A_9 {offsets = [9], sizes = [1], strides = [1]} : vector<16xf32> to vector<1xf32>
      %squeeze3A_1633 = vector.extract %slice3A_1632[0] : f32 from vector<1xf32>
      %get3A_1634 = arith.constant 25 : i32
      %get3A_1635 = arith.index_cast %get3A_1634 : i32 to index
      %get3A_1636 = arith.constant 0 : index
      %get3A_1637 = tpu.vector_load %arg12[%get3A_1635, %get3A_1636] {strides = array<i32>} : memref<32x16xf32, #tpu.memory_space<vmem>>, vector<16xf32>,
      %mul3A_1638 = arith.mulf %get3A_1637, %gather3A_1631 : vector<16xf32>
      %mul3A_1639 = vector.broadcast %squeeze3A_1633 : f32 to vector<16xf32>
      %mul3A_1640 = arith.mulf %mul3A_1638, %mul3A_1639 : vector<16xf32>
      %add3A_1641 = arith.addf %add3A_1628, %mul3A_1640 : vector<16xf32>
      %broadcast_in_dim3A_1642 = arith.constant 26 : i32
      %broadcast_in_dim3A_1643 = vector.broadcast %broadcast_in_dim3A_1642 : i32 to vector<16xi32>
      %gather3A_1644 = tpu.vector_load_idx %arg11[%iota3A, %broadcast_in_dim3A_1643, %and3A_30] : memref<16x32x128xf32, #tpu.memory_space<vmem>>[vector<16xi32>, vector<16xi32>, vector<16xi32>], vector<16xf32>,
      %slice3A_1645 = vector.extract_strided_slice %get3A_9 {offsets = [10], sizes = [1], strides = [1]} : vector<16xf32> to vector<1xf32>
      %squeeze3A_1646 = vector.extract %slice3A_1645[0] : f32 from vector<1xf32>
      %get3A_1647 = arith.constant 26 : i32
      %get3A_1648 = arith.index_cast %get3A_1647 : i32 to index
      %get3A_1649 = arith.constant 0 : index
      %get3A_1650 = tpu.vector_load %arg12[%get3A_1648, %get3A_1649] {strides = array<i32>} : memref<32x16xf32, #tpu.memory_space<vmem>>, vector<16xf32>,
      %mul3A_1651 = arith.mulf %get3A_1650, %gather3A_1644 : vector<16xf32>
      %mul3A_1652 = vector.broadcast %squeeze3A_1646 : f32 to vector<16xf32>
      %mul3A_1653 = arith.mulf %mul3A_1651, %mul3A_1652 : vector<16xf32>
      %add3A_1654 = arith.addf %add3A_1641, %mul3A_1653 : vector<16xf32>
      %broadcast_in_dim3A_1655 = arith.constant 27 : i32
      %broadcast_in_dim3A_1656 = vector.broadcast %broadcast_in_dim3A_1655 : i32 to vector<16xi32>
      %gather3A_1657 = tpu.vector_load_idx %arg11[%iota3A, %broadcast_in_dim3A_1656, %and3A_30] : memref<16x32x128xf32, #tpu.memory_space<vmem>>[vector<16xi32>, vector<16xi32>, vector<16xi32>], vector<16xf32>,
      %slice3A_1658 = vector.extract_strided_slice %get3A_9 {offsets = [11], sizes = [1], strides = [1]} : vector<16xf32> to vector<1xf32>
      %squeeze3A_1659 = vector.extract %slice3A_1658[0] : f32 from vector<1xf32>
      %get3A_1660 = arith.constant 27 : i32
      %get3A_1661 = arith.index_cast %get3A_1660 : i32 to index
      %get3A_1662 = arith.constant 0 : index
      %get3A_1663 = tpu.vector_load %arg12[%get3A_1661, %get3A_1662] {strides = array<i32>} : memref<32x16xf32, #tpu.memory_space<vmem>>, vector<16xf32>,
      %mul3A_1664 = arith.mulf %get3A_1663, %gather3A_1657 : vector<16xf32>
      %mul3A_1665 = vector.broadcast %squeeze3A_1659 : f32 to vector<16xf32>
      %mul3A_1666 = arith.mulf %mul3A_1664, %mul3A_1665 : vector<16xf32>
      %add3A_1667 = arith.addf %add3A_1654, %mul3A_1666 : vector<16xf32>
      %broadcast_in_dim3A_1668 = arith.constant 28 : i32
      %broadcast_in_dim3A_1669 = vector.broadcast %broadcast_in_dim3A_1668 : i32 to vector<16xi32>
      %gather3A_1670 = tpu.vector_load_idx %arg11[%iota3A, %broadcast_in_dim3A_1669, %and3A_30] : memref<16x32x128xf32, #tpu.memory_space<vmem>>[vector<16xi32>, vector<16xi32>, vector<16xi32>], vector<16xf32>,
      %slice3A_1671 = vector.extract_strided_slice %get3A_9 {offsets = [12], sizes = [1], strides = [1]} : vector<16xf32> to vector<1xf32>
      %squeeze3A_1672 = vector.extract %slice3A_1671[0] : f32 from vector<1xf32>
      %get3A_1673 = arith.constant 28 : i32
      %get3A_1674 = arith.index_cast %get3A_1673 : i32 to index
      %get3A_1675 = arith.constant 0 : index
      %get3A_1676 = tpu.vector_load %arg12[%get3A_1674, %get3A_1675] {strides = array<i32>} : memref<32x16xf32, #tpu.memory_space<vmem>>, vector<16xf32>,
      %mul3A_1677 = arith.mulf %get3A_1676, %gather3A_1670 : vector<16xf32>
      %mul3A_1678 = vector.broadcast %squeeze3A_1672 : f32 to vector<16xf32>
      %mul3A_1679 = arith.mulf %mul3A_1677, %mul3A_1678 : vector<16xf32>
      %add3A_1680 = arith.addf %add3A_1667, %mul3A_1679 : vector<16xf32>
      %broadcast_in_dim3A_1681 = arith.constant 29 : i32
      %broadcast_in_dim3A_1682 = vector.broadcast %broadcast_in_dim3A_1681 : i32 to vector<16xi32>
      %gather3A_1683 = tpu.vector_load_idx %arg11[%iota3A, %broadcast_in_dim3A_1682, %and3A_30] : memref<16x32x128xf32, #tpu.memory_space<vmem>>[vector<16xi32>, vector<16xi32>, vector<16xi32>], vector<16xf32>,
      %slice3A_1684 = vector.extract_strided_slice %get3A_9 {offsets = [13], sizes = [1], strides = [1]} : vector<16xf32> to vector<1xf32>
      %squeeze3A_1685 = vector.extract %slice3A_1684[0] : f32 from vector<1xf32>
      %get3A_1686 = arith.constant 29 : i32
      %get3A_1687 = arith.index_cast %get3A_1686 : i32 to index
      %get3A_1688 = arith.constant 0 : index
      %get3A_1689 = tpu.vector_load %arg12[%get3A_1687, %get3A_1688] {strides = array<i32>} : memref<32x16xf32, #tpu.memory_space<vmem>>, vector<16xf32>,
      %mul3A_1690 = arith.mulf %get3A_1689, %gather3A_1683 : vector<16xf32>
      %mul3A_1691 = vector.broadcast %squeeze3A_1685 : f32 to vector<16xf32>
      %mul3A_1692 = arith.mulf %mul3A_1690, %mul3A_1691 : vector<16xf32>
      %add3A_1693 = arith.addf %add3A_1680, %mul3A_1692 : vector<16xf32>
      %broadcast_in_dim3A_1694 = arith.constant 30 : i32
      %broadcast_in_dim3A_1695 = vector.broadcast %broadcast_in_dim3A_1694 : i32 to vector<16xi32>
      %gather3A_1696 = tpu.vector_load_idx %arg11[%iota3A, %broadcast_in_dim3A_1695, %and3A_30] : memref<16x32x128xf32, #tpu.memory_space<vmem>>[vector<16xi32>, vector<16xi32>, vector<16xi32>], vector<16xf32>,
      %slice3A_1697 = vector.extract_strided_slice %get3A_9 {offsets = [14], sizes = [1], strides = [1]} : vector<16xf32> to vector<1xf32>
      %squeeze3A_1698 = vector.extract %slice3A_1697[0] : f32 from vector<1xf32>
      %get3A_1699 = arith.constant 30 : i32
      %get3A_1700 = arith.index_cast %get3A_1699 : i32 to index
      %get3A_1701 = arith.constant 0 : index
      %get3A_1702 = tpu.vector_load %arg12[%get3A_1700, %get3A_1701] {strides = array<i32>} : memref<32x16xf32, #tpu.memory_space<vmem>>, vector<16xf32>,
      %mul3A_1703 = arith.mulf %get3A_1702, %gather3A_1696 : vector<16xf32>
      %mul3A_1704 = vector.broadcast %squeeze3A_1698 : f32 to vector<16xf32>
      %mul3A_1705 = arith.mulf %mul3A_1703, %mul3A_1704 : vector<16xf32>
      %add3A_1706 = arith.addf %add3A_1693, %mul3A_1705 : vector<16xf32>
      %broadcast_in_dim3A_1707 = arith.constant 31 : i32
      %broadcast_in_dim3A_1708 = vector.broadcast %broadcast_in_dim3A_1707 : i32 to vector<16xi32>
      %gather3A_1709 = tpu.vector_load_idx %arg11[%iota3A, %broadcast_in_dim3A_1708, %and3A_30] : memref<16x32x128xf32, #tpu.memory_space<vmem>>[vector<16xi32>, vector<16xi32>, vector<16xi32>], vector<16xf32>,
      %slice3A_1710 = vector.extract_strided_slice %get3A_9 {offsets = [15], sizes = [1], strides = [1]} : vector<16xf32> to vector<1xf32>
      %squeeze3A_1711 = vector.extract %slice3A_1710[0] : f32 from vector<1xf32>
      %get3A_1712 = arith.constant 31 : i32
      %get3A_1713 = arith.index_cast %get3A_1712 : i32 to index
      %get3A_1714 = arith.constant 0 : index
      %get3A_1715 = tpu.vector_load %arg12[%get3A_1713, %get3A_1714] {strides = array<i32>} : memref<32x16xf32, #tpu.memory_space<vmem>>, vector<16xf32>,
      %mul3A_1716 = arith.mulf %get3A_1715, %gather3A_1709 : vector<16xf32>
      %mul3A_1717 = vector.broadcast %squeeze3A_1711 : f32 to vector<16xf32>
      %mul3A_1718 = arith.mulf %mul3A_1716, %mul3A_1717 : vector<16xf32>
      %add3A_1719 = arith.addf %add3A_1706, %mul3A_1718 : vector<16xf32>
      %mul3A_1720 = arith.constant 16 : i32
      %mul3A_1721 = arith.muli %scan3A_17, %mul3A_1720 : i32
      %swap3A_1722 = arith.index_cast %mul3A_1721 : i32 to index
      %swap3A_1723 = tpu.vector_load %arg15[%swap3A_1722] {strides = array<i32>} : memref<512xf32, #tpu.memory_space<vmem>>, vector<16xf32>,
      tpu.vector_store %arg15[%swap3A_1722], %add3A_1719 {strides = array<i32>} : memref<512xf32, #tpu.memory_space<vmem>>, vector<16xf32>,
    }
    %scan3A_16 = arith.constant 32 : i32
    "tpu.region"() ({
      %run_scoped3A = tpu.sem_alloc : memref<!tpu.dma_semaphore, #tpu.memory_space<semaphore_mem>>
      %dma_start3A = tpu.memref_slice %arg8[%mul3A_2] : memref<16384xf32, #tpu.memory_space<hbm>> -> memref<512xf32, #tpu.memory_space<hbm>>
      %dma_start3A_17 = tpu.memref_slice %arg8[%mul3A_2] : memref<16384xf32, #tpu.memory_space<hbm>> -> memref<512xf32, #tpu.memory_space<hbm>>
      tpu.enqueue_dma source(%arg15 : memref<512xf32, #tpu.memory_space<vmem>>) target(%dma_start3A_17 : memref<512xf32, #tpu.memory_space<hbm>>) target_semaphore(%run_scoped3A : memref<!tpu.dma_semaphore, #tpu.memory_space<semaphore_mem>>)
      %dma_wait3A = tpu.memref_slice %arg8[%mul3A_2] : memref<16384xf32, #tpu.memory_space<hbm>> -> memref<512xf32, #tpu.memory_space<hbm>>
      %dma_wait3A_18 = tpu.memref_slice %arg8[%mul3A_2] : memref<16384xf32, #tpu.memory_space<hbm>> -> memref<512xf32, #tpu.memory_space<hbm>>
      tpu.wait_dma2 semaphore(%run_scoped3A : memref<!tpu.dma_semaphore, #tpu.memory_space<semaphore_mem>>) src(%arg15 : memref<512xf32, #tpu.memory_space<vmem>>) dst(%dma_wait3A_18 : memref<512xf32, #tpu.memory_space<hbm>>)
      tpu.yield
    }) : () -> ()
    return
  }
}

</mosaic_0001>

<sc_bundles>
// kernel: _gmf.3.cloned.1.call-start
scs
__scs_entry_jumppad:
0x0: {  	(pc) =	sbr.rel $0x88, $3  }
0x1: {  	(tag) =	ssettag $0x0;
	lr =	simm.s32 $0x1  }
0x2: {  	[smem:$0x3F9B] =	sst lr;
	_ =	strace $0xD0000000  }
0x3: {  	_ = 	snop  }
0x4: {  	_ = 	snop  }
0x5: {  	_ = 	snop  }
0x6: {  	_ = 	snop  }
0x7: {  	_ = 	snop  }
__scs_overlays_trampoline_lowered:
0x8: {  	[smem:$0x3FAA] =	sst s0  }
0x9: {  	[smem:$0x3FAB] =	sst s1  }
0xa: {  	[smem:$0x3FAC] =	sst s2  }
0xb: {  	[smem:$0x3FAD] =	sst s3  }
0xc: {  	[smem:$0x3FAE] =	sst s4  }
0xd: {  	[smem:$0x3FAF] =	sst s5  }
0xe: {  	[smem:$0x3FB0] =	sst s6  }
0xf: {  	[smem:$0x3FB1] =	sst s7  }
0x10: {  	[smem:$0x3FB2] =	sst s8  }
0x11: {  	[smem:$0x3FB3] =	sst s9;
	s0 =	simm.s32 @!p0 $0x0  }
0x12: {  	s1 =	sld [smem:$0x3F99];
	s0 =	simm.s32 @p0 $0x1  }
0x13: {  	[smem:$0x3FB4] =	sst s0;
	s0 =	simm.s32 @!p1 $0x0  }
0x14: {  	s2 =	sld [smem:$0x3F98];
	s0 =	simm.s32 @p1 $0x1  }
0x15: {  	[smem:$0x3FB5] =	sst s0;
	s0 =	simm.s32 @!p2 $0x0  }
0x16: {  	s3 =	sld [smem:$0x3FDB];
	s0 =	simm.s32 @p2 $0x1  }
0x17: {  	s4 =	simm.s32 $0x1BF5;
	[smem:$0x3FB7] =	sst s0  }
0x18: {  	s0 =	sld [smem:$0x3F9A];
	_ =	swait.ge [sflag:s4], $0x0  }
0x19: {  	s7 =	sld [smem:$0x3F9B]  }
0x1a: {  	s8 =	sadd.s32 $0xFFFFE003, lr  }
0x1b: {  	s9 =	sadd.s32 $0xFFFFFEF7, lr;
	s5 =	simm.s32 $0xFFFFFFFF;
	p2 =	slt.u32 s8, $0xFFFFF086  }
0x1c: {  	p1 =	slt.u32 s9, $0xF7A;
	s5 =	simm.s32 @!p2 $0x0  }
0x1d: {  	s5 =	simm.s32 @p1 $0x1;
	p0 =	seq.s32 s7, s2  }
0x1e: {  	s7 =	smul.u32 @!p0 $0xF7A, s2;
	p2 =	seq.s32 @!p0 s5, $0x0  }
0x1f: {  	s9 =	smul.u32 $0xF7A, s1;
	s8 =	simm.s32 @!p0 $0x1BF5;
	p2 =	por !p2, p0  }
0x20: {  	[sflag:s8] =	ssyncset.s32 @!p0 $0xFFFFF086;
	s6 =	sadd.s32 @!p0 s3, s7;
	s7 =	simm.s32 @!p0 $0x108  }
0x21: {  	s3 =	sadd.s32 s3, s9;
	s6 =	sadd.s32 @!p0 $0x88, s6;
	s7 =	simm.s32 @p2 $0x1082  }
0x22: {  	[simem:s7], [sflag:s8] =	dma.local @!p0 [hbm:s6], $0xF7A  }
0x23: {  	s9 =	sor.u32 $0xD0000000, s2;
	s6 =	simm.s32 $0x108;
	_ =	swait.ge @!p0 [sflag:s8], $0x0  }
0x24: {  	s3 =	sadd.s32 $0x88, s3;
	s6 =	simm.s32 @!p1 $0x1082;
	[sflag:s4] =	ssyncset.s32 $0xFFFFF086  }
0x25: {  	[simem:s6], [sflag:s4] =	dma.local [hbm:s3], $0xF7A  }
0x26: {  	[smem:$0x3F9B] =	sst s1;
	(tag) =	ssettag s2;
	_ =	strace s9  }
0x27: {  	s1 =	sld [smem:$0x3FAB]  }
0x28: {  	s2 =	sld [smem:$0x3FAC]  }
0x29: {  	s4 =	sld [smem:$0x3FAE]  }
0x2a: {  	p0 =	seq.s32 s5, $0x0;
	s5 =	sld [smem:$0x3FAF]  }
0x2b: {  	s6 =	sld [smem:$0x3FB0]  }
0x2c: {  	s7 =	sld [smem:$0x3FB1]  }
0x2d: {  	s3 =	simm.s32 $0x108;
	s8 =	sld [smem:$0x3FB2]  }
0x2e: {  	s3 =	simm.s32 @!p0 $0x1082;
	s9 =	sld [smem:$0x3FB3]  }
0x2f: {  	lr =	sadd.s32 s0, s3;
	s0 =	sld [smem:$0x3FAA]  }
0x30: {  	s3 =	sld [smem:$0x3FAD]  }
0x31: {  	[smem:$0x3FB6] =	sst s10  }
0x32: {  	s10 =	sld [smem:$0x3FB4];
	_ =	sdelay $0x3  }
0x33: {  	p0 =	seq.s32 s10, $0x1;
	s10 =	sld [smem:$0x3FB6];
	_ =	sdelay $0x3  }
0x34: {  	[smem:$0x3FB6] =	sst s10  }
0x35: {  	s10 =	sld [smem:$0x3FB5];
	_ =	sdelay $0x3  }
0x36: {  	p1 =	seq.s32 s10, $0x1;
	s10 =	sld [smem:$0x3FB6];
	_ =	sdelay $0x3  }
0x37: {  	[smem:$0x3FB6] =	sst s10  }
0x38: {  	s10 =	sld [smem:$0x3FB7]  }
0x39: {  	_ = 	snop;
	(pc) =	sbr.ind lr, $3  }
0x3a: {  	_ = 	snop  }
0x3b: {  	_ = 	snop  }
0x3c: {  	p2 =	seq.s32 s10, $0x1;
	s10 =	sld [smem:$0x3FB6]  }
0x3d: {  	_ =	shalt  }
0x3e: {  	_ =	shalt  }
0x3f: {  	_ =	shalt  }
0x40: {  	_ =	shalt  }
0x41: {  	_ =	shalt  }
0x42: {  	_ =	shalt  }
0x43: {  	_ =	shalt  }
0x44: {  	_ =	shalt  }
0x45: {  	_ =	shalt  }
0x46: {  	_ =	shalt  }
0x47: {  	_ =	shalt  }
0x48: {  	_ =	shalt  }
0x49: {  	_ =	shalt  }
0x4a: {  	_ =	shalt  }
0x4b: {  	_ =	shalt  }
0x4c: {  	_ =	shalt  }
0x4d: {  	_ =	shalt  }
0x4e: {  	_ =	shalt  }
0x4f: {  	_ =	shalt  }
0x50: {  	_ =	shalt  }
0x51: {  	_ =	shalt  }
0x52: {  	_ =	shalt  }
0x53: {  	_ =	shalt  }
0x54: {  	_ =	shalt  }
0x55: {  	_ =	shalt  }
0x56: {  	_ =	shalt  }
0x57: {  	_ =	shalt  }
0x58: {  	_ =	shalt  }
0x59: {  	_ =	shalt  }
0x5a: {  	_ =	shalt  }
0x5b: {  	_ =	shalt  }
0x5c: {  	_ =	shalt  }
0x5d: {  	_ =	shalt  }
0x5e: {  	_ =	shalt  }
0x5f: {  	_ =	shalt  }
0x60: {  	_ =	shalt  }
0x61: {  	_ =	shalt  }
0x62: {  	_ =	shalt  }
0x63: {  	_ =	shalt  }
0x64: {  	_ =	shalt  }
0x65: {  	_ =	shalt  }
0x66: {  	_ =	shalt  }
0x67: {  	_ =	shalt  }
0x68: {  	_ =	shalt  }
0x69: {  	_ =	shalt  }
0x6a: {  	_ =	shalt  }
0x6b: {  	_ =	shalt  }
0x6c: {  	_ =	shalt  }
0x6d: {  	_ =	shalt  }
0x6e: {  	_ =	shalt  }
0x6f: {  	_ =	shalt  }
0x70: {  	_ =	shalt  }
0x71: {  	_ =	shalt  }
0x72: {  	_ =	shalt  }
0x73: {  	_ =	shalt  }
0x74: {  	_ =	shalt  }
0x75: {  	_ =	shalt  }
0x76: {  	_ =	shalt  }
0x77: {  	_ =	shalt  }
0x78: {  	_ =	shalt  }
0x79: {  	_ =	shalt  }
0x7a: {  	_ =	shalt  }
0x7b: {  	_ =	shalt  }
0x7c: {  	_ =	shalt  }
0x7d: {  	_ =	shalt  }
0x7e: {  	_ =	shalt  }
0x7f: {  	_ =	shalt  }
0x80: {  	_ =	shalt  }
0x81: {  	_ =	shalt  }
0x82: {  	_ =	shalt  }
0x83: {  	_ =	shalt  }
0x84: {  	_ =	shalt  }
0x85: {  	_ =	shalt  }
0x86: {  	_ =	shalt  }
0x87: {  	_ =	shalt  }
.Lfunc_end0:
.L_simem_size_0:
called_computation_lowered:
.L_overlay_start_0:
0x88: {  	s2 =	sld [smem:$0x3FD9]  }
0x89: {  	s3 =	sld [smem:$0x3FFE];
	_ =	sdelay $0x1  }
0x8a: {  	s1 =	srdreg.scid  }
0x8b: {  	s0 =	sand.u32 $0x1, s1  }
0x8c: {  	s18 =	sshll.u32 s0, $0xA;
	s2 =	sadd.s32 s3, s2  }
0x8d: {  	s2 =	sadd.s32 s2, s18  }
0x8e: {  	[smem:$0x3FC2] =	sst s2  }
0x8f: {  	_ = 	snop  }
0x90: {  	s2 =	sld [smem:$0x3FC9]  }
0x91: {  	s19 =	sld [smem:$0x3FC8]  }
0x92: {  	s4 =	sld [smem:$0x3FC7]  }
0x93: {  	s5 =	sld [smem:$0x3FC6]  }
0x94: {  	s6 =	sld [smem:$0x3FC5]  }
0x95: {  	s7 =	sld [smem:$0x3FC4]  }
0x96: {  	s8 =	sld [smem:$0x3FD0];
	(tm) =	ssettm $0x1  }
0x97: {  	s9 =	sld [smem:$0x3FFB];
	_ =	sdelay $0x3  }
0x98: {  	_ =	strace s9  }
0x99: {  	s9 =	sld [smem:$0x3FFC];
	_ =	sdelay $0x3  }
0x9a: {  	_ =	strace s9  }
0x9b: {  	s9 =	sld [smem:$0x3FFD];
	_ =	sdelay $0x3  }
0x9c: {  	_ =	strace s9  }
0x9d: {  	_ =	strace $0x8FFFFFFF  }
0x9e: {  	s20 =	sld [smem:$0x3FDB];
	_ =	sdelay $0x1  }
0x9f: {  	s10 =	simm.s32 $_scs_section_size  }
0xa0: {  	s11 =	simm.s32 $_size__tile_overlayer_lowered;
	s12 =	simm.s32 $_tile_overlayer_lowered  }
0xa1: {  	s23 =	simm.s32 $0x1BFF;
	s22 =	sshll.u32 s12, $0x1;
	s9 =	sadd.s32 s10, s20  }
0xa2: {  	s13 =	simm.s32 $0x0;
	s21 =	sshll.u32 s11, $0x1;
	s11 =	sadd.s32 s22, s9  }
0xa3: {  	[timem:s13], [sflag:s23] =	dma.local [hbm:s11], s21  }
0xa4: {  	_ =	swait.ge [sflag:s23], s21  }
0xa5: {  	s10 =	ssub.s32 $0x0, s21;
	[sflag:s23] =	ssyncset.done $0x0  }
0xa6: {  	[sflag:s23] =	ssyncadd.s32 s10;
	_ =	sdelay $0x1  }
0xa7: {  	s24 =	simm.s32 $0x1B8B  }
0xa8: {  	_ =	swait.ge [sflag:s24], $0x1  }
0xa9: {  	[sflag:s24] =	ssyncset.done $0x0  }
0xaa: {  	s25 =	simm.s32 $0x1B8E;
	[sflag:s24] =	ssyncadd.s32 $0xFFFFFFFF  }
0xab: {  	s26 =	simm.s32 $execute0_lowered;
	[smem:$0x3FD2] =	sst s25  }
0xac: {  	s10 =	sshll.u32 s26, $0x1;
	_ =	strace $0x80000046;
	[dreg:$0x1] =	wrdreg $0xFFFFFFFF  }
0xad: {  	s28 =	simm.s32 $_size_execute0_lowered;
	s9 =	sadd.s32 s9, s10;
	[dreg:$0x0] =	wrdreg $0x0  }
0xae: {  	s10 =	sshll.u32 s28, $0x1;
	[dreg:$0x2] =	wrdreg s9  }
0xaf: {  	[dreg:$0x3] =	wrdreg s10  }
0xb0: {  	[dreg:$0x4] =	wrdreg $0xC0  }
0xb1: {  	_ =	task [dreg:s13], $0x5FFFF  }
0xb2: {  	[dreg:$0x1] =	wrdreg $0xFFFFFFFF  }
0xb3: {  	[dreg:$0x0] =	wrdreg $0x60  }
0xb4: {  	[dreg:$0x2] =	wrdreg s2  }
0xb5: {  	[dreg:$0x3] =	wrdreg s19  }
0xb6: {  	[dreg:$0x4] =	wrdreg s4  }
0xb7: {  	[dreg:$0x5] =	wrdreg s5  }
0xb8: {  	[dreg:$0x6] =	wrdreg s6  }
0xb9: {  	[dreg:$0x7] =	wrdreg s7  }
0xba: {  	[dreg:$0x8] =	wrdreg s8  }
0xbb: {  	[dreg:$0x9] =	wrdreg $0x9  }
0xbc: {  	_ =	task.clear_ibuf [dreg:s13], $0xAFFFF;
	_ =	strace $0x90000046  }
0xbd: {  	s29 =	simm.s32 $0x9;
	_ =	strace $0x80000048  }
0xbe: {  	_ =	swait.ge [sflag:s29], $0x1  }
0xbf: {  	[sflag:s29] =	ssyncadd.s32 $0xFFFFFFFF  }
0xc0: {  	_ =	strace $0x90000048  }
0xc1: {  	_ =	sfence  }
0xc2: {  	s30 =	sld [smem:$0x0];
	_ =	sdelay $0x2  }
0xc3: {  	s31 =	sshll.u32 s1, $0xD;
	s1 =	sshrl.u32 s1, $0x2  }
0xc4: {  	s3 =	sand.u32 $0x4000, s31;
	s1 =	sadd.s32 s1, s30  }
0xc5: {  	s0 =	sor.u32 s3, s0;
	s1 =	sshll.u32 s1, $0x11  }
0xc6: {  	s0 =	sor.u32 s1, s0  }
0xc7: {  	s0 =	sadd.s32 $0x8F2B, s0  }
0xc8: {  	[sflag:s0] =	ssyncadd.remote.s32 $0x1  }
0xc9: {  	_ =	sfence.sel $0xFFFF  }
0xca: {  	[dreg:$0x0] =	wrdreg $0xFFFFFFFF;
	(pc) =	sbr.abs _section_cstart, $3  }
0xcb: {  	[dreg:$0x1] =	wrdreg $0xFFFFFFFF  }
0xcc: {  	_ =	task.clear_ibuf [dreg:s13], $0x2FFFF;
	_ =	strace $0x9FFFFFFF  }
0xcd: {  	(tm) =	ssettm $0x7FFFFFFF  }
tec
execute0_lowered:
.L_overlay_start_1:
0x0: {  	(tag) =	ssettag $0x1  }
0x1: {  	s0 =	rddreg [dreg:$0x0]  }
0x2: {  	s3 =	rddreg [dreg:$0x1]  }
0x3: {  	s1 =	rddreg [dreg:$0x2]  }
0x4: {  	s2 =	rddreg [dreg:$0x3]  }
0x5: {  	s4 =	rddreg [dreg:$0x6];
	s6 =	simm.s32 $0x0;
	v0 =	vlaneseq.u32  }
0x6: {  	s5 =	srdreg.scid;
	s8 =	stileid.u32;
	s11 =	simm.s32 $0x3;
	v0 =	vmul.u32 $0x1000, v0  }
0x7: {  	s15 =	simm.s32 $0x7A1400;
	s16 =	simm.s32 $0x400;
	s17 =	simm.s32 $0x1400  }
0x8: {  	s18 =	simm.s32 $0x2400;
	s19 =	simm.s32 $0x3400;
	s20 =	simm.s32 $0x4400;
	v1 =	vor.u32 $0x80, v0  }
0x9: {  	s21 =	simm.s32 $0x5400;
	s22 =	simm.s32 $0x6400;
	s23 =	simm.s32 $0x7400;
	v2 =	vor.u32 $0x100, v0;
	v3 =	vor.u32 $0x180, v0;
	v4 =	vor.u32 $0x200, v0  }
0xa: {  	s24 =	simm.s32 $0x8400;
	s25 =	simm.s32 $0x9400;
	s26 =	simm.s32 $0xA400;
	v5 =	vor.u32 $0x280, v0;
	v6 =	vor.u32 $0x300, v0;
	v7 =	vor.u32 $0x380, v0  }
0xb: {  	s28 =	simm.s32 $0xB400;
	s29 =	simm.s32 $0xC400;
	s30 =	simm.s32 $0xD400;
	v8 =	vor.u32 $0x400, v0;
	v9 =	vor.u32 $0x480, v0;
	v10 =	vor.u32 $0x500, v0  }
0xc: {  	s31 =	simm.s32 $0xE400;
	s12 =	simm.s32 $0x0;
	s5 =	sand.u32 $0x1, s5;
	v11 =	vor.u32 $0x580, v0;
	v12 =	vor.u32 $0x600, v0;
	v13 =	vor.u32 $0x680, v0  }
0xd: {  	s8 =	sshll.u32 s8, $0x7;
	s7 =	ssub.s32 $0x2, s5;
	s5 =	sshll.u32 s5, $0x6;
	v14 =	vor.u32 $0x700, v0;
	v15 =	vor.u32 $0x780, v0;
	v16 =	vor.u32 $0x800, v0  }
0xe: {  	[smem:$0x7FF] =	sst s6;
	s9 =	sshrl.u32 s7, $0x1;
	s5 =	sor.u32 s5, s8;
	v17 =	vor.u32 $0x880, v0;
	v18 =	vor.u32 $0x900, v0;
	v19 =	vor.u32 $0x980, v0  }
0xf: {  	_ =	strace $0x80000047;
	v20 =	vor.u32 $0xA00, v0;
	v21 =	vor.u32 $0xA80, v0;
	v22 =	vor.u32 $0xB00, v0;
	s10 =	ssub.s32 s7, s9;
	s7 =	sadd.s32 s0, s5  }
0x10: {  	v23 =	vor.u32 $0xB80, v0;
	v24 =	vor.u32 $0xC00, v0;
	v25 =	vor.u32 $0xC80, v0;
	s8 =	sadd.s32 s3, s5;
	s9 =	sadd.s32 s4, s5;
	s0 =	simm.s32 $0xF400  }
0x11: {  	v26 =	vor.u32 $0xD00, v0;
	v27 =	vor.u32 $0xD80, v0;
	v28 =	vor.u32 $0xE00, v0;
	s5 =	simm.s32 $0x1;
	s3 =	simm.s32 $0x2;
	s10 =	smax.u32 s10, $0x1  }
.LBB2_1:
0x12: {  	[tilespmem:s6], [sflag:$0x3] =	stream.linear.gather [hbm4b:s7+s6], $0x200, $0x38;
	[tilespmem:$0x11700] =	vst v63  }
0x13: {  	_ =	swait.ge [sflag:s11], $0x200  }
0x14: {  	[sflag:s11] =	ssyncset.done $0x0  }
0x15: {  	s4 =	simm.s32 $0x200;
	[sflag:s11] =	ssyncadd.s32 $0xFFFFFE00  }
0x16: {  	[tilespmem:s4], [sflag:$0x3] =	stream.linear.gather [hbm4b:s8+s6], $0x200, $0x38;
	[tilespmem:$0x11700] =	vst v63  }
0x17: {  	_ =	swait.ge [sflag:s11], $0x200  }
0x18: {  	[sflag:s11] =	ssyncset.done $0x0  }
0x19: {  	[sflag:s11] =	ssyncadd.s32 $0xFFFFFE00  }
0x1a: {  	s13 =	simm.s32 $0x11400;
	s14 =	rddreg [dreg:$0x4]  }
0x1b: {  	[tilespmem:s13], [sflag:$0x3] =	stream.linear.gather [hbm4b:s14+s6], $0x80, $0x38;
	[tilespmem:$0x11700] =	vst v63  }
0x1c: {  	_ =	swait.ge [sflag:s11], $0x80  }
0x1d: {  	[sflag:s11] =	ssyncset.done $0x0  }
0x1e: {  	[sflag:s11] =	ssyncadd.s32 $0xFFFFFF80  }
0x1f: {  	s14 =	simm.s32 $0x11480;
	s13 =	rddreg [dreg:$0x5]  }
0x20: {  	[tilespmem:s14], [sflag:$0x3] =	stream.linear.gather [hbm4b:s13+s6], $0x1, $0x38;
	[tilespmem:$0x11700] =	vst v63  }
0x21: {  	_ =	swait.ge [sflag:s11], $0x1  }
0x22: {  	[sflag:s11] =	ssyncset.done $0x0  }
0x23: {  	[sflag:s11] =	ssyncadd.s32 $0xFFFFFFFF  }
0x24: {  	v29 =	vld [tilespmem:$0x11400];
	_ =	sdelay $0x4  }
0x25: {  	v30 =	vbroadcast v29, $0x0  }
0x26: {  	v31 =	vbroadcast v29, $0x6  }
0x27: {  	[tilespmem:$0x1FF20] =	vst v30;
	v30 =	vbroadcast v29, $0x1  }
0x28: {  	[tilespmem:$0x1FF80] =	vst v31;
	v31 =	vbroadcast v29, $0x7  }
0x29: {  	[tilespmem:$0x1FF30] =	vst v30;
	v30 =	vbroadcast v29, $0x2  }
0x2a: {  	[tilespmem:$0x1FF90] =	vst v31;
	v31 =	vbroadcast v29, $0x8  }
0x2b: {  	[tilespmem:$0x1FF40] =	vst v30;
	v30 =	vbroadcast v29, $0x3  }
0x2c: {  	[tilespmem:$0x1FFA0] =	vst v31;
	v31 =	vbroadcast v29, $0x9  }
0x2d: {  	[tilespmem:$0x1FF50] =	vst v30;
	v30 =	vbroadcast v29, $0x4  }
0x2e: {  	[tilespmem:$0x1FFB0] =	vst v31;
	v31 =	vbroadcast v29, $0xA  }
0x2f: {  	[tilespmem:$0x1FF60] =	vst v30;
	v30 =	vbroadcast v29, $0x5  }
0x30: {  	[tilespmem:$0x1FFC0] =	vst v31  }
0x31: {  	v31 =	vbroadcast v29, $0xB;
	[tilespmem:$0x1FF70] =	vst v30;
	v30 =	vld [tilespmem:$0x11410];
	_ =	sdelay $0x1  }
0x32: {  	[tilespmem:$0x1FFD0] =	vst v31;
	v31 =	vbroadcast v29, $0xC  }
0x33: {  	v43 =	vbroadcast v29, $0xE  }
0x34: {  	v44 =	vbroadcast v29, $0xF;
	[tilespmem:$0x1FFE0] =	vst v31;
	v31 =	vbroadcast v29, $0xD  }
0x35: {  	v45 =	vbroadcast v30, $0x0;
	v46 =	vbroadcast v30, $0x1  }
0x36: {  	v47 =	vbroadcast v30, $0x2;
	v48 =	vbroadcast v30, $0x3  }
0x37: {  	v49 =	vbroadcast v30, $0x4;
	v50 =	vbroadcast v30, $0x5  }
0x38: {  	v51 =	vbroadcast v30, $0x6;
	v52 =	vbroadcast v30, $0x7  }
0x39: {  	v53 =	vbroadcast v30, $0x8;
	v54 =	vbroadcast v30, $0x9  }
0x3a: {  	v55 =	vbroadcast v30, $0xA;
	v56 =	vbroadcast v30, $0xB  }
0x3b: {  	v57 =	vbroadcast v30, $0xC;
	v58 =	vbroadcast v30, $0xD  }
0x3c: {  	s13 =	simm.s32 $0x0;
	v59 =	vld.msk [tilespmem:$0x11480 ss:$0x0], $0xffff;
	[tilespmem:$0x1FFF0] =	vst v31;
	v60 =	vbroadcast v30, $0xE;
	v61 =	vbroadcast v30, $0xF  }
.LBB2_2:
0x3d: {  	s14 =	sshra.s32 s13, $0x2  }
0x3e: {  	v29 =	vld [tilespmem:s14+$0x0];
	_ =	sdelay $0x4  }
0x3f: {  	(v2sf) =	vpush v29, $0x0;
	_ =	sdelay $0x3  }
0x40: {  	(v2sf) =	vpush v29, $0x1;
	_ =	sdelay $0x3  }
0x41: {  	(v2sf) =	vpush v29, $0x2;
	_ =	sdelay $0x3  }
0x42: {  	(v2sf) =	vpush v29, $0x3;
	_ =	sdelay $0x2  }
0x43: {  	s4 =	spop (v2sf)  }
0x44: {  	(v2sf) =	vpush v29, $0x4;
	s4 =	sand.u32 $0xFFFFF80, s4  }
0x45: {  	s4 =	sadd.s32 s1, s4  }
0x46: {  	v62 =	vld [tilespmem:s14+$0x200];
	[tilespmem:s16], [sflag:$0x1] =	stream.strided.gather [hbm4b:s4+s16], $0x1000, s15, s16, $0x38  }
0x47: {  	s4 =	spop (v2sf)  }
0x48: {  	(v2sf) =	vpush v29, $0x5;
	s4 =	sand.u32 $0xFFFFF80, s4  }
0x49: {  	s4 =	sadd.s32 s1, s4  }
0x4a: {  	[tilespmem:s17], [sflag:$0x1] =	stream.strided.gather [hbm4b:s4+s16], $0x1000, s15, s16, $0x38;
	[tilespmem:$0x11700] =	vst v63  }
0x4b: {  	s4 =	spop (v2sf)  }
0x4c: {  	(v2sf) =	vpush v29, $0x6;
	s4 =	sand.u32 $0xFFFFF80, s4  }
0x4d: {  	s4 =	sadd.s32 s1, s4  }
0x4e: {  	[tilespmem:s18], [sflag:$0x1] =	stream.strided.gather [hbm4b:s4+s16], $0x1000, s15, s16, $0x38;
	[tilespmem:$0x11700] =	vst v63  }
0x4f: {  	s4 =	spop (v2sf)  }
0x50: {  	(v2sf) =	vpush v29, $0x7;
	s4 =	sand.u32 $0xFFFFF80, s4  }
0x51: {  	s4 =	sadd.s32 s1, s4  }
0x52: {  	[tilespmem:s19], [sflag:$0x1] =	stream.strided.gather [hbm4b:s4+s16], $0x1000, s15, s16, $0x38;
	[tilespmem:$0x11700] =	vst v63  }
0x53: {  	s4 =	spop (v2sf)  }
0x54: {  	(v2sf) =	vpush v29, $0x8;
	s4 =	sand.u32 $0xFFFFF80, s4  }
0x55: {  	s4 =	sadd.s32 s1, s4  }
0x56: {  	[tilespmem:s20], [sflag:$0x1] =	stream.strided.gather [hbm4b:s4+s16], $0x1000, s15, s16, $0x38;
	[tilespmem:$0x11700] =	vst v63  }
0x57: {  	s4 =	spop (v2sf)  }
0x58: {  	(v2sf) =	vpush v29, $0x9;
	s4 =	sand.u32 $0xFFFFF80, s4  }
0x59: {  	s4 =	sadd.s32 s1, s4  }
0x5a: {  	[tilespmem:s21], [sflag:$0x1] =	stream.strided.gather [hbm4b:s4+s16], $0x1000, s15, s16, $0x38;
	[tilespmem:$0x11700] =	vst v63  }
0x5b: {  	s4 =	spop (v2sf)  }
0x5c: {  	(v2sf) =	vpush v29, $0xA;
	s4 =	sand.u32 $0xFFFFF80, s4  }
0x5d: {  	s4 =	sadd.s32 s1, s4  }
0x5e: {  	[tilespmem:s22], [sflag:$0x1] =	stream.strided.gather [hbm4b:s4+s16], $0x1000, s15, s16, $0x38;
	[tilespmem:$0x11700] =	vst v63  }
0x5f: {  	s4 =	spop (v2sf)  }
0x60: {  	(v2sf) =	vpush v29, $0xB;
	s4 =	sand.u32 $0xFFFFF80, s4  }
0x61: {  	s4 =	sadd.s32 s1, s4  }
0x62: {  	[tilespmem:s23], [sflag:$0x1] =	stream.strided.gather [hbm4b:s4+s16], $0x1000, s15, s16, $0x38;
	[tilespmem:$0x11700] =	vst v63  }
0x63: {  	s4 =	spop (v2sf)  }
0x64: {  	(v2sf) =	vpush v29, $0xC;
	s4 =	sand.u32 $0xFFFFF80, s4  }
0x65: {  	s4 =	sadd.s32 s1, s4  }
0x66: {  	[tilespmem:s24], [sflag:$0x1] =	stream.strided.gather [hbm4b:s4+s16], $0x1000, s15, s16, $0x38;
	[tilespmem:$0x11700] =	vst v63  }
0x67: {  	s4 =	spop (v2sf)  }
0x68: {  	(v2sf) =	vpush v29, $0xD;
	s4 =	sand.u32 $0xFFFFF80, s4  }
0x69: {  	s4 =	sadd.s32 s1, s4  }
0x6a: {  	[tilespmem:s25], [sflag:$0x1] =	stream.strided.gather [hbm4b:s4+s16], $0x1000, s15, s16, $0x38;
	[tilespmem:$0x11700] =	vst v63  }
0x6b: {  	s4 =	spop (v2sf)  }
0x6c: {  	(v2sf) =	vpush v29, $0xE;
	s4 =	sand.u32 $0xFFFFF80, s4  }
0x6d: {  	s4 =	sadd.s32 s1, s4  }
0x6e: {  	[tilespmem:s26], [sflag:$0x1] =	stream.strided.gather [hbm4b:s4+s16], $0x1000, s15, s16, $0x38;
	[tilespmem:$0x11700] =	vst v63  }
0x6f: {  	s4 =	spop (v2sf)  }
0x70: {  	(v2sf) =	vpush v29, $0xF;
	s4 =	sand.u32 $0xFFFFF80, s4  }
0x71: {  	s4 =	sadd.s32 s1, s4  }
0x72: {  	[tilespmem:s28], [sflag:$0x1] =	stream.strided.gather [hbm4b:s4+s16], $0x1000, s15, s16, $0x38;
	[tilespmem:$0x11700] =	vst v63  }
0x73: {  	s4 =	spop (v2sf)  }
0x74: {  	s4 =	sand.u32 $0xFFFFF80, s4  }
0x75: {  	s4 =	sadd.s32 s1, s4  }
0x76: {  	[tilespmem:s29], [sflag:$0x1] =	stream.strided.gather [hbm4b:s4+s16], $0x1000, s15, s16, $0x38;
	[tilespmem:$0x11700] =	vst v63  }
0x77: {  	s4 =	spop (v2sf)  }
0x78: {  	s4 =	sand.u32 $0xFFFFF80, s4  }
0x79: {  	s4 =	sadd.s32 s1, s4  }
0x7a: {  	[tilespmem:s30], [sflag:$0x1] =	stream.strided.gather [hbm4b:s4+s16], $0x1000, s15, s16, $0x38;
	[tilespmem:$0x11700] =	vst v63  }
0x7b: {  	s4 =	spop (v2sf)  }
0x7c: {  	s4 =	sand.u32 $0xFFFFF80, s4  }
0x7d: {  	s4 =	sadd.s32 s1, s4  }
0x7e: {  	[tilespmem:s31], [sflag:$0x1] =	stream.strided.gather [hbm4b:s4+s16], $0x1000, s15, s16, $0x38;
	[tilespmem:$0x11700] =	vst v63  }
0x7f: {  	s4 =	spop (v2sf)  }
0x80: {  	s4 =	sand.u32 $0xFFFFF80, s4  }
0x81: {  	s4 =	sadd.s32 s1, s4  }
0x82: {  	[tilespmem:s0], [sflag:$0x1] =	stream.strided.gather [hbm4b:s4+s16], $0x1000, s15, s16, $0x38;
	[tilespmem:$0x11700] =	vst v63  }
0x83: {  	_ =	swait.ge [sflag:s5], $0x1000  }
0x84: {  	[sflag:s5] =	ssyncset.done $0x0  }
0x85: {  	[sflag:s5] =	ssyncadd.s32 $0xFFFFF000  }
0x86: {  	_ =	swait.ge [sflag:s5], $0x1000  }
0x87: {  	[sflag:s5] =	ssyncset.done $0x0  }
0x88: {  	[sflag:s5] =	ssyncadd.s32 $0xFFFFF000  }
0x89: {  	_ =	swait.ge [sflag:s5], $0x1000  }
0x8a: {  	[sflag:s5] =	ssyncset.done $0x0  }
0x8b: {  	[sflag:s5] =	ssyncadd.s32 $0xFFFFF000  }
0x8c: {  	_ =	swait.ge [sflag:s5], $0x1000  }
0x8d: {  	[sflag:s5] =	ssyncset.done $0x0  }
0x8e: {  	[sflag:s5] =	ssyncadd.s32 $0xFFFFF000  }
0x8f: {  	_ =	swait.ge [sflag:s5], $0x1000  }
0x90: {  	[sflag:s5] =	ssyncset.done $0x0  }
0x91: {  	[sflag:s5] =	ssyncadd.s32 $0xFFFFF000  }
0x92: {  	_ =	swait.ge [sflag:s5], $0x1000  }
0x93: {  	[sflag:s5] =	ssyncset.done $0x0  }
0x94: {  	[sflag:s5] =	ssyncadd.s32 $0xFFFFF000  }
0x95: {  	_ =	swait.ge [sflag:s5], $0x1000  }
0x96: {  	[sflag:s5] =	ssyncset.done $0x0  }
0x97: {  	[sflag:s5] =	ssyncadd.s32 $0xFFFFF000  }
0x98: {  	_ =	swait.ge [sflag:s5], $0x1000  }
0x99: {  	[sflag:s5] =	ssyncset.done $0x0  }
0x9a: {  	[sflag:s5] =	ssyncadd.s32 $0xFFFFF000  }
0x9b: {  	_ =	swait.ge [sflag:s5], $0x1000  }
0x9c: {  	[sflag:s5] =	ssyncset.done $0x0  }
0x9d: {  	[sflag:s5] =	ssyncadd.s32 $0xFFFFF000  }
0x9e: {  	_ =	swait.ge [sflag:s5], $0x1000  }
0x9f: {  	[sflag:s5] =	ssyncset.done $0x0  }
0xa0: {  	[sflag:s5] =	ssyncadd.s32 $0xFFFFF000  }
0xa1: {  	_ =	swait.ge [sflag:s5], $0x1000  }
0xa2: {  	[sflag:s5] =	ssyncset.done $0x0  }
0xa3: {  	[sflag:s5] =	ssyncadd.s32 $0xFFFFF000  }
0xa4: {  	_ =	swait.ge [sflag:s5], $0x1000  }
0xa5: {  	[sflag:s5] =	ssyncset.done $0x0  }
0xa6: {  	[sflag:s5] =	ssyncadd.s32 $0xFFFFF000  }
0xa7: {  	_ =	swait.ge [sflag:s5], $0x1000  }
0xa8: {  	[sflag:s5] =	ssyncset.done $0x0  }
0xa9: {  	[sflag:s5] =	ssyncadd.s32 $0xFFFFF000  }
0xaa: {  	_ =	swait.ge [sflag:s5], $0x1000  }
0xab: {  	[sflag:s5] =	ssyncset.done $0x0  }
0xac: {  	[sflag:s5] =	ssyncadd.s32 $0xFFFFF000  }
0xad: {  	v31 =	vand.u32 $0x7F, v29;
	_ =	swait.ge [sflag:s5], $0x1000  }
0xae: {  	v29 =	vor.u32 v0, v31;
	[sflag:s5] =	ssyncset.done $0x0  }
0xaf: {  	[sflag:s5] =	ssyncadd.s32 $0xFFFFF000  }
0xb0: {  	_ =	swait.ge [sflag:s5], $0x1000  }
0xb1: {  	[sflag:s5] =	ssyncset.done $0x0  }
0xb2: {  	[sflag:s5] =	ssyncadd.s32 $0xFFFFF000  }
0xb3: {  	v29 =	vld.idx.msk [tilespmem:v29+s16+$0x0], $0xffff  }
0xb4: {  	v30 =	vor.u32 v1, v31;
	_ =	sdelay $0x3  }
0xb5: {  	[tilespmem:$0x10400] =	vst v29  }
0xb6: {  	v29 =	vld.idx.msk [tilespmem:v30+s16+$0x0], $0xffff  }
0xb7: {  	v30 =	vor.u32 v2, v31;
	_ =	sdelay $0x3  }
0xb8: {  	[tilespmem:$0x10480] =	vst v29  }
0xb9: {  	v29 =	vld.idx.msk [tilespmem:v30+s16+$0x0], $0xffff  }
0xba: {  	v30 =	vor.u32 v3, v31;
	_ =	sdelay $0x3  }
0xbb: {  	[tilespmem:$0x10500] =	vst v29  }
0xbc: {  	v29 =	vld.idx.msk [tilespmem:v30+s16+$0x0], $0xffff  }
0xbd: {  	v30 =	vor.u32 v4, v31;
	_ =	sdelay $0x3  }
0xbe: {  	[tilespmem:$0x10580] =	vst v29  }
0xbf: {  	v29 =	vld.idx.msk [tilespmem:v30+s16+$0x0], $0xffff  }
0xc0: {  	v30 =	vor.u32 v5, v31;
	_ =	sdelay $0x3  }
0xc1: {  	[tilespmem:$0x10600] =	vst v29  }
0xc2: {  	v29 =	vld.idx.msk [tilespmem:v30+s16+$0x0], $0xffff  }
0xc3: {  	v30 =	vor.u32 v6, v31;
	_ =	sdelay $0x3  }
0xc4: {  	[tilespmem:$0x10680] =	vst v29  }
0xc5: {  	v29 =	vld.idx.msk [tilespmem:v30+s16+$0x0], $0xffff  }
0xc6: {  	v30 =	vor.u32 v7, v31;
	_ =	sdelay $0x3  }
0xc7: {  	[tilespmem:$0x10700] =	vst v29  }
0xc8: {  	v29 =	vld.idx.msk [tilespmem:v30+s16+$0x0], $0xffff  }
0xc9: {  	v30 =	vor.u32 v8, v31;
	_ =	sdelay $0x3  }
0xca: {  	[tilespmem:$0x10780] =	vst v29  }
0xcb: {  	v29 =	vld.idx.msk [tilespmem:v30+s16+$0x0], $0xffff  }
0xcc: {  	v30 =	vor.u32 v9, v31;
	_ =	sdelay $0x3  }
0xcd: {  	[tilespmem:$0x10800] =	vst v29  }
0xce: {  	v29 =	vld.idx.msk [tilespmem:v30+s16+$0x0], $0xffff  }
0xcf: {  	v30 =	vor.u32 v10, v31;
	_ =	sdelay $0x3  }
0xd0: {  	[tilespmem:$0x10880] =	vst v29  }
0xd1: {  	v29 =	vld.idx.msk [tilespmem:v30+s16+$0x0], $0xffff  }
0xd2: {  	v30 =	vor.u32 v11, v31;
	_ =	sdelay $0x3  }
0xd3: {  	[tilespmem:$0x10900] =	vst v29  }
0xd4: {  	v29 =	vld.idx.msk [tilespmem:v30+s16+$0x0], $0xffff  }
0xd5: {  	v30 =	vor.u32 v12, v31;
	_ =	sdelay $0x3  }
0xd6: {  	[tilespmem:$0x10980] =	vst v29  }
0xd7: {  	v29 =	vld.idx.msk [tilespmem:v30+s16+$0x0], $0xffff  }
0xd8: {  	v30 =	vor.u32 v13, v31;
	_ =	sdelay $0x3  }
0xd9: {  	[tilespmem:$0x10A00] =	vst v29  }
0xda: {  	v29 =	vld.idx.msk [tilespmem:v30+s16+$0x0], $0xffff  }
0xdb: {  	v30 =	vor.u32 v14, v31;
	_ =	sdelay $0x3  }
0xdc: {  	[tilespmem:$0x10A80] =	vst v29  }
0xdd: {  	v29 =	vld.idx.msk [tilespmem:v30+s16+$0x0], $0xffff  }
0xde: {  	v30 =	vor.u32 v15, v31;
	_ =	sdelay $0x3  }
0xdf: {  	[tilespmem:$0x10B00] =	vst v29  }
0xe0: {  	v29 =	vld.idx.msk [tilespmem:v30+s16+$0x0], $0xffff  }
0xe1: {  	v30 =	vor.u32 v16, v31;
	_ =	sdelay $0x3  }
0xe2: {  	[tilespmem:$0x10B80] =	vst v29  }
0xe3: {  	v29 =	vld.idx.msk [tilespmem:v30+s16+$0x0], $0xffff  }
0xe4: {  	v30 =	vor.u32 v17, v31;
	_ =	sdelay $0x3  }
0xe5: {  	[tilespmem:$0x10C00] =	vst v29  }
0xe6: {  	v29 =	vld.idx.msk [tilespmem:v30+s16+$0x0], $0xffff  }
0xe7: {  	v30 =	vor.u32 v18, v31;
	_ =	sdelay $0x3  }
0xe8: {  	[tilespmem:$0x10C80] =	vst v29  }
0xe9: {  	v29 =	vld.idx.msk [tilespmem:v30+s16+$0x0], $0xffff  }
0xea: {  	v30 =	vor.u32 v19, v31;
	_ =	sdelay $0x3  }
0xeb: {  	[tilespmem:$0x10D00] =	vst v29  }
0xec: {  	v29 =	vld.idx.msk [tilespmem:v30+s16+$0x0], $0xffff  }
0xed: {  	v30 =	vor.u32 v20, v31;
	_ =	sdelay $0x3  }
0xee: {  	[tilespmem:$0x10D80] =	vst v29  }
0xef: {  	v29 =	vld.idx.msk [tilespmem:v30+s16+$0x0], $0xffff  }
0xf0: {  	v30 =	vor.u32 v21, v31;
	_ =	sdelay $0x3  }
0xf1: {  	[tilespmem:$0x10E00] =	vst v29  }
0xf2: {  	v29 =	vld.idx.msk [tilespmem:v30+s16+$0x0], $0xffff  }
0xf3: {  	v30 =	vor.u32 v22, v31;
	_ =	sdelay $0x3  }
0xf4: {  	[tilespmem:$0x10E80] =	vst v29  }
0xf5: {  	v29 =	vld.idx.msk [tilespmem:v30+s16+$0x0], $0xffff  }
0xf6: {  	v30 =	vor.u32 v23, v31;
	_ =	sdelay $0x3  }
0xf7: {  	[tilespmem:$0x10F00] =	vst v29  }
0xf8: {  	v29 =	vld.idx.msk [tilespmem:v30+s16+$0x0], $0xffff  }
0xf9: {  	v30 =	vor.u32 v24, v31;
	_ =	sdelay $0x3  }
0xfa: {  	[tilespmem:$0x10F80] =	vst v29  }
0xfb: {  	v29 =	vld.idx.msk [tilespmem:v30+s16+$0x0], $0xffff  }
0xfc: {  	v30 =	vor.u32 v25, v31;
	_ =	sdelay $0x3  }
0xfd: {  	[tilespmem:$0x11000] =	vst v29  }
0xfe: {  	v29 =	vld.idx.msk [tilespmem:v30+s16+$0x0], $0xffff  }
0xff: {  	v30 =	vor.u32 v26, v31;
	_ =	sdelay $0x3  }
0x100: {  	[tilespmem:$0x11080] =	vst v29  }
0x101: {  	v29 =	vld.idx.msk [tilespmem:v30+s16+$0x0], $0xffff  }
0x102: {  	v30 =	vor.u32 v27, v31;
	_ =	sdelay $0x3  }
0x103: {  	[tilespmem:$0x11100] =	vst v29  }
0x104: {  	v29 =	vld.idx.msk [tilespmem:v30+s16+$0x0], $0xffff  }
0x105: {  	v30 =	vor.u32 v28, v31;
	_ =	sdelay $0x3  }
0x106: {  	[tilespmem:$0x11180] =	vst v29  }
0x107: {  	v29 =	vld.idx.msk [tilespmem:v30+s16+$0x0], $0xffff;
	v30 =	vor.u32 $0xE80, v0  }
0x108: {  	v63 =	vor.u32 v30, v31;
	_ =	sdelay $0x3  }
0x109: {  	[tilespmem:$0x11200] =	vst v29  }
0x10a: {  	(v2sf) =	vpush v62, $0x0;
	v29 =	vld.idx.msk [tilespmem:v63+s16+$0x0], $0xffff;
	v63 =	vor.u32 $0xF00, v0  }
0x10b: {  	v32 =	vor.u32 v63, v31;
	_ =	sdelay $0x2  }
0x10c: {  	(v2sf) =	vpush v62, $0x1  }
0x10d: {  	[tilespmem:$0x11280] =	vst v29  }
0x10e: {  	v29 =	vor.u32 $0xF80, v0;
	v32 =	vld.idx.msk [tilespmem:v32+s16+$0x0], $0xffff  }
0x10f: {  	v31 =	vor.u32 v29, v31  }
0x110: {  	(v2sf) =	vpush v62, $0x2;
	_ =	sdelay $0x2  }
0x111: {  	[tilespmem:$0x11300] =	vst v32  }
0x112: {  	(v2sf) =	vpush v62, $0x3;
	v31 =	vld.idx.msk [tilespmem:v31+s16+$0x0], $0xffff;
	_ =	sdelay $0x2  }
0x113: {  	s4 =	spop (v2sf)  }
0x114: {  	(v2sf) =	vpush v62, $0x4;
	s4 =	sand.u32 $0xFFFFF80, s4  }
0x115: {  	s4 =	sadd.s32 s2, s4;
	[tilespmem:$0x11380] =	vst v31  }
0x116: {  	[tilespmem:s16], [sflag:$0x2] =	stream.strided.gather [hbm4b:s4+s16], $0x1000, s15, s16, $0x38;
	[tilespmem:$0x11700] =	vst v63  }
0x117: {  	s4 =	spop (v2sf)  }
0x118: {  	(v2sf) =	vpush v62, $0x5;
	s4 =	sand.u32 $0xFFFFF80, s4  }
0x119: {  	s4 =	sadd.s32 s2, s4  }
0x11a: {  	[tilespmem:s17], [sflag:$0x2] =	stream.strided.gather [hbm4b:s4+s16], $0x1000, s15, s16, $0x38;
	[tilespmem:$0x11700] =	vst v63  }
0x11b: {  	s4 =	spop (v2sf)  }
0x11c: {  	(v2sf) =	vpush v62, $0x6;
	s4 =	sand.u32 $0xFFFFF80, s4  }
0x11d: {  	s4 =	sadd.s32 s2, s4  }
0x11e: {  	[tilespmem:s18], [sflag:$0x2] =	stream.strided.gather [hbm4b:s4+s16], $0x1000, s15, s16, $0x38;
	[tilespmem:$0x11700] =	vst v63  }
0x11f: {  	s4 =	spop (v2sf)  }
0x120: {  	(v2sf) =	vpush v62, $0x7;
	s4 =	sand.u32 $0xFFFFF80, s4  }
0x121: {  	s4 =	sadd.s32 s2, s4  }
0x122: {  	[tilespmem:s19], [sflag:$0x2] =	stream.strided.gather [hbm4b:s4+s16], $0x1000, s15, s16, $0x38;
	[tilespmem:$0x11700] =	vst v63  }
0x123: {  	s4 =	spop (v2sf)  }
0x124: {  	(v2sf) =	vpush v62, $0x8;
	s4 =	sand.u32 $0xFFFFF80, s4  }
0x125: {  	s4 =	sadd.s32 s2, s4  }
0x126: {  	[tilespmem:s20], [sflag:$0x2] =	stream.strided.gather [hbm4b:s4+s16], $0x1000, s15, s16, $0x38;
	[tilespmem:$0x11700] =	vst v63  }
0x127: {  	s4 =	spop (v2sf)  }
0x128: {  	(v2sf) =	vpush v62, $0x9;
	s4 =	sand.u32 $0xFFFFF80, s4  }
0x129: {  	s4 =	sadd.s32 s2, s4  }
0x12a: {  	[tilespmem:s21], [sflag:$0x2] =	stream.strided.gather [hbm4b:s4+s16], $0x1000, s15, s16, $0x38;
	[tilespmem:$0x11700] =	vst v63  }
0x12b: {  	s4 =	spop (v2sf)  }
0x12c: {  	(v2sf) =	vpush v62, $0xA;
	s4 =	sand.u32 $0xFFFFF80, s4  }
0x12d: {  	s4 =	sadd.s32 s2, s4  }
0x12e: {  	[tilespmem:s22], [sflag:$0x2] =	stream.strided.gather [hbm4b:s4+s16], $0x1000, s15, s16, $0x38;
	[tilespmem:$0x11700] =	vst v63  }
0x12f: {  	s4 =	spop (v2sf)  }
0x130: {  	(v2sf) =	vpush v62, $0xB;
	s4 =	sand.u32 $0xFFFFF80, s4  }
0x131: {  	s4 =	sadd.s32 s2, s4  }
0x132: {  	[tilespmem:s23], [sflag:$0x2] =	stream.strided.gather [hbm4b:s4+s16], $0x1000, s15, s16, $0x38;
	[tilespmem:$0x11700] =	vst v63  }
0x133: {  	s4 =	spop (v2sf)  }
0x134: {  	(v2sf) =	vpush v62, $0xC;
	s4 =	sand.u32 $0xFFFFF80, s4  }
0x135: {  	s4 =	sadd.s32 s2, s4  }
0x136: {  	[tilespmem:s24], [sflag:$0x2] =	stream.strided.gather [hbm4b:s4+s16], $0x1000, s15, s16, $0x38;
	[tilespmem:$0x11700] =	vst v63  }
0x137: {  	s4 =	spop (v2sf)  }
0x138: {  	(v2sf) =	vpush v62, $0xD;
	s4 =	sand.u32 $0xFFFFF80, s4  }
0x139: {  	s4 =	sadd.s32 s2, s4  }
0x13a: {  	[tilespmem:s25], [sflag:$0x2] =	stream.strided.gather [hbm4b:s4+s16], $0x1000, s15, s16, $0x38;
	[tilespmem:$0x11700] =	vst v63  }
0x13b: {  	s4 =	spop (v2sf)  }
0x13c: {  	(v2sf) =	vpush v62, $0xE;
	s4 =	sand.u32 $0xFFFFF80, s4  }
0x13d: {  	s4 =	sadd.s32 s2, s4  }
0x13e: {  	[tilespmem:s26], [sflag:$0x2] =	stream.strided.gather [hbm4b:s4+s16], $0x1000, s15, s16, $0x38;
	[tilespmem:$0x11700] =	vst v63  }
0x13f: {  	s4 =	spop (v2sf)  }
0x140: {  	(v2sf) =	vpush v62, $0xF;
	s4 =	sand.u32 $0xFFFFF80, s4  }
0x141: {  	s4 =	sadd.s32 s2, s4  }
0x142: {  	[tilespmem:s28], [sflag:$0x2] =	stream.strided.gather [hbm4b:s4+s16], $0x1000, s15, s16, $0x38;
	[tilespmem:$0x11700] =	vst v63  }
0x143: {  	s4 =	spop (v2sf)  }
0x144: {  	s4 =	sand.u32 $0xFFFFF80, s4  }
0x145: {  	s4 =	sadd.s32 s2, s4  }
0x146: {  	[tilespmem:s29], [sflag:$0x2] =	stream.strided.gather [hbm4b:s4+s16], $0x1000, s15, s16, $0x38;
	[tilespmem:$0x11700] =	vst v63  }
0x147: {  	s4 =	spop (v2sf)  }
0x148: {  	s4 =	sand.u32 $0xFFFFF80, s4  }
0x149: {  	s4 =	sadd.s32 s2, s4  }
0x14a: {  	[tilespmem:s30], [sflag:$0x2] =	stream.strided.gather [hbm4b:s4+s16], $0x1000, s15, s16, $0x38;
	[tilespmem:$0x11700] =	vst v63  }
0x14b: {  	s4 =	spop (v2sf)  }
0x14c: {  	s4 =	sand.u32 $0xFFFFF80, s4  }
0x14d: {  	s4 =	sadd.s32 s2, s4  }
0x14e: {  	[tilespmem:s31], [sflag:$0x2] =	stream.strided.gather [hbm4b:s4+s16], $0x1000, s15, s16, $0x38;
	[tilespmem:$0x11700] =	vst v63  }
0x14f: {  	s4 =	spop (v2sf)  }
0x150: {  	s4 =	sand.u32 $0xFFFFF80, s4  }
0x151: {  	s4 =	sadd.s32 s2, s4  }
0x152: {  	[tilespmem:s0], [sflag:$0x2] =	stream.strided.gather [hbm4b:s4+s16], $0x1000, s15, s16, $0x38;
	[tilespmem:$0x11700] =	vst v63  }
0x153: {  	_ =	swait.ge [sflag:s3], $0x1000  }
0x154: {  	[sflag:s3] =	ssyncset.done $0x0  }
0x155: {  	[sflag:s3] =	ssyncadd.s32 $0xFFFFF000  }
0x156: {  	_ =	swait.ge [sflag:s3], $0x1000  }
0x157: {  	[sflag:s3] =	ssyncset.done $0x0  }
0x158: {  	[sflag:s3] =	ssyncadd.s32 $0xFFFFF000  }
0x159: {  	_ =	swait.ge [sflag:s3], $0x1000  }
0x15a: {  	[sflag:s3] =	ssyncset.done $0x0  }
0x15b: {  	[sflag:s3] =	ssyncadd.s32 $0xFFFFF000  }
0x15c: {  	_ =	swait.ge [sflag:s3], $0x1000  }
0x15d: {  	[sflag:s3] =	ssyncset.done $0x0  }
0x15e: {  	[sflag:s3] =	ssyncadd.s32 $0xFFFFF000  }
0x15f: {  	_ =	swait.ge [sflag:s3], $0x1000  }
0x160: {  	[sflag:s3] =	ssyncset.done $0x0  }
0x161: {  	[sflag:s3] =	ssyncadd.s32 $0xFFFFF000  }
0x162: {  	_ =	swait.ge [sflag:s3], $0x1000  }
0x163: {  	[sflag:s3] =	ssyncset.done $0x0  }
0x164: {  	[sflag:s3] =	ssyncadd.s32 $0xFFFFF000  }
0x165: {  	_ =	swait.ge [sflag:s3], $0x1000  }
0x166: {  	[sflag:s3] =	ssyncset.done $0x0  }
0x167: {  	[sflag:s3] =	ssyncadd.s32 $0xFFFFF000  }
0x168: {  	_ =	swait.ge [sflag:s3], $0x1000  }
0x169: {  	[sflag:s3] =	ssyncset.done $0x0  }
0x16a: {  	[sflag:s3] =	ssyncadd.s32 $0xFFFFF000  }
0x16b: {  	_ =	swait.ge [sflag:s3], $0x1000  }
0x16c: {  	[sflag:s3] =	ssyncset.done $0x0  }
0x16d: {  	[sflag:s3] =	ssyncadd.s32 $0xFFFFF000  }
0x16e: {  	_ =	swait.ge [sflag:s3], $0x1000  }
0x16f: {  	[sflag:s3] =	ssyncset.done $0x0  }
0x170: {  	[sflag:s3] =	ssyncadd.s32 $0xFFFFF000  }
0x171: {  	_ =	swait.ge [sflag:s3], $0x1000  }
0x172: {  	[sflag:s3] =	ssyncset.done $0x0  }
0x173: {  	[sflag:s3] =	ssyncadd.s32 $0xFFFFF000  }
0x174: {  	_ =	swait.ge [sflag:s3], $0x1000  }
0x175: {  	[sflag:s3] =	ssyncset.done $0x0  }
0x176: {  	[sflag:s3] =	ssyncadd.s32 $0xFFFFF000  }
0x177: {  	_ =	swait.ge [sflag:s3], $0x1000  }
0x178: {  	[sflag:s3] =	ssyncset.done $0x0  }
0x179: {  	[sflag:s3] =	ssyncadd.s32 $0xFFFFF000  }
0x17a: {  	_ =	swait.ge [sflag:s3], $0x1000  }
0x17b: {  	[sflag:s3] =	ssyncset.done $0x0  }
0x17c: {  	[sflag:s3] =	ssyncadd.s32 $0xFFFFF000  }
0x17d: {  	v62 =	vand.u32 $0x7F, v62;
	_ =	swait.ge [sflag:s3], $0x1000  }
0x17e: {  	v31 =	vor.u32 v0, v62;
	[sflag:s3] =	ssyncset.done $0x0  }
0x17f: {  	[sflag:s3] =	ssyncadd.s32 $0xFFFFF000  }
0x180: {  	v42 =	vor.u32 v1, v62;
	_ =	swait.ge [sflag:s3], $0x1000  }
0x181: {  	[sflag:s3] =	ssyncset.done $0x0  }
0x182: {  	v41 =	vld [tilespmem:$0x1FF20];
	[sflag:s3] =	ssyncadd.s32 $0xFFFFF000  }
0x183: {  	v31 =	vld.idx.msk [tilespmem:v31+s16+$0x0], $0xffff  }
0x184: {  	v34 =	vld [tilespmem:$0x10400]  }
0x185: {  	v32 =	vld.idx.msk [tilespmem:v42+s16+$0x0], $0xffff  }
0x186: {  	v36 =	vld [tilespmem:$0x10480]  }
0x187: {  	v33 =	vor.u32 v2, v62  }
0x188: {  	v42 =	vld [tilespmem:$0x1FF30]  }
0x189: {  	v31 =	vmul.f32 v34, v31;
	_ =	sdelay $0x1  }
0x18a: {  	v32 =	vmul.f32 v36, v32;
	v31 =	vmul.f32 v31, v41  }
0x18b: {  	v33 =	vld.idx.msk [tilespmem:v33+s16+$0x0], $0xffff  }
0x18c: {  	v38 =	vld [tilespmem:$0x10500];
	v32 =	vmul.f32 v32, v42;
	v31 =	vadd.f32 v31, v59  }
0x18d: {  	v35 =	vor.u32 v3, v62  }
0x18e: {  	v31 =	vadd.f32 v32, v31;
	v32 =	vld [tilespmem:$0x1FF40];
	_ =	sdelay $0x2  }
0x18f: {  	v33 =	vmul.f32 v38, v33  }
0x190: {  	v34 =	vld.idx.msk [tilespmem:v35+s16+$0x0], $0xffff  }
0x191: {  	v35 =	vld [tilespmem:$0x10580];
	v32 =	vmul.f32 v33, v32  }
0x192: {  	v37 =	vor.u32 v4, v62  }
0x193: {  	v31 =	vadd.f32 v32, v31;
	v32 =	vld [tilespmem:$0x1FF50];
	_ =	sdelay $0x2  }
0x194: {  	v33 =	vmul.f32 v35, v34  }
0x195: {  	v36 =	vld.idx.msk [tilespmem:v37+s16+$0x0], $0xffff  }
0x196: {  	v37 =	vld [tilespmem:$0x10600];
	v32 =	vmul.f32 v33, v32  }
0x197: {  	v39 =	vor.u32 v5, v62  }
0x198: {  	v31 =	vadd.f32 v32, v31;
	v32 =	vld [tilespmem:$0x1FF60];
	_ =	sdelay $0x2  }
0x199: {  	v33 =	vmul.f32 v37, v36  }
0x19a: {  	v38 =	vld.idx.msk [tilespmem:v39+s16+$0x0], $0xffff  }
0x19b: {  	v39 =	vld [tilespmem:$0x10680];
	v32 =	vmul.f32 v33, v32  }
0x19c: {  	v40 =	vor.u32 v6, v62  }
0x19d: {  	v31 =	vadd.f32 v32, v31;
	v32 =	vld [tilespmem:$0x1FF70];
	_ =	sdelay $0x2  }
0x19e: {  	v33 =	vmul.f32 v39, v38  }
0x19f: {  	v34 =	vld.idx.msk [tilespmem:v40+s16+$0x0], $0xffff  }
0x1a0: {  	v35 =	vld [tilespmem:$0x10700];
	v32 =	vmul.f32 v33, v32  }
0x1a1: {  	v41 =	vor.u32 v7, v62  }
0x1a2: {  	v31 =	vadd.f32 v32, v31;
	v32 =	vld [tilespmem:$0x1FF80];
	_ =	sdelay $0x2  }
0x1a3: {  	v33 =	vmul.f32 v35, v34  }
0x1a4: {  	v36 =	vld.idx.msk [tilespmem:v41+s16+$0x0], $0xffff  }
0x1a5: {  	v37 =	vld [tilespmem:$0x10780];
	v32 =	vmul.f32 v33, v32  }
0x1a6: {  	v42 =	vor.u32 v8, v62  }
0x1a7: {  	v31 =	vadd.f32 v32, v31;
	v32 =	vld [tilespmem:$0x1FF90];
	_ =	sdelay $0x2  }
0x1a8: {  	v33 =	vmul.f32 v37, v36  }
0x1a9: {  	v38 =	vld.idx.msk [tilespmem:v42+s16+$0x0], $0xffff  }
0x1aa: {  	v39 =	vld [tilespmem:$0x10800];
	v32 =	vmul.f32 v33, v32  }
0x1ab: {  	v40 =	vor.u32 v9, v62  }
0x1ac: {  	v31 =	vadd.f32 v32, v31;
	v32 =	vld [tilespmem:$0x1FFA0];
	_ =	sdelay $0x2  }
0x1ad: {  	v33 =	vmul.f32 v39, v38  }
0x1ae: {  	v34 =	vld.idx.msk [tilespmem:v40+s16+$0x0], $0xffff  }
0x1af: {  	v35 =	vld [tilespmem:$0x10880];
	v32 =	vmul.f32 v33, v32  }
0x1b0: {  	v41 =	vor.u32 v10, v62  }
0x1b1: {  	v31 =	vadd.f32 v32, v31;
	v32 =	vld [tilespmem:$0x1FFB0];
	_ =	sdelay $0x2  }
0x1b2: {  	v33 =	vmul.f32 v35, v34  }
0x1b3: {  	v36 =	vld.idx.msk [tilespmem:v41+s16+$0x0], $0xffff  }
0x1b4: {  	v37 =	vld [tilespmem:$0x10900];
	v32 =	vmul.f32 v33, v32  }
0x1b5: {  	v42 =	vor.u32 v11, v62  }
0x1b6: {  	v31 =	vadd.f32 v32, v31;
	v32 =	vld [tilespmem:$0x1FFC0];
	_ =	sdelay $0x2  }
0x1b7: {  	v33 =	vmul.f32 v37, v36  }
0x1b8: {  	v38 =	vld.idx.msk [tilespmem:v42+s16+$0x0], $0xffff  }
0x1b9: {  	v39 =	vld [tilespmem:$0x10980];
	v32 =	vmul.f32 v33, v32  }
0x1ba: {  	v40 =	vor.u32 v12, v62  }
0x1bb: {  	v31 =	vadd.f32 v32, v31;
	v32 =	vld [tilespmem:$0x1FFD0];
	_ =	sdelay $0x2  }
0x1bc: {  	v33 =	vmul.f32 v39, v38  }
0x1bd: {  	v34 =	vld.idx.msk [tilespmem:v40+s16+$0x0], $0xffff  }
0x1be: {  	v41 =	vor.u32 v13, v62;
	v35 =	vld [tilespmem:$0x10A00];
	v32 =	vmul.f32 v33, v32;
	_ =	sdelay $0x1  }
0x1bf: {  	v42 =	vor.u32 v14, v62;
	v31 =	vadd.f32 v32, v31;
	v32 =	vld [tilespmem:$0x1FFE0];
	_ =	sdelay $0x2  }
0x1c0: {  	v40 =	vor.u32 v15, v62;
	v36 =	vld.idx.msk [tilespmem:v41+s16+$0x0], $0xffff;
	v33 =	vmul.f32 v35, v34  }
0x1c1: {  	v37 =	vld [tilespmem:$0x10A80]  }
0x1c2: {  	v41 =	vor.u32 v16, v62;
	v38 =	vld.idx.msk [tilespmem:v42+s16+$0x0], $0xffff;
	v32 =	vmul.f32 v33, v32  }
0x1c3: {  	v39 =	vld [tilespmem:$0x10B00]  }
0x1c4: {  	v42 =	vor.u32 v17, v62;
	v31 =	vadd.f32 v32, v31;
	v32 =	vld [tilespmem:$0x1FFF0]  }
0x1c5: {  	v34 =	vld.idx.msk [tilespmem:v40+s16+$0x0], $0xffff  }
0x1c6: {  	v35 =	vld [tilespmem:$0x10B80];
	v40 =	vor.u32 v18, v62  }
0x1c7: {  	v33 =	vmul.f32 v37, v36;
	v36 =	vld.idx.msk [tilespmem:v41+s16+$0x0], $0xffff  }
0x1c8: {  	v37 =	vld [tilespmem:$0x10C00];
	v41 =	vor.u32 v19, v62  }
0x1c9: {  	v32 =	vmul.f32 v33, v32;
	v33 =	vmul.f32 v39, v38;
	v38 =	vld.idx.msk [tilespmem:v42+s16+$0x0], $0xffff  }
0x1ca: {  	v39 =	vld [tilespmem:$0x10C80];
	v42 =	vor.u32 v20, v62  }
0x1cb: {  	v31 =	vadd.f32 v32, v31;
	v32 =	vmul.f32 v33, v43;
	v33 =	vmul.f32 v35, v34;
	v34 =	vld.idx.msk [tilespmem:v40+s16+$0x0], $0xffff  }
0x1cc: {  	v35 =	vld [tilespmem:$0x10D00];
	v40 =	vor.u32 v21, v62  }
0x1cd: {  	v31 =	vadd.f32 v32, v31;
	v32 =	vmul.f32 v33, v44;
	v33 =	vmul.f32 v37, v36;
	v36 =	vld.idx.msk [tilespmem:v41+s16+$0x0], $0xffff  }
0x1ce: {  	v37 =	vld [tilespmem:$0x10D80];
	v41 =	vor.u32 v22, v62  }
0x1cf: {  	v31 =	vadd.f32 v32, v31;
	v32 =	vmul.f32 v33, v45;
	v33 =	vmul.f32 v39, v38;
	v38 =	vld.idx.msk [tilespmem:v42+s16+$0x0], $0xffff  }
0x1d0: {  	v39 =	vld [tilespmem:$0x10E00];
	v42 =	vor.u32 v23, v62  }
0x1d1: {  	v31 =	vadd.f32 v32, v31;
	v32 =	vmul.f32 v33, v46;
	v33 =	vmul.f32 v35, v34;
	v34 =	vld.idx.msk [tilespmem:v40+s16+$0x0], $0xffff  }
0x1d2: {  	v35 =	vld [tilespmem:$0x10E80];
	v40 =	vor.u32 v24, v62  }
0x1d3: {  	v31 =	vadd.f32 v32, v31;
	v32 =	vmul.f32 v33, v47;
	v33 =	vmul.f32 v37, v36;
	v36 =	vld.idx.msk [tilespmem:v41+s16+$0x0], $0xffff  }
0x1d4: {  	v37 =	vld [tilespmem:$0x10F00];
	v41 =	vor.u32 v25, v62  }
0x1d5: {  	v31 =	vadd.f32 v32, v31;
	v32 =	vmul.f32 v33, v48;
	v33 =	vmul.f32 v39, v38;
	v38 =	vld.idx.msk [tilespmem:v42+s16+$0x0], $0xffff  }
0x1d6: {  	v39 =	vld [tilespmem:$0x10F80];
	v42 =	vor.u32 v26, v62  }
0x1d7: {  	v31 =	vadd.f32 v32, v31;
	v32 =	vmul.f32 v33, v49;
	v33 =	vmul.f32 v35, v34;
	v34 =	vld.idx.msk [tilespmem:v40+s16+$0x0], $0xffff  }
0x1d8: {  	v35 =	vld [tilespmem:$0x11000];
	v40 =	vor.u32 v27, v62  }
0x1d9: {  	v31 =	vadd.f32 v32, v31;
	v32 =	vmul.f32 v33, v50;
	v33 =	vmul.f32 v37, v36;
	v36 =	vld.idx.msk [tilespmem:v41+s16+$0x0], $0xffff  }
0x1da: {  	v37 =	vld [tilespmem:$0x11080];
	v41 =	vor.u32 v28, v62  }
0x1db: {  	v31 =	vadd.f32 v32, v31;
	v32 =	vmul.f32 v33, v51;
	v33 =	vmul.f32 v39, v38;
	v38 =	vld.idx.msk [tilespmem:v42+s16+$0x0], $0xffff  }
0x1dc: {  	v30 =	vor.u32 v30, v62;
	v39 =	vld [tilespmem:$0x11100]  }
0x1dd: {  	v31 =	vadd.f32 v32, v31;
	v32 =	vmul.f32 v33, v52;
	v33 =	vmul.f32 v35, v34;
	v34 =	vld.idx.msk [tilespmem:v40+s16+$0x0], $0xffff  }
0x1de: {  	v35 =	vld [tilespmem:$0x11180];
	v40 =	vor.u32 v63, v62  }
0x1df: {  	v63 =	vmul.f32 v37, v36;
	v36 =	vld.idx.msk [tilespmem:v41+s16+$0x0], $0xffff;
	v31 =	vadd.f32 v32, v31;
	v33 =	vmul.f32 v33, v53  }
0x1e0: {  	v29 =	vor.u32 v29, v62;
	v37 =	vld [tilespmem:$0x11200]  }
0x1e1: {  	v30 =	vld.idx.msk [tilespmem:v30+s16+$0x0], $0xffff;
	v32 =	vmul.f32 v63, v54;
	v41 =	vmul.f32 v39, v38;
	v31 =	vadd.f32 v33, v31  }
0x1e2: {  	v38 =	vld [tilespmem:$0x11280]  }
0x1e3: {  	v63 =	vld [tilespmem:$0x11300];
	v42 =	vmul.f32 v41, v55;
	v62 =	vmul.f32 v35, v34;
	v31 =	vadd.f32 v32, v31  }
0x1e4: {  	v34 =	vld.idx.msk [tilespmem:v40+s16+$0x0], $0xffff  }
0x1e5: {  	v29 =	vld.idx.msk [tilespmem:v29+s16+$0x0], $0xffff;
	v41 =	vmul.f32 v37, v36;
	v40 =	vmul.f32 v62, v56;
	v31 =	vadd.f32 v42, v31  }
0x1e6: {  	v42 =	vld [tilespmem:$0x11380]  }
0x1e7: {  	v30 =	vmul.f32 v38, v30;
	v62 =	vmul.f32 v41, v57;
	v31 =	vadd.f32 v40, v31;
	_ =	sdelay $0x1  }
0x1e8: {  	v63 =	vmul.f32 v63, v34;
	v30 =	vmul.f32 v30, v58;
	v31 =	vadd.f32 v62, v31;
	_ =	sdelay $0x1  }
0x1e9: {  	v29 =	vmul.f32 v42, v29;
	v30 =	vadd.f32 v30, v31;
	v31 =	vmul.f32 v63, v60  }
0x1ea: {  	p0 =	sne.s32 s13, $0x7C0  }
.Ltmp0:
0x1eb: {  	v29 =	vmul.f32 v29, v61;
	v30 =	vadd.f32 v31, v30;
	(pc) =	sbr.rel @p0 .LBB2_2-.Ltmp0, $3  }
0x1ec: {  	_ = 	snop  }
0x1ed: {  	v29 =	vadd.f32 v29, v30;
	_ =	sdelay $0x1  }
0x1ee: {  	s13 =	sadd.s32 $0x40, s13;
	[tilespmem:s14+$0x11500] =	vst v29  }
0x1ef: {  	s12 =	sadd.s32 $0x1, s12  }
0x1f0: {  	p0 =	sne.s32 s12, s10  }
.Ltmp1:
0x1f1: {  	s4 =	simm.s32 $0x11500;
	(pc) =	sbr.rel @p0 .LBB2_1-.Ltmp1, $4  }
0x1f2: {  	[hbm4b:s9+s6] =	stream.linear.scatter [tilespmem:s4], [sflag:$0x3], $0x200, $0x38;
	[tilespmem:$0x11700] =	vst v63  }
0x1f3: {  	_ =	swait.ge [sflag:s11], $0x200  }
0x1f4: {  	[sflag:s11] =	ssyncset.done $0x0  }
0x1f5: {  	[sflag:s11] =	ssyncadd.s32 $0xFFFFFE00  }
0x1f6: {  	_ =	sfence.sel $0x180000  }
0x1f7: {  	[bflag:$0x0] =	sbarrier.arrive $0xFFFF  }
0x1f8: {  	_ =	strace $0x90000047  }
0x1f9: {  	s0 =	stileid.u32;
	[bflag:$0x2] =	sbarrier.arrive $0xFFFF  }
0x1fa: {  	p0 =	sne.s32 s0, $0x0;
	s0 =	rddreg [dreg:$0x7]  }
0x1fb: {  	s0 =	sadd.s32 @!p0 $0x100000, s0  }
0x1fc: {  	[sflag:s0] =	ssyncadd.tile.s32 @!p0 $0x1;
	_ =	shalt  }
.Lfunc_end2:
_tile_overlayer_lowered:
.L_overlay_start_2:
0x1fd: {  	(tag) =	ssettag $0x2  }
0x1fe: {  	s0 =	rddreg [dreg:$0x0];
	s2 =	stileid.u32  }
0x1ff: {  	s1 =	rddreg [dreg:$0x1];
	p0 =	sne.s32 s2, $0x0  }
0x200: {  	s3 =	rddreg [dreg:$0x2];
	[bflag:$0x3] =	sbarrier.arrive $0xFFFF;
	s2 =	simm.s32 @!p0 $0x1C03  }
0x201: {  	[timem:s3], [sflag:s2] =	dma.local @!p0 [hbm:s0], s1  }
0x202: {  	s0 =	simm.s32 @!p0 $0x3  }
0x203: {  	_ =	swait.ge @!p0 [sflag:s0], s1  }
0x204: {  	s1 =	ssub.s32 @!p0 $0x0, s1;
	[sflag:s0] =	ssyncset.done @!p0 $0x0  }
0x205: {  	[sflag:s0] =	ssyncadd.s32 @!p0 s1  }
0x206: {  	[bflag:$0x3] =	sbarrier.arrive $0xFFFF  }
0x207: {  	_ =	shalt  }

</sc_bundles>
